<compile_context>
chip_gen: v7x
topology: tpu7x:2x2x1
jax: 0.10.2.dev20260603
libtpu: 0.0.44.dev20260713+nightly
codegen_flags: <defaults>
</compile_context>

<pallas_src>
import functools

import jax
import jax.numpy as jnp
from jax.experimental import pallas as pl
from jax.experimental.pallas import tpu as pltpu
from jax.experimental.pallas import tpu_sc as plsc

_NUM_CLUSTERS = 1000
_ROWS = _NUM_CLUSTERS + 1
_EMB = 128
_GW = 128


def _sc_gather(tables, idx_ltb, B, T, L):
    mesh = plsc.VectorSubcoreMesh(core_axis_name="c", subcore_axis_name="s")
    nb = B // _GW

    @functools.partial(
        pl.kernel,
        out_type=jax.ShapeDtypeStruct((T, L, B, _EMB), jnp.float32),
        mesh=mesh,
        scratch_types=[pltpu.VMEM_SHARED((_ROWS, _EMB), jnp.float32)] * L,
    )
    def k(*refs):
        w_hbms = refs[:L]
        idx_hbm, out_hbm = refs[L], refs[L + 1]
        tables_sh = refs[L + 2:]
        sid = jax.lax.axis_index("s")

        @pl.when(sid == 0)
        def _():
            for l in range(L):
                pltpu.sync_copy(w_hbms[l], tables_sh[l])

        plsc.subcore_barrier()

        for l in range(L):
            table_sh = tables_sh[l]

            def body(i_vmem, o_vmem, table_sh=table_sh):
                pltpu.sync_copy(table_sh.at[i_vmem.at[0, 0]], o_vmem.at[0, 0])

            pltpu.emit_pipeline(
                body,
                grid=(T * nb,),
                in_specs=[
                    pl.BlockSpec(
                        (1, 1, _GW),
                        index_map=lambda i, l=l: (l, i // nb, i % nb),
                    )
                ],
                out_specs=[
                    pl.BlockSpec(
                        (1, 1, _GW, _EMB),
                        index_map=lambda i, l=l: (i // nb, l, i % nb, 0),
                    )
                ],
                core_axis_name=("c", "s"),
                dimension_semantics=(pltpu.PARALLEL,),
            )(idx_hbm, out_hbm)

    return k(*tables, idx_ltb)


def kernel(x, W0, W1, W2):
    B, T, L = x.shape
    idx_ltb = jnp.transpose(x, (2, 1, 0))
    out = _sc_gather((W0, W1, W2), idx_ltb, B, T, L)
    return jnp.transpose(out, (2, 0, 1, 3))

# --- scband reference (transcript-rebuilt; emitter-appended) ---
"""Pipeline reference for scband-embedding-layer-34437047779621 (READ-ONLY COPY).

The authoritative reference and input builder live on the scoring server;
editing this copy changes nothing except your own understanding.
"""

import jax, jax.numpy as jnp
import numpy as np

NUM_CLUSTERS = 1000
EMB_DIM = 128
NUM_LAYERS = 3
LAYER_NUM = [0, 0, 0]  # ssl_layer_ids kept in SSL_layers; offsets = layer_num * num_clusters
PAD_INDEX = 0
B, T = 4096, 50


def setup_inputs(seed: int = 0) -> dict:
    key = jax.random.key(seed)
    kx, k0, k1, k2 = jax.random.split(key, 4)
    x = jax.random.randint(kx, (B, T, NUM_LAYERS), 0, 1000, dtype=jnp.int32)
    # one embedding table per selected SSL layer: (num_clusters + 1, emb_dim), padding row zeroed
    W0 = jax.random.normal(k0, (NUM_CLUSTERS + 1, EMB_DIM), dtype=jnp.float32) * 0.02
    W1 = jax.random.normal(k1, (NUM_CLUSTERS + 1, EMB_DIM), dtype=jnp.float32) * 0.02
    W2 = jax.random.normal(k2, (NUM_CLUSTERS + 1, EMB_DIM), dtype=jnp.float32) * 0.02
    W0 = W0.at[PAD_INDEX].set(0.0)
    W1 = W1.at[PAD_INDEX].set(0.0)
    W2 = W2.at[PAD_INDEX].set(0.0)
    return {"x": x, "W0": W0, "W1": W1, "W2": W2}


def reference(x, W0, W1, W2):
    tables = [W0, W1, W2]
    embeddings_list = []
    for i in range(NUM_LAYERS):
        idx = x[:, :, i] - LAYER_NUM[i] * NUM_CLUSTERS
        embeddings_list.append(jnp.take(tables[i], idx, axis=0))
    embeddings = jnp.stack(embeddings_list, axis=-2)  # [B, T, NUM_LAYERS, EMB_DIM]
    return embeddings

if __name__ == "__main__":
    import jax
    _d = setup_inputs()
    print(jax.jit(kernel)(*tuple(_d.values())))

</pallas_src>

<mosaic_0001>
#map = affine_map<(d0, d1) -> (0, 0)>
#map1 = affine_map<(d0, d1) -> (0, 0, 0)>
#map2 = affine_map<(d0, d1) -> (0, 0, 0, 0)>
module attributes {stable_mosaic.version = 14 : i64} {
  func.func @k(%arg0: i32, %arg1: i32, %arg2: memref<1001x128xf32, #tpu.memory_space<hbm>>, %arg3: memref<1001x128xf32, #tpu.memory_space<hbm>>, %arg4: memref<1001x128xf32, #tpu.memory_space<hbm>>, %arg5: memref<3x50x4096xi32, #tpu.memory_space<hbm>>, %arg6: memref<50x3x4096x128xf32, #tpu.memory_space<hbm>>, %arg7: memref<1001x128xf32, #tpu.memory_space<vmem_shared>>, %arg8: memref<1001x128xf32, #tpu.memory_space<vmem_shared>>, %arg9: memref<1001x128xf32, #tpu.memory_space<vmem_shared>>) attributes {dimension_semantics = [#tpu.dimension_semantics<core_parallel>, #tpu.dimension_semantics<subcore_parallel>], iteration_bounds = array<i64: 2, 16>, scalar_prefetch = 0 : i64, scratch_operands = 3 : i64, tpu.core_type = #tpu.core_type<sc_vector_subcore>, window_params = [{transform_indices = #map}, {transform_indices = #map}, {transform_indices = #map}, {transform_indices = #map1}, {transform_indices = #map2}]} {
    %eq3A = arith.constant 0 : i32
    %eq3A_0 = arith.cmpi eq, %arg1, %eq3A : i32
    %convert_element_type3A = arith.extui %eq3A_0 : i1 to i32
    %cond3A = arith.constant 0 : i32
    %cond3A_1 = arith.cmpi ne, %convert_element_type3A, %cond3A : i32
    scf.if %cond3A_1 {
      "tpu.region"() ({
        %run_scoped3A = tpu.sem_alloc : memref<!tpu.dma_semaphore, #tpu.memory_space<semaphore_mem>>
        tpu.enqueue_dma source(%arg2 : memref<1001x128xf32, #tpu.memory_space<hbm>>) target(%arg7 : memref<1001x128xf32, #tpu.memory_space<vmem_shared>>) target_semaphore(%run_scoped3A : memref<!tpu.dma_semaphore, #tpu.memory_space<semaphore_mem>>)
        tpu.wait_dma2 semaphore(%run_scoped3A : memref<!tpu.dma_semaphore, #tpu.memory_space<semaphore_mem>>) src(%arg2 : memref<1001x128xf32, #tpu.memory_space<hbm>>) dst(%arg7 : memref<1001x128xf32, #tpu.memory_space<vmem_shared>>)
        tpu.yield
      }) : () -> ()
      "tpu.region"() ({
        %run_scoped3A = tpu.sem_alloc : memref<!tpu.dma_semaphore, #tpu.memory_space<semaphore_mem>>
        tpu.enqueue_dma source(%arg3 : memref<1001x128xf32, #tpu.memory_space<hbm>>) target(%arg8 : memref<1001x128xf32, #tpu.memory_space<vmem_shared>>) target_semaphore(%run_scoped3A : memref<!tpu.dma_semaphore, #tpu.memory_space<semaphore_mem>>)
        tpu.wait_dma2 semaphore(%run_scoped3A : memref<!tpu.dma_semaphore, #tpu.memory_space<semaphore_mem>>) src(%arg3 : memref<1001x128xf32, #tpu.memory_space<hbm>>) dst(%arg8 : memref<1001x128xf32, #tpu.memory_space<vmem_shared>>)
        tpu.yield
      }) : () -> ()
      "tpu.region"() ({
        %run_scoped3A = tpu.sem_alloc : memref<!tpu.dma_semaphore, #tpu.memory_space<semaphore_mem>>
        tpu.enqueue_dma source(%arg4 : memref<1001x128xf32, #tpu.memory_space<hbm>>) target(%arg9 : memref<1001x128xf32, #tpu.memory_space<vmem_shared>>) target_semaphore(%run_scoped3A : memref<!tpu.dma_semaphore, #tpu.memory_space<semaphore_mem>>)
        tpu.wait_dma2 semaphore(%run_scoped3A : memref<!tpu.dma_semaphore, #tpu.memory_space<semaphore_mem>>) src(%arg4 : memref<1001x128xf32, #tpu.memory_space<hbm>>) dst(%arg9 : memref<1001x128xf32, #tpu.memory_space<vmem_shared>>)
        tpu.yield
      }) : () -> ()
    } else {
    }
    %barrier3A = arith.constant 0 : index
    tpu.barrier barrier_id(%barrier3A)
    %mul3A = arith.constant 1 : i32
    %mul3A_2 = arith.muli %arg1, %mul3A : i32
    %add3A = arith.constant 0 : i32
    %add3A_3 = arith.addi %add3A, %mul3A_2 : i32
    %mul3A_4 = arith.constant 16 : i32
    %mul3A_5 = arith.muli %arg0, %mul3A_4 : i32
    %add3A_6 = arith.addi %add3A_3, %mul3A_5 : i32
    %mul3A_7 = arith.constant 50 : i32
    %mul3A_8 = arith.muli %add3A_6, %mul3A_7 : i32
    "tpu.region"() ({
      %run_scoped3A = memref.alloca() : memref<2x1x1x128xi32, #tpu.memory_space<vmem>>
      %run_scoped3A_27 = tpu.sem_alloc : memref<2x!tpu.dma_semaphore, #tpu.memory_space<semaphore_mem>>
      %run_scoped3A_28 = memref.alloca() : memref<2x1x1x128x128xf32, #tpu.memory_space<vmem>>
      %run_scoped3A_29 = tpu.sem_alloc : memref<2x!tpu.dma_semaphore, #tpu.memory_space<semaphore_mem>>
      %add3A_30 = arith.constant 0 : i32
      %add3A_31 = arith.addi %add3A_30, %mul3A_8 : i32
      %select_n3A = arith.constant true
      %select_n3A_32 = arith.constant 0 : i32
      %select_n3A_33 = arith.constant -1 : i32
      %select_n3A_34 = arith.select %select_n3A, %select_n3A_33, %select_n3A_32 : i32
      %eq3A_35 = arith.constant -1 : i32
      %eq3A_36 = arith.cmpi eq, %select_n3A_34, %eq3A_35 : i32
      %select_n3A_37 = arith.constant 49 : i32
      %select_n3A_38 = arith.select %eq3A_36, %select_n3A_37, %select_n3A_34 : i32
      %add3A_39 = arith.addi %select_n3A_38, %mul3A_8 : i32
      %select_n3A_40 = arith.constant true
      %select_n3A_41 = arith.constant 0 : i32
      %select_n3A_42 = arith.constant 1 : i32
      %select_n3A_43 = arith.select %select_n3A_40, %select_n3A_42, %select_n3A_41 : i32
      %eq3A_44 = arith.constant 50 : i32
      %eq3A_45 = arith.cmpi eq, %select_n3A_43, %eq3A_44 : i32
      %select_n3A_46 = arith.constant 0 : i32
      %select_n3A_47 = arith.select %eq3A_45, %select_n3A_46, %select_n3A_43 : i32
      %add3A_48 = arith.addi %select_n3A_47, %mul3A_8 : i32
      %add3A_49 = arith.constant 1 : i32
      %add3A_50 = arith.addi %select_n3A_47, %add3A_49 : i32
      %select_n3A_51 = arith.constant true
      %select_n3A_52 = arith.select %select_n3A_51, %add3A_50, %select_n3A_47 : i32
      %eq3A_53 = arith.constant 50 : i32
      %eq3A_54 = arith.cmpi eq, %select_n3A_52, %eq3A_53 : i32
      %select_n3A_55 = arith.constant 0 : i32
      %select_n3A_56 = arith.select %eq3A_54, %select_n3A_55, %select_n3A_52 : i32
      %add3A_57 = arith.addi %select_n3A_56, %mul3A_8 : i32
      "tpu.trace_start"() <{level = 10 : i32, message = "ep_initialize_0"}> : () -> ()
      %rem3A = arith.constant 0 : i32
      %rem3A_58 = arith.constant 2 : i32
      %rem3A_59 = arith.remui %rem3A, %rem3A_58 : i32
      %jit3A = arith.constant 32 : i32
      %div3A = arith.divsi %add3A_31, %jit3A : i32
      %sign3A = arith.constant 0 : i32
      %sign3A_60 = arith.cmpi sgt, %add3A_31, %sign3A : i32
      %sign3A_61 = arith.extui %sign3A_60 : i1 to i32
      %sign3A_62 = arith.constant 0 : i32
      %sign3A_63 = arith.cmpi slt, %add3A_31, %sign3A_62 : i32
      %sign3A_64 = arith.extui %sign3A_63 : i1 to i32
      %sign3A_65 = arith.subi %sign3A_61, %sign3A_64 : i32
      %sign3A_66 = arith.constant 0 : i32
      %sign3A_67 = arith.cmpi sgt, %jit3A, %sign3A_66 : i32
      %sign3A_68 = arith.extui %sign3A_67 : i1 to i32
      %sign3A_69 = arith.constant 0 : i32
      %sign3A_70 = arith.cmpi slt, %jit3A, %sign3A_69 : i32
      %sign3A_71 = arith.extui %sign3A_70 : i1 to i32
      %sign3A_72 = arith.subi %sign3A_68, %sign3A_71 : i32
      %ne3A = arith.cmpi ne, %sign3A_65, %sign3A_72 : i32
      %rem3A_73 = arith.remsi %add3A_31, %jit3A : i32
      %ne3A_74 = arith.constant 0 : i32
      %ne3A_75 = arith.cmpi ne, %rem3A_73, %ne3A_74 : i32
      %and3A = arith.andi %ne3A, %ne3A_75 : i1
      %sub3A = arith.constant 1 : i32
      %sub3A_76 = arith.subi %div3A, %sub3A : i32
      %select_n3A_77 = arith.select %and3A, %sub3A_76, %div3A : i32
      %jit3A_78 = arith.constant 32 : i32
      %eq3A_79 = arith.constant 0 : i32
      %eq3A_80 = arith.cmpi eq, %jit3A_78, %eq3A_79 : i32
      %jit3A_81 = arith.constant 1 : i32
      %select_n3A_82 = arith.select %eq3A_80, %jit3A_81, %jit3A_78 : i32
      %rem3A_83 = arith.remsi %add3A_31, %select_n3A_82 : i32
      %ne3A_84 = arith.constant 0 : i32
      %ne3A_85 = arith.cmpi ne, %rem3A_83, %ne3A_84 : i32
      %lt3A = arith.constant 0 : i32
      %lt3A_86 = arith.cmpi slt, %rem3A_83, %lt3A : i32
      %lt3A_87 = arith.constant 0 : i32
      %lt3A_88 = arith.cmpi slt, %select_n3A_82, %lt3A_87 : i32
      %ne3A_89 = arith.xori %lt3A_86, %lt3A_88 : i1
      %and3A_90 = arith.andi %ne3A_89, %ne3A_85 : i1
      %add3A_91 = arith.addi %rem3A_83, %select_n3A_82 : i32
      %select_n3A_92 = arith.select %and3A_90, %add3A_91, %rem3A_83 : i32
      %mul3A_93 = arith.constant 1 : i32
      %mul3A_94 = arith.muli %mul3A_93, %select_n3A_77 : i32
      %mul3A_95 = arith.constant 128 : i32
      %mul3A_96 = arith.muli %mul3A_95, %select_n3A_92 : i32
      %dma_start3A = arith.constant 0 : i32
      %dma_start3A_97 = arith.constant 0 : i32
      %dma_start3A_98 = arith.constant 0 : i32
      %dma_start3A_99 = tpu.memref_slice %run_scoped3A[%rem3A_59, %dma_start3A, %dma_start3A_97, %dma_start3A_98] : memref<2x1x1x128xi32, #tpu.memory_space<vmem>> -> memref<1x1x1x128xi32, #tpu.memory_space<vmem>>
      %dma_start3A_100 = tpu.memref_squeeze %dma_start3A_99 : memref<1x1x1x128xi32, #tpu.memory_space<vmem>> -> memref<1x1x128xi32, #tpu.memory_space<vmem>>
      %dma_start3A_101 = arith.constant 0 : i32
      %dma_start3A_102 = tpu.memref_slice %arg5[%dma_start3A_101, %mul3A_94, %mul3A_96] : memref<3x50x4096xi32, #tpu.memory_space<hbm>> -> memref<1x1x128xi32, #tpu.memory_space<hbm>>
      %dma_start3A_103 = tpu.memref_slice %run_scoped3A_27[%rem3A_59] : memref<2x!tpu.dma_semaphore, #tpu.memory_space<semaphore_mem>> -> memref<1x!tpu.dma_semaphore, #tpu.memory_space<semaphore_mem>>
      %dma_start3A_104 = tpu.memref_squeeze %dma_start3A_103 : memref<1x!tpu.dma_semaphore, #tpu.memory_space<semaphore_mem>> -> memref<!tpu.dma_semaphore, #tpu.memory_space<semaphore_mem>>
      %dma_start3A_105 = arith.constant 0 : i32
      %dma_start3A_106 = arith.constant 0 : i32
      %dma_start3A_107 = arith.constant 0 : i32
      %dma_start3A_108 = tpu.memref_slice %run_scoped3A[%rem3A_59, %dma_start3A_105, %dma_start3A_106, %dma_start3A_107] : memref<2x1x1x128xi32, #tpu.memory_space<vmem>> -> memref<1x1x1x128xi32, #tpu.memory_space<vmem>>
      %dma_start3A_109 = tpu.memref_squeeze %dma_start3A_108 : memref<1x1x1x128xi32, #tpu.memory_space<vmem>> -> memref<1x1x128xi32, #tpu.memory_space<vmem>>
      %dma_start3A_110 = arith.constant 0 : i32
      %dma_start3A_111 = tpu.memref_slice %arg5[%dma_start3A_110, %mul3A_94, %mul3A_96] : memref<3x50x4096xi32, #tpu.memory_space<hbm>> -> memref<1x1x128xi32, #tpu.memory_space<hbm>>
      tpu.enqueue_dma source(%dma_start3A_111 : memref<1x1x128xi32, #tpu.memory_space<hbm>>) target(%dma_start3A_109 : memref<1x1x128xi32, #tpu.memory_space<vmem>>) target_semaphore(%dma_start3A_104 : memref<!tpu.dma_semaphore, #tpu.memory_space<semaphore_mem>>)
      %add3A_112 = arith.constant 0 : i32
      %add3A_113 = arith.constant 1 : i32
      %add3A_114 = arith.addi %add3A_112, %add3A_113 : i32
      %select_n3A_115 = arith.constant true
      %select_n3A_116 = arith.constant 0 : i32
      %select_n3A_117 = arith.select %select_n3A_115, %add3A_114, %select_n3A_116 : i32
      "tpu.trace_stop"() : () -> ()
      %scan3A = arith.constant 0 : i32
      %scan3A_118 = arith.constant 0 : i32
      %scan3A_119 = arith.constant 0 : i32
      %scan3A_120 = arith.constant 0 : i32
      %scan3A_121 = arith.constant 0 : i32
      %scan3A_122 = arith.constant 50 : i32
      %scan3A_123 = arith.addi %scan3A_121, %scan3A_122 : i32
      %scan3A_124 = arith.constant 1 : i32
      %scan3A_125:5 = scf.for %scan3A_228 = %scan3A_121 to %scan3A_123 step %scan3A_124 iter_args(%scan3A_229 = %select_n3A_117, %scan3A_230 = %scan3A, %scan3A_231 = %scan3A_118, %scan3A_232 = %scan3A_119, %scan3A_233 = %scan3A_120) -> (i32, i32, i32, i32, i32)  : i32 {
        %eq3A_234 = arith.constant 0 : i32
        %eq3A_235 = arith.cmpi eq, %scan3A_228, %eq3A_234 : i32
        %eq3A_236 = arith.constant 49 : i32
        %eq3A_237 = arith.cmpi eq, %scan3A_228, %eq3A_236 : i32
        %add3A_238 = arith.addi %scan3A_233, %mul3A_8 : i32
        %sub3A_239 = arith.constant 1 : i32
        %sub3A_240 = arith.subi %scan3A_233, %sub3A_239 : i32
        %select_n3A_241 = arith.constant true
        %select_n3A_242 = arith.select %select_n3A_241, %sub3A_240, %scan3A_233 : i32
        %eq3A_243 = arith.constant -1 : i32
        %eq3A_244 = arith.cmpi eq, %select_n3A_242, %eq3A_243 : i32
        %select_n3A_245 = arith.constant 49 : i32
        %select_n3A_246 = arith.select %eq3A_244, %select_n3A_245, %select_n3A_242 : i32
        %add3A_247 = arith.addi %select_n3A_246, %mul3A_8 : i32
        %add3A_248 = arith.constant 1 : i32
        %add3A_249 = arith.addi %scan3A_233, %add3A_248 : i32
        %select_n3A_250 = arith.constant true
        %select_n3A_251 = arith.select %select_n3A_250, %add3A_249, %scan3A_233 : i32
        %eq3A_252 = arith.constant 50 : i32
        %eq3A_253 = arith.cmpi eq, %select_n3A_251, %eq3A_252 : i32
        %select_n3A_254 = arith.constant 0 : i32
        %select_n3A_255 = arith.select %eq3A_253, %select_n3A_254, %select_n3A_251 : i32
        %add3A_256 = arith.addi %select_n3A_255, %mul3A_8 : i32
        %add3A_257 = arith.constant 1 : i32
        %add3A_258 = arith.addi %select_n3A_255, %add3A_257 : i32
        %select_n3A_259 = arith.constant true
        %select_n3A_260 = arith.select %select_n3A_259, %add3A_258, %select_n3A_255 : i32
        %eq3A_261 = arith.constant 50 : i32
        %eq3A_262 = arith.cmpi eq, %select_n3A_260, %eq3A_261 : i32
        %select_n3A_263 = arith.constant 0 : i32
        %select_n3A_264 = arith.select %eq3A_262, %select_n3A_263, %select_n3A_260 : i32
        %add3A_265 = arith.addi %select_n3A_264, %mul3A_8 : i32
        %jit3A_266 = arith.constant 32 : i32
        %div3A_267 = arith.divsi %add3A_238, %jit3A_266 : i32
        %sign3A_268 = arith.constant 0 : i32
        %sign3A_269 = arith.cmpi sgt, %add3A_238, %sign3A_268 : i32
        %sign3A_270 = arith.extui %sign3A_269 : i1 to i32
        %sign3A_271 = arith.constant 0 : i32
        %sign3A_272 = arith.cmpi slt, %add3A_238, %sign3A_271 : i32
        %sign3A_273 = arith.extui %sign3A_272 : i1 to i32
        %sign3A_274 = arith.subi %sign3A_270, %sign3A_273 : i32
        %sign3A_275 = arith.constant 0 : i32
        %sign3A_276 = arith.cmpi sgt, %jit3A_266, %sign3A_275 : i32
        %sign3A_277 = arith.extui %sign3A_276 : i1 to i32
        %sign3A_278 = arith.constant 0 : i32
        %sign3A_279 = arith.cmpi slt, %jit3A_266, %sign3A_278 : i32
        %sign3A_280 = arith.extui %sign3A_279 : i1 to i32
        %sign3A_281 = arith.subi %sign3A_277, %sign3A_280 : i32
        %ne3A_282 = arith.cmpi ne, %sign3A_274, %sign3A_281 : i32
        %rem3A_283 = arith.remsi %add3A_238, %jit3A_266 : i32
        %ne3A_284 = arith.constant 0 : i32
        %ne3A_285 = arith.cmpi ne, %rem3A_283, %ne3A_284 : i32
        %and3A_286 = arith.andi %ne3A_282, %ne3A_285 : i1
        %sub3A_287 = arith.constant 1 : i32
        %sub3A_288 = arith.subi %div3A_267, %sub3A_287 : i32
        %select_n3A_289 = arith.select %and3A_286, %sub3A_288, %div3A_267 : i32
        %jit3A_290 = arith.constant 32 : i32
        %eq3A_291 = arith.constant 0 : i32
        %eq3A_292 = arith.cmpi eq, %jit3A_290, %eq3A_291 : i32
        %jit3A_293 = arith.constant 1 : i32
        %select_n3A_294 = arith.select %eq3A_292, %jit3A_293, %jit3A_290 : i32
        %rem3A_295 = arith.remsi %add3A_238, %select_n3A_294 : i32
        %ne3A_296 = arith.constant 0 : i32
        %ne3A_297 = arith.cmpi ne, %rem3A_295, %ne3A_296 : i32
        %lt3A_298 = arith.constant 0 : i32
        %lt3A_299 = arith.cmpi slt, %rem3A_295, %lt3A_298 : i32
        %lt3A_300 = arith.constant 0 : i32
        %lt3A_301 = arith.cmpi slt, %select_n3A_294, %lt3A_300 : i32
        %ne3A_302 = arith.xori %lt3A_299, %lt3A_301 : i1
        %and3A_303 = arith.andi %ne3A_302, %ne3A_297 : i1
        %add3A_304 = arith.addi %rem3A_295, %select_n3A_294 : i32
        %select_n3A_305 = arith.select %and3A_303, %add3A_304, %rem3A_295 : i32
        %jit3A_306 = arith.constant 32 : i32
        %div3A_307 = arith.divsi %add3A_256, %jit3A_306 : i32
        %sign3A_308 = arith.constant 0 : i32
        %sign3A_309 = arith.cmpi sgt, %add3A_256, %sign3A_308 : i32
        %sign3A_310 = arith.extui %sign3A_309 : i1 to i32
        %sign3A_311 = arith.constant 0 : i32
        %sign3A_312 = arith.cmpi slt, %add3A_256, %sign3A_311 : i32
        %sign3A_313 = arith.extui %sign3A_312 : i1 to i32
        %sign3A_314 = arith.subi %sign3A_310, %sign3A_313 : i32
        %sign3A_315 = arith.constant 0 : i32
        %sign3A_316 = arith.cmpi sgt, %jit3A_306, %sign3A_315 : i32
        %sign3A_317 = arith.extui %sign3A_316 : i1 to i32
        %sign3A_318 = arith.constant 0 : i32
        %sign3A_319 = arith.cmpi slt, %jit3A_306, %sign3A_318 : i32
        %sign3A_320 = arith.extui %sign3A_319 : i1 to i32
        %sign3A_321 = arith.subi %sign3A_317, %sign3A_320 : i32
        %ne3A_322 = arith.cmpi ne, %sign3A_314, %sign3A_321 : i32
        %rem3A_323 = arith.remsi %add3A_256, %jit3A_306 : i32
        %ne3A_324 = arith.constant 0 : i32
        %ne3A_325 = arith.cmpi ne, %rem3A_323, %ne3A_324 : i32
        %and3A_326 = arith.andi %ne3A_322, %ne3A_325 : i1
        %sub3A_327 = arith.constant 1 : i32
        %sub3A_328 = arith.subi %div3A_307, %sub3A_327 : i32
        %select_n3A_329 = arith.select %and3A_326, %sub3A_328, %div3A_307 : i32
        %jit3A_330 = arith.constant 32 : i32
        %eq3A_331 = arith.constant 0 : i32
        %eq3A_332 = arith.cmpi eq, %jit3A_330, %eq3A_331 : i32
        %jit3A_333 = arith.constant 1 : i32
        %select_n3A_334 = arith.select %eq3A_332, %jit3A_333, %jit3A_330 : i32
        %rem3A_335 = arith.remsi %add3A_256, %select_n3A_334 : i32
        %ne3A_336 = arith.constant 0 : i32
        %ne3A_337 = arith.cmpi ne, %rem3A_335, %ne3A_336 : i32
        %lt3A_338 = arith.constant 0 : i32
        %lt3A_339 = arith.cmpi slt, %rem3A_335, %lt3A_338 : i32
        %lt3A_340 = arith.constant 0 : i32
        %lt3A_341 = arith.cmpi slt, %select_n3A_334, %lt3A_340 : i32
        %ne3A_342 = arith.xori %lt3A_339, %lt3A_341 : i1
        %and3A_343 = arith.andi %ne3A_342, %ne3A_337 : i1
        %add3A_344 = arith.addi %rem3A_335, %select_n3A_334 : i32
        %select_n3A_345 = arith.select %and3A_343, %add3A_344, %rem3A_335 : i32
        %ne3A_346 = arith.cmpi ne, %select_n3A_289, %select_n3A_329 : i32
        %ne3A_347 = arith.cmpi ne, %select_n3A_305, %select_n3A_345 : i32
        %or3A = arith.constant false
        %or3A_348 = arith.ori %or3A, %ne3A_346 : i1
        %or3A_349 = arith.ori %or3A_348, %ne3A_347 : i1
        %ge3A = arith.constant 49 : i32
        %ge3A_350 = arith.cmpi sge, %scan3A_228, %ge3A : i32
        %not3A = arith.constant true
        %not3A_351 = arith.xori %ge3A_350, %not3A : i1
        %and3A_352 = arith.andi %or3A_349, %not3A_351 : i1
        %convert_element_type3A_353 = arith.extui %and3A_352 : i1 to i32
        %cond3A_354 = arith.constant 0 : i32
        %cond3A_355 = arith.cmpi ne, %convert_element_type3A_353, %cond3A_354 : i32
        scf.if %cond3A_355 {
          "tpu.trace_start"() <{level = 10 : i32, message = "ep_copy_in"}> : () -> ()
          %rem3A_1124 = arith.constant 2 : i32
          %rem3A_1125 = arith.remui %scan3A_229, %rem3A_1124 : i32
          %jit3A_1126 = arith.constant 32 : i32
          %div3A_1127 = arith.divsi %add3A_256, %jit3A_1126 : i32
          %sign3A_1128 = arith.constant 0 : i32
          %sign3A_1129 = arith.cmpi sgt, %add3A_256, %sign3A_1128 : i32
          %sign3A_1130 = arith.extui %sign3A_1129 : i1 to i32
          %sign3A_1131 = arith.constant 0 : i32
          %sign3A_1132 = arith.cmpi slt, %add3A_256, %sign3A_1131 : i32
          %sign3A_1133 = arith.extui %sign3A_1132 : i1 to i32
          %sign3A_1134 = arith.subi %sign3A_1130, %sign3A_1133 : i32
          %sign3A_1135 = arith.constant 0 : i32
          %sign3A_1136 = arith.cmpi sgt, %jit3A_1126, %sign3A_1135 : i32
          %sign3A_1137 = arith.extui %sign3A_1136 : i1 to i32
          %sign3A_1138 = arith.constant 0 : i32
          %sign3A_1139 = arith.cmpi slt, %jit3A_1126, %sign3A_1138 : i32
          %sign3A_1140 = arith.extui %sign3A_1139 : i1 to i32
          %sign3A_1141 = arith.subi %sign3A_1137, %sign3A_1140 : i32
          %ne3A_1142 = arith.cmpi ne, %sign3A_1134, %sign3A_1141 : i32
          %rem3A_1143 = arith.remsi %add3A_256, %jit3A_1126 : i32
          %ne3A_1144 = arith.constant 0 : i32
          %ne3A_1145 = arith.cmpi ne, %rem3A_1143, %ne3A_1144 : i32
          %and3A_1146 = arith.andi %ne3A_1142, %ne3A_1145 : i1
          %sub3A_1147 = arith.constant 1 : i32
          %sub3A_1148 = arith.subi %div3A_1127, %sub3A_1147 : i32
          %select_n3A_1149 = arith.select %and3A_1146, %sub3A_1148, %div3A_1127 : i32
          %jit3A_1150 = arith.constant 32 : i32
          %eq3A_1151 = arith.constant 0 : i32
          %eq3A_1152 = arith.cmpi eq, %jit3A_1150, %eq3A_1151 : i32
          %jit3A_1153 = arith.constant 1 : i32
          %select_n3A_1154 = arith.select %eq3A_1152, %jit3A_1153, %jit3A_1150 : i32
          %rem3A_1155 = arith.remsi %add3A_256, %select_n3A_1154 : i32
          %ne3A_1156 = arith.constant 0 : i32
          %ne3A_1157 = arith.cmpi ne, %rem3A_1155, %ne3A_1156 : i32
          %lt3A_1158 = arith.constant 0 : i32
          %lt3A_1159 = arith.cmpi slt, %rem3A_1155, %lt3A_1158 : i32
          %lt3A_1160 = arith.constant 0 : i32
          %lt3A_1161 = arith.cmpi slt, %select_n3A_1154, %lt3A_1160 : i32
          %ne3A_1162 = arith.xori %lt3A_1159, %lt3A_1161 : i1
          %and3A_1163 = arith.andi %ne3A_1162, %ne3A_1157 : i1
          %add3A_1164 = arith.addi %rem3A_1155, %select_n3A_1154 : i32
          %select_n3A_1165 = arith.select %and3A_1163, %add3A_1164, %rem3A_1155 : i32
          %mul3A_1166 = arith.constant 1 : i32
          %mul3A_1167 = arith.muli %mul3A_1166, %select_n3A_1149 : i32
          %mul3A_1168 = arith.constant 128 : i32
          %mul3A_1169 = arith.muli %mul3A_1168, %select_n3A_1165 : i32
          %dma_start3A_1170 = arith.constant 0 : i32
          %dma_start3A_1171 = arith.constant 0 : i32
          %dma_start3A_1172 = arith.constant 0 : i32
          %dma_start3A_1173 = tpu.memref_slice %run_scoped3A[%rem3A_1125, %dma_start3A_1170, %dma_start3A_1171, %dma_start3A_1172] : memref<2x1x1x128xi32, #tpu.memory_space<vmem>> -> memref<1x1x1x128xi32, #tpu.memory_space<vmem>>
          %dma_start3A_1174 = tpu.memref_squeeze %dma_start3A_1173 : memref<1x1x1x128xi32, #tpu.memory_space<vmem>> -> memref<1x1x128xi32, #tpu.memory_space<vmem>>
          %dma_start3A_1175 = arith.constant 0 : i32
          %dma_start3A_1176 = tpu.memref_slice %arg5[%dma_start3A_1175, %mul3A_1167, %mul3A_1169] : memref<3x50x4096xi32, #tpu.memory_space<hbm>> -> memref<1x1x128xi32, #tpu.memory_space<hbm>>
          %dma_start3A_1177 = tpu.memref_slice %run_scoped3A_27[%rem3A_1125] : memref<2x!tpu.dma_semaphore, #tpu.memory_space<semaphore_mem>> -> memref<1x!tpu.dma_semaphore, #tpu.memory_space<semaphore_mem>>
          %dma_start3A_1178 = tpu.memref_squeeze %dma_start3A_1177 : memref<1x!tpu.dma_semaphore, #tpu.memory_space<semaphore_mem>> -> memref<!tpu.dma_semaphore, #tpu.memory_space<semaphore_mem>>
          %dma_start3A_1179 = arith.constant 0 : i32
          %dma_start3A_1180 = arith.constant 0 : i32
          %dma_start3A_1181 = arith.constant 0 : i32
          %dma_start3A_1182 = tpu.memref_slice %run_scoped3A[%rem3A_1125, %dma_start3A_1179, %dma_start3A_1180, %dma_start3A_1181] : memref<2x1x1x128xi32, #tpu.memory_space<vmem>> -> memref<1x1x1x128xi32, #tpu.memory_space<vmem>>
          %dma_start3A_1183 = tpu.memref_squeeze %dma_start3A_1182 : memref<1x1x1x128xi32, #tpu.memory_space<vmem>> -> memref<1x1x128xi32, #tpu.memory_space<vmem>>
          %dma_start3A_1184 = arith.constant 0 : i32
          %dma_start3A_1185 = tpu.memref_slice %arg5[%dma_start3A_1184, %mul3A_1167, %mul3A_1169] : memref<3x50x4096xi32, #tpu.memory_space<hbm>> -> memref<1x1x128xi32, #tpu.memory_space<hbm>>
          tpu.enqueue_dma source(%dma_start3A_1185 : memref<1x1x128xi32, #tpu.memory_space<hbm>>) target(%dma_start3A_1183 : memref<1x1x128xi32, #tpu.memory_space<vmem>>) target_semaphore(%dma_start3A_1178 : memref<!tpu.dma_semaphore, #tpu.memory_space<semaphore_mem>>)
          "tpu.trace_stop"() : () -> ()
        } else {
        }
        %and3A_356 = arith.constant true
        %and3A_357 = arith.andi %and3A_352, %and3A_356 : i1
        %add3A_358 = arith.constant 1 : i32
        %add3A_359 = arith.addi %scan3A_229, %add3A_358 : i32
        %select_n3A_360 = arith.select %and3A_357, %add3A_359, %scan3A_229 : i32
        %jit3A_361 = arith.constant 32 : i32
        %div3A_362 = arith.divsi %add3A_238, %jit3A_361 : i32
        %sign3A_363 = arith.constant 0 : i32
        %sign3A_364 = arith.cmpi sgt, %add3A_238, %sign3A_363 : i32
        %sign3A_365 = arith.extui %sign3A_364 : i1 to i32
        %sign3A_366 = arith.constant 0 : i32
        %sign3A_367 = arith.cmpi slt, %add3A_238, %sign3A_366 : i32
        %sign3A_368 = arith.extui %sign3A_367 : i1 to i32
        %sign3A_369 = arith.subi %sign3A_365, %sign3A_368 : i32
        %sign3A_370 = arith.constant 0 : i32
        %sign3A_371 = arith.cmpi sgt, %jit3A_361, %sign3A_370 : i32
        %sign3A_372 = arith.extui %sign3A_371 : i1 to i32
        %sign3A_373 = arith.constant 0 : i32
        %sign3A_374 = arith.cmpi slt, %jit3A_361, %sign3A_373 : i32
        %sign3A_375 = arith.extui %sign3A_374 : i1 to i32
        %sign3A_376 = arith.subi %sign3A_372, %sign3A_375 : i32
        %ne3A_377 = arith.cmpi ne, %sign3A_369, %sign3A_376 : i32
        %rem3A_378 = arith.remsi %add3A_238, %jit3A_361 : i32
        %ne3A_379 = arith.constant 0 : i32
        %ne3A_380 = arith.cmpi ne, %rem3A_378, %ne3A_379 : i32
        %and3A_381 = arith.andi %ne3A_377, %ne3A_380 : i1
        %sub3A_382 = arith.constant 1 : i32
        %sub3A_383 = arith.subi %div3A_362, %sub3A_382 : i32
        %select_n3A_384 = arith.select %and3A_381, %sub3A_383, %div3A_362 : i32
        %jit3A_385 = arith.constant 32 : i32
        %eq3A_386 = arith.constant 0 : i32
        %eq3A_387 = arith.cmpi eq, %jit3A_385, %eq3A_386 : i32
        %jit3A_388 = arith.constant 1 : i32
        %select_n3A_389 = arith.select %eq3A_387, %jit3A_388, %jit3A_385 : i32
        %rem3A_390 = arith.remsi %add3A_238, %select_n3A_389 : i32
        %ne3A_391 = arith.constant 0 : i32
        %ne3A_392 = arith.cmpi ne, %rem3A_390, %ne3A_391 : i32
        %lt3A_393 = arith.constant 0 : i32
        %lt3A_394 = arith.cmpi slt, %rem3A_390, %lt3A_393 : i32
        %lt3A_395 = arith.constant 0 : i32
        %lt3A_396 = arith.cmpi slt, %select_n3A_389, %lt3A_395 : i32
        %ne3A_397 = arith.xori %lt3A_394, %lt3A_396 : i1
        %and3A_398 = arith.andi %ne3A_397, %ne3A_392 : i1
        %add3A_399 = arith.addi %rem3A_390, %select_n3A_389 : i32
        %select_n3A_400 = arith.select %and3A_398, %add3A_399, %rem3A_390 : i32
        %jit3A_401 = arith.constant 32 : i32
        %div3A_402 = arith.divsi %add3A_256, %jit3A_401 : i32
        %sign3A_403 = arith.constant 0 : i32
        %sign3A_404 = arith.cmpi sgt, %add3A_256, %sign3A_403 : i32
        %sign3A_405 = arith.extui %sign3A_404 : i1 to i32
        %sign3A_406 = arith.constant 0 : i32
        %sign3A_407 = arith.cmpi slt, %add3A_256, %sign3A_406 : i32
        %sign3A_408 = arith.extui %sign3A_407 : i1 to i32
        %sign3A_409 = arith.subi %sign3A_405, %sign3A_408 : i32
        %sign3A_410 = arith.constant 0 : i32
        %sign3A_411 = arith.cmpi sgt, %jit3A_401, %sign3A_410 : i32
        %sign3A_412 = arith.extui %sign3A_411 : i1 to i32
        %sign3A_413 = arith.constant 0 : i32
        %sign3A_414 = arith.cmpi slt, %jit3A_401, %sign3A_413 : i32
        %sign3A_415 = arith.extui %sign3A_414 : i1 to i32
        %sign3A_416 = arith.subi %sign3A_412, %sign3A_415 : i32
        %ne3A_417 = arith.cmpi ne, %sign3A_409, %sign3A_416 : i32
        %rem3A_418 = arith.remsi %add3A_256, %jit3A_401 : i32
        %ne3A_419 = arith.constant 0 : i32
        %ne3A_420 = arith.cmpi ne, %rem3A_418, %ne3A_419 : i32
        %and3A_421 = arith.andi %ne3A_417, %ne3A_420 : i1
        %sub3A_422 = arith.constant 1 : i32
        %sub3A_423 = arith.subi %div3A_402, %sub3A_422 : i32
        %select_n3A_424 = arith.select %and3A_421, %sub3A_423, %div3A_402 : i32
        %jit3A_425 = arith.constant 32 : i32
        %eq3A_426 = arith.constant 0 : i32
        %eq3A_427 = arith.cmpi eq, %jit3A_425, %eq3A_426 : i32
        %jit3A_428 = arith.constant 1 : i32
        %select_n3A_429 = arith.select %eq3A_427, %jit3A_428, %jit3A_425 : i32
        %rem3A_430 = arith.remsi %add3A_256, %select_n3A_429 : i32
        %ne3A_431 = arith.constant 0 : i32
        %ne3A_432 = arith.cmpi ne, %rem3A_430, %ne3A_431 : i32
        %lt3A_433 = arith.constant 0 : i32
        %lt3A_434 = arith.cmpi slt, %rem3A_430, %lt3A_433 : i32
        %lt3A_435 = arith.constant 0 : i32
        %lt3A_436 = arith.cmpi slt, %select_n3A_429, %lt3A_435 : i32
        %ne3A_437 = arith.xori %lt3A_434, %lt3A_436 : i1
        %and3A_438 = arith.andi %ne3A_437, %ne3A_432 : i1
        %add3A_439 = arith.addi %rem3A_430, %select_n3A_429 : i32
        %select_n3A_440 = arith.select %and3A_438, %add3A_439, %rem3A_430 : i32
        %ne3A_441 = arith.cmpi ne, %select_n3A_384, %select_n3A_424 : i32
        %ne3A_442 = arith.cmpi ne, %select_n3A_400, %select_n3A_440 : i32
        %or3A_443 = arith.constant false
        %or3A_444 = arith.ori %or3A_443, %ne3A_441 : i1
        %or3A_445 = arith.constant false
        %or3A_446 = arith.ori %or3A_444, %or3A_445 : i1
        %or3A_447 = arith.ori %or3A_446, %ne3A_442 : i1
        %or3A_448 = arith.constant false
        %or3A_449 = arith.ori %or3A_447, %or3A_448 : i1
        %ge3A_450 = arith.constant 49 : i32
        %ge3A_451 = arith.cmpi sge, %scan3A_228, %ge3A_450 : i32
        %not3A_452 = arith.constant true
        %not3A_453 = arith.xori %ge3A_451, %not3A_452 : i1
        %and3A_454 = arith.andi %or3A_449, %not3A_453 : i1
        %jit3A_455 = arith.constant 32 : i32
        %div3A_456 = arith.divsi %add3A_238, %jit3A_455 : i32
        %sign3A_457 = arith.constant 0 : i32
        %sign3A_458 = arith.cmpi sgt, %add3A_238, %sign3A_457 : i32
        %sign3A_459 = arith.extui %sign3A_458 : i1 to i32
        %sign3A_460 = arith.constant 0 : i32
        %sign3A_461 = arith.cmpi slt, %add3A_238, %sign3A_460 : i32
        %sign3A_462 = arith.extui %sign3A_461 : i1 to i32
        %sign3A_463 = arith.subi %sign3A_459, %sign3A_462 : i32
        %sign3A_464 = arith.constant 0 : i32
        %sign3A_465 = arith.cmpi sgt, %jit3A_455, %sign3A_464 : i32
        %sign3A_466 = arith.extui %sign3A_465 : i1 to i32
        %sign3A_467 = arith.constant 0 : i32
        %sign3A_468 = arith.cmpi slt, %jit3A_455, %sign3A_467 : i32
        %sign3A_469 = arith.extui %sign3A_468 : i1 to i32
        %sign3A_470 = arith.subi %sign3A_466, %sign3A_469 : i32
        %ne3A_471 = arith.cmpi ne, %sign3A_463, %sign3A_470 : i32
        %rem3A_472 = arith.remsi %add3A_238, %jit3A_455 : i32
        %ne3A_473 = arith.constant 0 : i32
        %ne3A_474 = arith.cmpi ne, %rem3A_472, %ne3A_473 : i32
        %and3A_475 = arith.andi %ne3A_471, %ne3A_474 : i1
        %sub3A_476 = arith.constant 1 : i32
        %sub3A_477 = arith.subi %div3A_456, %sub3A_476 : i32
        %select_n3A_478 = arith.select %and3A_475, %sub3A_477, %div3A_456 : i32
        %jit3A_479 = arith.constant 32 : i32
        %eq3A_480 = arith.constant 0 : i32
        %eq3A_481 = arith.cmpi eq, %jit3A_479, %eq3A_480 : i32
        %jit3A_482 = arith.constant 1 : i32
        %select_n3A_483 = arith.select %eq3A_481, %jit3A_482, %jit3A_479 : i32
        %rem3A_484 = arith.remsi %add3A_238, %select_n3A_483 : i32
        %ne3A_485 = arith.constant 0 : i32
        %ne3A_486 = arith.cmpi ne, %rem3A_484, %ne3A_485 : i32
        %lt3A_487 = arith.constant 0 : i32
        %lt3A_488 = arith.cmpi slt, %rem3A_484, %lt3A_487 : i32
        %lt3A_489 = arith.constant 0 : i32
        %lt3A_490 = arith.cmpi slt, %select_n3A_483, %lt3A_489 : i32
        %ne3A_491 = arith.xori %lt3A_488, %lt3A_490 : i1
        %and3A_492 = arith.andi %ne3A_491, %ne3A_486 : i1
        %add3A_493 = arith.addi %rem3A_484, %select_n3A_483 : i32
        %select_n3A_494 = arith.select %and3A_492, %add3A_493, %rem3A_484 : i32
        %jit3A_495 = arith.constant 32 : i32
        %div3A_496 = arith.divsi %add3A_247, %jit3A_495 : i32
        %sign3A_497 = arith.constant 0 : i32
        %sign3A_498 = arith.cmpi sgt, %add3A_247, %sign3A_497 : i32
        %sign3A_499 = arith.extui %sign3A_498 : i1 to i32
        %sign3A_500 = arith.constant 0 : i32
        %sign3A_501 = arith.cmpi slt, %add3A_247, %sign3A_500 : i32
        %sign3A_502 = arith.extui %sign3A_501 : i1 to i32
        %sign3A_503 = arith.subi %sign3A_499, %sign3A_502 : i32
        %sign3A_504 = arith.constant 0 : i32
        %sign3A_505 = arith.cmpi sgt, %jit3A_495, %sign3A_504 : i32
        %sign3A_506 = arith.extui %sign3A_505 : i1 to i32
        %sign3A_507 = arith.constant 0 : i32
        %sign3A_508 = arith.cmpi slt, %jit3A_495, %sign3A_507 : i32
        %sign3A_509 = arith.extui %sign3A_508 : i1 to i32
        %sign3A_510 = arith.subi %sign3A_506, %sign3A_509 : i32
        %ne3A_511 = arith.cmpi ne, %sign3A_503, %sign3A_510 : i32
        %rem3A_512 = arith.remsi %add3A_247, %jit3A_495 : i32
        %ne3A_513 = arith.constant 0 : i32
        %ne3A_514 = arith.cmpi ne, %rem3A_512, %ne3A_513 : i32
        %and3A_515 = arith.andi %ne3A_511, %ne3A_514 : i1
        %sub3A_516 = arith.constant 1 : i32
        %sub3A_517 = arith.subi %div3A_496, %sub3A_516 : i32
        %select_n3A_518 = arith.select %and3A_515, %sub3A_517, %div3A_496 : i32
        %jit3A_519 = arith.constant 32 : i32
        %eq3A_520 = arith.constant 0 : i32
        %eq3A_521 = arith.cmpi eq, %jit3A_519, %eq3A_520 : i32
        %jit3A_522 = arith.constant 1 : i32
        %select_n3A_523 = arith.select %eq3A_521, %jit3A_522, %jit3A_519 : i32
        %rem3A_524 = arith.remsi %add3A_247, %select_n3A_523 : i32
        %ne3A_525 = arith.constant 0 : i32
        %ne3A_526 = arith.cmpi ne, %rem3A_524, %ne3A_525 : i32
        %lt3A_527 = arith.constant 0 : i32
        %lt3A_528 = arith.cmpi slt, %rem3A_524, %lt3A_527 : i32
        %lt3A_529 = arith.constant 0 : i32
        %lt3A_530 = arith.cmpi slt, %select_n3A_523, %lt3A_529 : i32
        %ne3A_531 = arith.xori %lt3A_528, %lt3A_530 : i1
        %and3A_532 = arith.andi %ne3A_531, %ne3A_526 : i1
        %add3A_533 = arith.addi %rem3A_524, %select_n3A_523 : i32
        %select_n3A_534 = arith.select %and3A_532, %add3A_533, %rem3A_524 : i32
        %ne3A_535 = arith.cmpi ne, %select_n3A_478, %select_n3A_518 : i32
        %ne3A_536 = arith.cmpi ne, %select_n3A_494, %select_n3A_534 : i32
        %or3A_537 = arith.constant false
        %or3A_538 = arith.ori %or3A_537, %ne3A_535 : i1
        %or3A_539 = arith.ori %or3A_538, %ne3A_536 : i1
        %or3A_540 = arith.ori %or3A_539, %eq3A_235 : i1
        %convert_element_type3A_541 = arith.extui %or3A_540 : i1 to i32
        %cond3A_542 = arith.constant 0 : i32
        %cond3A_543 = arith.cmpi ne, %convert_element_type3A_541, %cond3A_542 : i32
        scf.if %cond3A_543 {
          %jit3A_1124 = arith.constant 32 : i32
          "tpu.trace_start"() <{level = 10 : i32, message = "ep_wait_in"}> : () -> ()
          %div3A_1125 = arith.divsi %add3A_238, %jit3A_1124 : i32
          %sign3A_1126 = arith.constant 0 : i32
          %sign3A_1127 = arith.cmpi sgt, %add3A_238, %sign3A_1126 : i32
          %sign3A_1128 = arith.extui %sign3A_1127 : i1 to i32
          %sign3A_1129 = arith.constant 0 : i32
          %sign3A_1130 = arith.cmpi slt, %add3A_238, %sign3A_1129 : i32
          %sign3A_1131 = arith.extui %sign3A_1130 : i1 to i32
          %sign3A_1132 = arith.subi %sign3A_1128, %sign3A_1131 : i32
          %sign3A_1133 = arith.constant 0 : i32
          %sign3A_1134 = arith.cmpi sgt, %jit3A_1124, %sign3A_1133 : i32
          %sign3A_1135 = arith.extui %sign3A_1134 : i1 to i32
          %sign3A_1136 = arith.constant 0 : i32
          %sign3A_1137 = arith.cmpi slt, %jit3A_1124, %sign3A_1136 : i32
          %sign3A_1138 = arith.extui %sign3A_1137 : i1 to i32
          %sign3A_1139 = arith.subi %sign3A_1135, %sign3A_1138 : i32
          %ne3A_1140 = arith.cmpi ne, %sign3A_1132, %sign3A_1139 : i32
          %rem3A_1141 = arith.remsi %add3A_238, %jit3A_1124 : i32
          %ne3A_1142 = arith.constant 0 : i32
          %ne3A_1143 = arith.cmpi ne, %rem3A_1141, %ne3A_1142 : i32
          %and3A_1144 = arith.andi %ne3A_1140, %ne3A_1143 : i1
          %sub3A_1145 = arith.constant 1 : i32
          %sub3A_1146 = arith.subi %div3A_1125, %sub3A_1145 : i32
          %select_n3A_1147 = arith.select %and3A_1144, %sub3A_1146, %div3A_1125 : i32
          %jit3A_1148 = arith.constant 32 : i32
          %eq3A_1149 = arith.constant 0 : i32
          %eq3A_1150 = arith.cmpi eq, %jit3A_1148, %eq3A_1149 : i32
          %jit3A_1151 = arith.constant 1 : i32
          %select_n3A_1152 = arith.select %eq3A_1150, %jit3A_1151, %jit3A_1148 : i32
          %rem3A_1153 = arith.remsi %add3A_238, %select_n3A_1152 : i32
          %ne3A_1154 = arith.constant 0 : i32
          %ne3A_1155 = arith.cmpi ne, %rem3A_1153, %ne3A_1154 : i32
          %lt3A_1156 = arith.constant 0 : i32
          %lt3A_1157 = arith.cmpi slt, %rem3A_1153, %lt3A_1156 : i32
          %lt3A_1158 = arith.constant 0 : i32
          %lt3A_1159 = arith.cmpi slt, %select_n3A_1152, %lt3A_1158 : i32
          %ne3A_1160 = arith.xori %lt3A_1157, %lt3A_1159 : i1
          %and3A_1161 = arith.andi %ne3A_1160, %ne3A_1155 : i1
          %add3A_1162 = arith.addi %rem3A_1153, %select_n3A_1152 : i32
          %select_n3A_1163 = arith.select %and3A_1161, %add3A_1162, %rem3A_1153 : i32
          %mul3A_1164 = arith.constant 1 : i32
          %mul3A_1165 = arith.muli %mul3A_1164, %select_n3A_1147 : i32
          %mul3A_1166 = arith.constant 128 : i32
          %mul3A_1167 = arith.muli %mul3A_1166, %select_n3A_1163 : i32
          %rem3A_1168 = arith.constant 2 : i32
          %rem3A_1169 = arith.remui %scan3A_230, %rem3A_1168 : i32
          %dma_wait3A_1170 = arith.constant 0 : i32
          %dma_wait3A_1171 = arith.constant 0 : i32
          %dma_wait3A_1172 = arith.constant 0 : i32
          %dma_wait3A_1173 = tpu.memref_slice %run_scoped3A[%rem3A_1169, %dma_wait3A_1170, %dma_wait3A_1171, %dma_wait3A_1172] : memref<2x1x1x128xi32, #tpu.memory_space<vmem>> -> memref<1x1x1x128xi32, #tpu.memory_space<vmem>>
          %dma_wait3A_1174 = tpu.memref_squeeze %dma_wait3A_1173 : memref<1x1x1x128xi32, #tpu.memory_space<vmem>> -> memref<1x1x128xi32, #tpu.memory_space<vmem>>
          %dma_wait3A_1175 = arith.constant 0 : i32
          %dma_wait3A_1176 = tpu.memref_slice %arg5[%dma_wait3A_1175, %mul3A_1165, %mul3A_1167] : memref<3x50x4096xi32, #tpu.memory_space<hbm>> -> memref<1x1x128xi32, #tpu.memory_space<hbm>>
          %dma_wait3A_1177 = tpu.memref_slice %run_scoped3A_27[%rem3A_1169] : memref<2x!tpu.dma_semaphore, #tpu.memory_space<semaphore_mem>> -> memref<1x!tpu.dma_semaphore, #tpu.memory_space<semaphore_mem>>
          %dma_wait3A_1178 = tpu.memref_squeeze %dma_wait3A_1177 : memref<1x!tpu.dma_semaphore, #tpu.memory_space<semaphore_mem>> -> memref<!tpu.dma_semaphore, #tpu.memory_space<semaphore_mem>>
          %dma_wait3A_1179 = arith.constant 0 : i32
          %dma_wait3A_1180 = arith.constant 0 : i32
          %dma_wait3A_1181 = arith.constant 0 : i32
          %dma_wait3A_1182 = tpu.memref_slice %run_scoped3A[%rem3A_1169, %dma_wait3A_1179, %dma_wait3A_1180, %dma_wait3A_1181] : memref<2x1x1x128xi32, #tpu.memory_space<vmem>> -> memref<1x1x1x128xi32, #tpu.memory_space<vmem>>
          %dma_wait3A_1183 = tpu.memref_squeeze %dma_wait3A_1182 : memref<1x1x1x128xi32, #tpu.memory_space<vmem>> -> memref<1x1x128xi32, #tpu.memory_space<vmem>>
          %dma_wait3A_1184 = arith.constant 0 : i32
          %dma_wait3A_1185 = tpu.memref_slice %arg5[%dma_wait3A_1184, %mul3A_1165, %mul3A_1167] : memref<3x50x4096xi32, #tpu.memory_space<hbm>> -> memref<1x1x128xi32, #tpu.memory_space<hbm>>
          tpu.wait_dma2 semaphore(%dma_wait3A_1178 : memref<!tpu.dma_semaphore, #tpu.memory_space<semaphore_mem>>) src(%dma_wait3A_1185 : memref<1x1x128xi32, #tpu.memory_space<hbm>>) dst(%dma_wait3A_1183 : memref<1x1x128xi32, #tpu.memory_space<vmem>>)
          "tpu.trace_stop"() : () -> ()
        } else {
        }
        %jit3A_544 = arith.constant 32 : i32
        %div3A_545 = arith.divsi %add3A_238, %jit3A_544 : i32
        %sign3A_546 = arith.constant 0 : i32
        %sign3A_547 = arith.cmpi sgt, %add3A_238, %sign3A_546 : i32
        %sign3A_548 = arith.extui %sign3A_547 : i1 to i32
        %sign3A_549 = arith.constant 0 : i32
        %sign3A_550 = arith.cmpi slt, %add3A_238, %sign3A_549 : i32
        %sign3A_551 = arith.extui %sign3A_550 : i1 to i32
        %sign3A_552 = arith.subi %sign3A_548, %sign3A_551 : i32
        %sign3A_553 = arith.constant 0 : i32
        %sign3A_554 = arith.cmpi sgt, %jit3A_544, %sign3A_553 : i32
        %sign3A_555 = arith.extui %sign3A_554 : i1 to i32
        %sign3A_556 = arith.constant 0 : i32
        %sign3A_557 = arith.cmpi slt, %jit3A_544, %sign3A_556 : i32
        %sign3A_558 = arith.extui %sign3A_557 : i1 to i32
        %sign3A_559 = arith.subi %sign3A_555, %sign3A_558 : i32
        %ne3A_560 = arith.cmpi ne, %sign3A_552, %sign3A_559 : i32
        %rem3A_561 = arith.remsi %add3A_238, %jit3A_544 : i32
        %ne3A_562 = arith.constant 0 : i32
        %ne3A_563 = arith.cmpi ne, %rem3A_561, %ne3A_562 : i32
        %and3A_564 = arith.andi %ne3A_560, %ne3A_563 : i1
        %sub3A_565 = arith.constant 1 : i32
        %sub3A_566 = arith.subi %div3A_545, %sub3A_565 : i32
        %select_n3A_567 = arith.select %and3A_564, %sub3A_566, %div3A_545 : i32
        %jit3A_568 = arith.constant 32 : i32
        %eq3A_569 = arith.constant 0 : i32
        %eq3A_570 = arith.cmpi eq, %jit3A_568, %eq3A_569 : i32
        %jit3A_571 = arith.constant 1 : i32
        %select_n3A_572 = arith.select %eq3A_570, %jit3A_571, %jit3A_568 : i32
        %rem3A_573 = arith.remsi %add3A_238, %select_n3A_572 : i32
        %ne3A_574 = arith.constant 0 : i32
        %ne3A_575 = arith.cmpi ne, %rem3A_573, %ne3A_574 : i32
        %lt3A_576 = arith.constant 0 : i32
        %lt3A_577 = arith.cmpi slt, %rem3A_573, %lt3A_576 : i32
        %lt3A_578 = arith.constant 0 : i32
        %lt3A_579 = arith.cmpi slt, %select_n3A_572, %lt3A_578 : i32
        %ne3A_580 = arith.xori %lt3A_577, %lt3A_579 : i1
        %and3A_581 = arith.andi %ne3A_580, %ne3A_575 : i1
        %add3A_582 = arith.addi %rem3A_573, %select_n3A_572 : i32
        %select_n3A_583 = arith.select %and3A_581, %add3A_582, %rem3A_573 : i32
        %jit3A_584 = arith.constant 32 : i32
        %div3A_585 = arith.divsi %add3A_247, %jit3A_584 : i32
        %sign3A_586 = arith.constant 0 : i32
        %sign3A_587 = arith.cmpi sgt, %add3A_247, %sign3A_586 : i32
        %sign3A_588 = arith.extui %sign3A_587 : i1 to i32
        %sign3A_589 = arith.constant 0 : i32
        %sign3A_590 = arith.cmpi slt, %add3A_247, %sign3A_589 : i32
        %sign3A_591 = arith.extui %sign3A_590 : i1 to i32
        %sign3A_592 = arith.subi %sign3A_588, %sign3A_591 : i32
        %sign3A_593 = arith.constant 0 : i32
        %sign3A_594 = arith.cmpi sgt, %jit3A_584, %sign3A_593 : i32
        %sign3A_595 = arith.extui %sign3A_594 : i1 to i32
        %sign3A_596 = arith.constant 0 : i32
        %sign3A_597 = arith.cmpi slt, %jit3A_584, %sign3A_596 : i32
        %sign3A_598 = arith.extui %sign3A_597 : i1 to i32
        %sign3A_599 = arith.subi %sign3A_595, %sign3A_598 : i32
        %ne3A_600 = arith.cmpi ne, %sign3A_592, %sign3A_599 : i32
        %rem3A_601 = arith.remsi %add3A_247, %jit3A_584 : i32
        %ne3A_602 = arith.constant 0 : i32
        %ne3A_603 = arith.cmpi ne, %rem3A_601, %ne3A_602 : i32
        %and3A_604 = arith.andi %ne3A_600, %ne3A_603 : i1
        %sub3A_605 = arith.constant 1 : i32
        %sub3A_606 = arith.subi %div3A_585, %sub3A_605 : i32
        %select_n3A_607 = arith.select %and3A_604, %sub3A_606, %div3A_585 : i32
        %jit3A_608 = arith.constant 32 : i32
        %eq3A_609 = arith.constant 0 : i32
        %eq3A_610 = arith.cmpi eq, %jit3A_608, %eq3A_609 : i32
        %jit3A_611 = arith.constant 1 : i32
        %select_n3A_612 = arith.select %eq3A_610, %jit3A_611, %jit3A_608 : i32
        %rem3A_613 = arith.remsi %add3A_247, %select_n3A_612 : i32
        %ne3A_614 = arith.constant 0 : i32
        %ne3A_615 = arith.cmpi ne, %rem3A_613, %ne3A_614 : i32
        %lt3A_616 = arith.constant 0 : i32
        %lt3A_617 = arith.cmpi slt, %rem3A_613, %lt3A_616 : i32
        %lt3A_618 = arith.constant 0 : i32
        %lt3A_619 = arith.cmpi slt, %select_n3A_612, %lt3A_618 : i32
        %ne3A_620 = arith.xori %lt3A_617, %lt3A_619 : i1
        %and3A_621 = arith.andi %ne3A_620, %ne3A_615 : i1
        %add3A_622 = arith.addi %rem3A_613, %select_n3A_612 : i32
        %select_n3A_623 = arith.select %and3A_621, %add3A_622, %rem3A_613 : i32
        %ne3A_624 = arith.cmpi ne, %select_n3A_567, %select_n3A_607 : i32
        %ne3A_625 = arith.cmpi ne, %select_n3A_583, %select_n3A_623 : i32
        %or3A_626 = arith.constant false
        %or3A_627 = arith.ori %or3A_626, %ne3A_624 : i1
        %or3A_628 = arith.constant false
        %or3A_629 = arith.ori %or3A_627, %or3A_628 : i1
        %or3A_630 = arith.ori %or3A_629, %ne3A_625 : i1
        %or3A_631 = arith.constant false
        %or3A_632 = arith.ori %or3A_630, %or3A_631 : i1
        %or3A_633 = arith.ori %or3A_632, %eq3A_235 : i1
        %convert_element_type3A_634 = arith.extui %or3A_633 : i1 to i32
        %cond3A_635 = arith.constant 0 : i32
        %cond3A_636 = arith.cmpi ne, %convert_element_type3A_634, %cond3A_635 : i32
        scf.if %cond3A_636 {
        } else {
        }
        %rem3A_637 = arith.constant 2 : i32
        %rem3A_638 = arith.remui %scan3A_230, %rem3A_637 : i32
        %rem3A_639 = arith.constant 2 : i32
        %rem3A_640 = arith.remui %scan3A_231, %rem3A_639 : i32
        %run_scoped3A_641 = arith.constant 0 : i32
        %run_scoped3A_642 = arith.constant 0 : i32
        %run_scoped3A_643 = arith.constant 0 : i32
        %run_scoped3A_644 = arith.constant 0 : i32
        "tpu.trace_start"() <{level = 10 : i32, message = "ep_run_kernel"}> : () -> ()
        "tpu.region"() ({
          %run_scoped3A_1124 = tpu.sem_alloc : memref<!tpu.dma_semaphore, #tpu.memory_space<semaphore_mem>>
          %dma_start3A_1125 = arith.constant 0 : i32
          %dma_start3A_1126 = arith.constant 0 : i32
          %dma_start3A_1127 = arith.constant 0 : i32
          %dma_start3A_1128 = arith.constant 0 : i32
          %dma_start3A_1129 = tpu.memref_slice %run_scoped3A_28[%rem3A_640, %dma_start3A_1125, %dma_start3A_1126, %dma_start3A_1127, %dma_start3A_1128] : memref<2x1x1x128x128xf32, #tpu.memory_space<vmem>> -> memref<1x1x1x128x128xf32, #tpu.memory_space<vmem>>
          %dma_start3A_1130 = tpu.memref_squeeze %dma_start3A_1129 : memref<1x1x1x128x128xf32, #tpu.memory_space<vmem>> -> memref<1x1x128x128xf32, #tpu.memory_space<vmem>>
          %dma_start3A_1131 = arith.constant 0 : i32
          %dma_start3A_1132 = arith.constant 0 : i32
          %dma_start3A_1133 = tpu.memref_slice %dma_start3A_1130[%run_scoped3A_643, %run_scoped3A_644, %dma_start3A_1131, %dma_start3A_1132] : memref<1x1x128x128xf32, #tpu.memory_space<vmem>> -> memref<1x1x128x128xf32, #tpu.memory_space<vmem>>
          %dma_start3A_1134 = tpu.memref_squeeze %dma_start3A_1133 : memref<1x1x128x128xf32, #tpu.memory_space<vmem>> -> memref<128x128xf32, #tpu.memory_space<vmem>>
          %dma_start3A_1135 = arith.constant 0 : i32
          %dma_start3A_1136 = arith.constant 0 : i32
          %dma_start3A_1137 = arith.constant 0 : i32
          %dma_start3A_1138 = tpu.memref_slice %run_scoped3A[%rem3A_638, %dma_start3A_1135, %dma_start3A_1136, %dma_start3A_1137] : memref<2x1x1x128xi32, #tpu.memory_space<vmem>> -> memref<1x1x1x128xi32, #tpu.memory_space<vmem>>
          %dma_start3A_1139 = tpu.memref_squeeze %dma_start3A_1138 : memref<1x1x1x128xi32, #tpu.memory_space<vmem>> -> memref<1x1x128xi32, #tpu.memory_space<vmem>>
          %dma_start3A_1140 = arith.constant 0 : i32
          %dma_start3A_1141 = tpu.memref_slice %dma_start3A_1139[%run_scoped3A_641, %run_scoped3A_642, %dma_start3A_1140] : memref<1x1x128xi32, #tpu.memory_space<vmem>> -> memref<1x1x128xi32, #tpu.memory_space<vmem>>
          %dma_start3A_1142 = tpu.memref_squeeze %dma_start3A_1141 : memref<1x1x128xi32, #tpu.memory_space<vmem>> -> memref<128xi32, #tpu.memory_space<vmem>>
          %dma_start3A_1143 = arith.constant 0 : i32
          %dma_start3A_1144 = arith.constant 0 : i32
          %dma_start3A_1145 = tpu.memref_slice %arg7[%dma_start3A_1143, %dma_start3A_1144] : memref<1001x128xf32, #tpu.memory_space<vmem_shared>> -> memref<1001x128xf32, #tpu.memory_space<vmem_shared>>
          tpu.enqueue_indirect_dma source(%dma_start3A_1145 : memref<1001x128xf32, #tpu.memory_space<vmem_shared>>) target(%dma_start3A_1134 : memref<128x128xf32, #tpu.memory_space<vmem>>) offsets(%dma_start3A_1142 : memref<128xi32, #tpu.memory_space<vmem>>) semaphore(%run_scoped3A_1124 : memref<!tpu.dma_semaphore, #tpu.memory_space<semaphore_mem>>)
          %dma_wait3A_1146 = arith.constant 0 : i32
          %dma_wait3A_1147 = arith.constant 0 : i32
          %dma_wait3A_1148 = arith.constant 0 : i32
          %dma_wait3A_1149 = arith.constant 0 : i32
          %dma_wait3A_1150 = tpu.memref_slice %run_scoped3A_28[%rem3A_640, %dma_wait3A_1146, %dma_wait3A_1147, %dma_wait3A_1148, %dma_wait3A_1149] : memref<2x1x1x128x128xf32, #tpu.memory_space<vmem>> -> memref<1x1x1x128x128xf32, #tpu.memory_space<vmem>>
          %dma_wait3A_1151 = tpu.memref_squeeze %dma_wait3A_1150 : memref<1x1x1x128x128xf32, #tpu.memory_space<vmem>> -> memref<1x1x128x128xf32, #tpu.memory_space<vmem>>
          %dma_wait3A_1152 = arith.constant 0 : i32
          %dma_wait3A_1153 = arith.constant 0 : i32
          %dma_wait3A_1154 = tpu.memref_slice %dma_wait3A_1151[%run_scoped3A_643, %run_scoped3A_644, %dma_wait3A_1152, %dma_wait3A_1153] : memref<1x1x128x128xf32, #tpu.memory_space<vmem>> -> memref<1x1x128x128xf32, #tpu.memory_space<vmem>>
          %dma_wait3A_1155 = tpu.memref_squeeze %dma_wait3A_1154 : memref<1x1x128x128xf32, #tpu.memory_space<vmem>> -> memref<128x128xf32, #tpu.memory_space<vmem>>
          %dma_wait3A_1156 = arith.constant 0 : i32
          %dma_wait3A_1157 = arith.constant 0 : i32
          %dma_wait3A_1158 = arith.constant 0 : i32
          %dma_wait3A_1159 = tpu.memref_slice %run_scoped3A[%rem3A_638, %dma_wait3A_1156, %dma_wait3A_1157, %dma_wait3A_1158] : memref<2x1x1x128xi32, #tpu.memory_space<vmem>> -> memref<1x1x1x128xi32, #tpu.memory_space<vmem>>
          %dma_wait3A_1160 = tpu.memref_squeeze %dma_wait3A_1159 : memref<1x1x1x128xi32, #tpu.memory_space<vmem>> -> memref<1x1x128xi32, #tpu.memory_space<vmem>>
          %dma_wait3A_1161 = arith.constant 0 : i32
          %dma_wait3A_1162 = tpu.memref_slice %dma_wait3A_1160[%run_scoped3A_641, %run_scoped3A_642, %dma_wait3A_1161] : memref<1x1x128xi32, #tpu.memory_space<vmem>> -> memref<1x1x128xi32, #tpu.memory_space<vmem>>
          %dma_wait3A_1163 = tpu.memref_squeeze %dma_wait3A_1162 : memref<1x1x128xi32, #tpu.memory_space<vmem>> -> memref<128xi32, #tpu.memory_space<vmem>>
          %dma_wait3A_1164 = arith.constant 0 : i32
          %dma_wait3A_1165 = arith.constant 0 : i32
          %dma_wait3A_1166 = tpu.memref_slice %arg7[%dma_wait3A_1164, %dma_wait3A_1165] : memref<1001x128xf32, #tpu.memory_space<vmem_shared>> -> memref<1001x128xf32, #tpu.memory_space<vmem_shared>>
          tpu.wait_indirect_dma semaphore(%run_scoped3A_1124 : memref<!tpu.dma_semaphore, #tpu.memory_space<semaphore_mem>>) src(%dma_wait3A_1166 : memref<1001x128xf32, #tpu.memory_space<vmem_shared>>) dst(%dma_wait3A_1155 : memref<128x128xf32, #tpu.memory_space<vmem>>)
          tpu.yield
        }) : () -> ()
        %jit3A_645 = arith.constant 32 : i32
        "tpu.trace_stop"() : () -> ()
        %div3A_646 = arith.divsi %add3A_238, %jit3A_645 : i32
        %sign3A_647 = arith.constant 0 : i32
        %sign3A_648 = arith.cmpi sgt, %add3A_238, %sign3A_647 : i32
        %sign3A_649 = arith.extui %sign3A_648 : i1 to i32
        %sign3A_650 = arith.constant 0 : i32
        %sign3A_651 = arith.cmpi slt, %add3A_238, %sign3A_650 : i32
        %sign3A_652 = arith.extui %sign3A_651 : i1 to i32
        %sign3A_653 = arith.subi %sign3A_649, %sign3A_652 : i32
        %sign3A_654 = arith.constant 0 : i32
        %sign3A_655 = arith.cmpi sgt, %jit3A_645, %sign3A_654 : i32
        %sign3A_656 = arith.extui %sign3A_655 : i1 to i32
        %sign3A_657 = arith.constant 0 : i32
        %sign3A_658 = arith.cmpi slt, %jit3A_645, %sign3A_657 : i32
        %sign3A_659 = arith.extui %sign3A_658 : i1 to i32
        %sign3A_660 = arith.subi %sign3A_656, %sign3A_659 : i32
        %ne3A_661 = arith.cmpi ne, %sign3A_653, %sign3A_660 : i32
        %rem3A_662 = arith.remsi %add3A_238, %jit3A_645 : i32
        %ne3A_663 = arith.constant 0 : i32
        %ne3A_664 = arith.cmpi ne, %rem3A_662, %ne3A_663 : i32
        %and3A_665 = arith.andi %ne3A_661, %ne3A_664 : i1
        %sub3A_666 = arith.constant 1 : i32
        %sub3A_667 = arith.subi %div3A_646, %sub3A_666 : i32
        %select_n3A_668 = arith.select %and3A_665, %sub3A_667, %div3A_646 : i32
        %jit3A_669 = arith.constant 32 : i32
        %eq3A_670 = arith.constant 0 : i32
        %eq3A_671 = arith.cmpi eq, %jit3A_669, %eq3A_670 : i32
        %jit3A_672 = arith.constant 1 : i32
        %select_n3A_673 = arith.select %eq3A_671, %jit3A_672, %jit3A_669 : i32
        %rem3A_674 = arith.remsi %add3A_238, %select_n3A_673 : i32
        %ne3A_675 = arith.constant 0 : i32
        %ne3A_676 = arith.cmpi ne, %rem3A_674, %ne3A_675 : i32
        %lt3A_677 = arith.constant 0 : i32
        %lt3A_678 = arith.cmpi slt, %rem3A_674, %lt3A_677 : i32
        %lt3A_679 = arith.constant 0 : i32
        %lt3A_680 = arith.cmpi slt, %select_n3A_673, %lt3A_679 : i32
        %ne3A_681 = arith.xori %lt3A_678, %lt3A_680 : i1
        %and3A_682 = arith.andi %ne3A_681, %ne3A_676 : i1
        %add3A_683 = arith.addi %rem3A_674, %select_n3A_673 : i32
        %select_n3A_684 = arith.select %and3A_682, %add3A_683, %rem3A_674 : i32
        %jit3A_685 = arith.constant 32 : i32
        %div3A_686 = arith.divsi %add3A_256, %jit3A_685 : i32
        %sign3A_687 = arith.constant 0 : i32
        %sign3A_688 = arith.cmpi sgt, %add3A_256, %sign3A_687 : i32
        %sign3A_689 = arith.extui %sign3A_688 : i1 to i32
        %sign3A_690 = arith.constant 0 : i32
        %sign3A_691 = arith.cmpi slt, %add3A_256, %sign3A_690 : i32
        %sign3A_692 = arith.extui %sign3A_691 : i1 to i32
        %sign3A_693 = arith.subi %sign3A_689, %sign3A_692 : i32
        %sign3A_694 = arith.constant 0 : i32
        %sign3A_695 = arith.cmpi sgt, %jit3A_685, %sign3A_694 : i32
        %sign3A_696 = arith.extui %sign3A_695 : i1 to i32
        %sign3A_697 = arith.constant 0 : i32
        %sign3A_698 = arith.cmpi slt, %jit3A_685, %sign3A_697 : i32
        %sign3A_699 = arith.extui %sign3A_698 : i1 to i32
        %sign3A_700 = arith.subi %sign3A_696, %sign3A_699 : i32
        %ne3A_701 = arith.cmpi ne, %sign3A_693, %sign3A_700 : i32
        %rem3A_702 = arith.remsi %add3A_256, %jit3A_685 : i32
        %ne3A_703 = arith.constant 0 : i32
        %ne3A_704 = arith.cmpi ne, %rem3A_702, %ne3A_703 : i32
        %and3A_705 = arith.andi %ne3A_701, %ne3A_704 : i1
        %sub3A_706 = arith.constant 1 : i32
        %sub3A_707 = arith.subi %div3A_686, %sub3A_706 : i32
        %select_n3A_708 = arith.select %and3A_705, %sub3A_707, %div3A_686 : i32
        %jit3A_709 = arith.constant 32 : i32
        %eq3A_710 = arith.constant 0 : i32
        %eq3A_711 = arith.cmpi eq, %jit3A_709, %eq3A_710 : i32
        %jit3A_712 = arith.constant 1 : i32
        %select_n3A_713 = arith.select %eq3A_711, %jit3A_712, %jit3A_709 : i32
        %rem3A_714 = arith.remsi %add3A_256, %select_n3A_713 : i32
        %ne3A_715 = arith.constant 0 : i32
        %ne3A_716 = arith.cmpi ne, %rem3A_714, %ne3A_715 : i32
        %lt3A_717 = arith.constant 0 : i32
        %lt3A_718 = arith.cmpi slt, %rem3A_714, %lt3A_717 : i32
        %lt3A_719 = arith.constant 0 : i32
        %lt3A_720 = arith.cmpi slt, %select_n3A_713, %lt3A_719 : i32
        %ne3A_721 = arith.xori %lt3A_718, %lt3A_720 : i1
        %and3A_722 = arith.andi %ne3A_721, %ne3A_716 : i1
        %add3A_723 = arith.addi %rem3A_714, %select_n3A_713 : i32
        %select_n3A_724 = arith.select %and3A_722, %add3A_723, %rem3A_714 : i32
        %ne3A_725 = arith.cmpi ne, %select_n3A_668, %select_n3A_708 : i32
        %ne3A_726 = arith.cmpi ne, %select_n3A_684, %select_n3A_724 : i32
        %or3A_727 = arith.constant false
        %or3A_728 = arith.ori %or3A_727, %ne3A_725 : i1
        %or3A_729 = arith.ori %or3A_728, %ne3A_726 : i1
        %or3A_730 = arith.ori %or3A_729, %eq3A_237 : i1
        %convert_element_type3A_731 = arith.extui %or3A_730 : i1 to i32
        %cond3A_732 = arith.constant 0 : i32
        %cond3A_733 = arith.cmpi ne, %convert_element_type3A_731, %cond3A_732 : i32
        scf.if %cond3A_733 {
        } else {
        }
        %and3A_734 = arith.constant false
        %and3A_735 = arith.andi %or3A_730, %and3A_734 : i1
        %jit3A_736 = arith.constant 32 : i32
        %div3A_737 = arith.divsi %add3A_238, %jit3A_736 : i32
        %sign3A_738 = arith.constant 0 : i32
        %sign3A_739 = arith.cmpi sgt, %add3A_238, %sign3A_738 : i32
        %sign3A_740 = arith.extui %sign3A_739 : i1 to i32
        %sign3A_741 = arith.constant 0 : i32
        %sign3A_742 = arith.cmpi slt, %add3A_238, %sign3A_741 : i32
        %sign3A_743 = arith.extui %sign3A_742 : i1 to i32
        %sign3A_744 = arith.subi %sign3A_740, %sign3A_743 : i32
        %sign3A_745 = arith.constant 0 : i32
        %sign3A_746 = arith.cmpi sgt, %jit3A_736, %sign3A_745 : i32
        %sign3A_747 = arith.extui %sign3A_746 : i1 to i32
        %sign3A_748 = arith.constant 0 : i32
        %sign3A_749 = arith.cmpi slt, %jit3A_736, %sign3A_748 : i32
        %sign3A_750 = arith.extui %sign3A_749 : i1 to i32
        %sign3A_751 = arith.subi %sign3A_747, %sign3A_750 : i32
        %ne3A_752 = arith.cmpi ne, %sign3A_744, %sign3A_751 : i32
        %rem3A_753 = arith.remsi %add3A_238, %jit3A_736 : i32
        %ne3A_754 = arith.constant 0 : i32
        %ne3A_755 = arith.cmpi ne, %rem3A_753, %ne3A_754 : i32
        %and3A_756 = arith.andi %ne3A_752, %ne3A_755 : i1
        %sub3A_757 = arith.constant 1 : i32
        %sub3A_758 = arith.subi %div3A_737, %sub3A_757 : i32
        %select_n3A_759 = arith.select %and3A_756, %sub3A_758, %div3A_737 : i32
        %jit3A_760 = arith.constant 32 : i32
        %eq3A_761 = arith.constant 0 : i32
        %eq3A_762 = arith.cmpi eq, %jit3A_760, %eq3A_761 : i32
        %jit3A_763 = arith.constant 1 : i32
        %select_n3A_764 = arith.select %eq3A_762, %jit3A_763, %jit3A_760 : i32
        %rem3A_765 = arith.remsi %add3A_238, %select_n3A_764 : i32
        %ne3A_766 = arith.constant 0 : i32
        %ne3A_767 = arith.cmpi ne, %rem3A_765, %ne3A_766 : i32
        %lt3A_768 = arith.constant 0 : i32
        %lt3A_769 = arith.cmpi slt, %rem3A_765, %lt3A_768 : i32
        %lt3A_770 = arith.constant 0 : i32
        %lt3A_771 = arith.cmpi slt, %select_n3A_764, %lt3A_770 : i32
        %ne3A_772 = arith.xori %lt3A_769, %lt3A_771 : i1
        %and3A_773 = arith.andi %ne3A_772, %ne3A_767 : i1
        %add3A_774 = arith.addi %rem3A_765, %select_n3A_764 : i32
        %select_n3A_775 = arith.select %and3A_773, %add3A_774, %rem3A_765 : i32
        %jit3A_776 = arith.constant 32 : i32
        %div3A_777 = arith.divsi %add3A_256, %jit3A_776 : i32
        %sign3A_778 = arith.constant 0 : i32
        %sign3A_779 = arith.cmpi sgt, %add3A_256, %sign3A_778 : i32
        %sign3A_780 = arith.extui %sign3A_779 : i1 to i32
        %sign3A_781 = arith.constant 0 : i32
        %sign3A_782 = arith.cmpi slt, %add3A_256, %sign3A_781 : i32
        %sign3A_783 = arith.extui %sign3A_782 : i1 to i32
        %sign3A_784 = arith.subi %sign3A_780, %sign3A_783 : i32
        %sign3A_785 = arith.constant 0 : i32
        %sign3A_786 = arith.cmpi sgt, %jit3A_776, %sign3A_785 : i32
        %sign3A_787 = arith.extui %sign3A_786 : i1 to i32
        %sign3A_788 = arith.constant 0 : i32
        %sign3A_789 = arith.cmpi slt, %jit3A_776, %sign3A_788 : i32
        %sign3A_790 = arith.extui %sign3A_789 : i1 to i32
        %sign3A_791 = arith.subi %sign3A_787, %sign3A_790 : i32
        %ne3A_792 = arith.cmpi ne, %sign3A_784, %sign3A_791 : i32
        %rem3A_793 = arith.remsi %add3A_256, %jit3A_776 : i32
        %ne3A_794 = arith.constant 0 : i32
        %ne3A_795 = arith.cmpi ne, %rem3A_793, %ne3A_794 : i32
        %and3A_796 = arith.andi %ne3A_792, %ne3A_795 : i1
        %sub3A_797 = arith.constant 1 : i32
        %sub3A_798 = arith.subi %div3A_777, %sub3A_797 : i32
        %select_n3A_799 = arith.select %and3A_796, %sub3A_798, %div3A_777 : i32
        %jit3A_800 = arith.constant 32 : i32
        %eq3A_801 = arith.constant 0 : i32
        %eq3A_802 = arith.cmpi eq, %jit3A_800, %eq3A_801 : i32
        %jit3A_803 = arith.constant 1 : i32
        %select_n3A_804 = arith.select %eq3A_802, %jit3A_803, %jit3A_800 : i32
        %rem3A_805 = arith.remsi %add3A_256, %select_n3A_804 : i32
        %ne3A_806 = arith.constant 0 : i32
        %ne3A_807 = arith.cmpi ne, %rem3A_805, %ne3A_806 : i32
        %lt3A_808 = arith.constant 0 : i32
        %lt3A_809 = arith.cmpi slt, %rem3A_805, %lt3A_808 : i32
        %lt3A_810 = arith.constant 0 : i32
        %lt3A_811 = arith.cmpi slt, %select_n3A_804, %lt3A_810 : i32
        %ne3A_812 = arith.xori %lt3A_809, %lt3A_811 : i1
        %and3A_813 = arith.andi %ne3A_812, %ne3A_807 : i1
        %add3A_814 = arith.addi %rem3A_805, %select_n3A_804 : i32
        %select_n3A_815 = arith.select %and3A_813, %add3A_814, %rem3A_805 : i32
        %ne3A_816 = arith.cmpi ne, %select_n3A_759, %select_n3A_799 : i32
        %ne3A_817 = arith.cmpi ne, %select_n3A_775, %select_n3A_815 : i32
        %or3A_818 = arith.constant false
        %or3A_819 = arith.ori %or3A_818, %ne3A_816 : i1
        %or3A_820 = arith.constant false
        %or3A_821 = arith.ori %or3A_819, %or3A_820 : i1
        %or3A_822 = arith.ori %or3A_821, %ne3A_817 : i1
        %or3A_823 = arith.constant false
        %or3A_824 = arith.ori %or3A_822, %or3A_823 : i1
        %or3A_825 = arith.ori %or3A_824, %eq3A_237 : i1
        %convert_element_type3A_826 = arith.extui %or3A_825 : i1 to i32
        %cond3A_827 = arith.constant 0 : i32
        %cond3A_828 = arith.cmpi ne, %convert_element_type3A_826, %cond3A_827 : i32
        scf.if %cond3A_828 {
          "tpu.trace_start"() <{level = 10 : i32, message = "ep_copy_out"}> : () -> ()
          %rem3A_1124 = arith.constant 2 : i32
          %rem3A_1125 = arith.remui %scan3A_231, %rem3A_1124 : i32
          %jit3A_1126 = arith.constant 32 : i32
          %div3A_1127 = arith.divsi %add3A_238, %jit3A_1126 : i32
          %sign3A_1128 = arith.constant 0 : i32
          %sign3A_1129 = arith.cmpi sgt, %add3A_238, %sign3A_1128 : i32
          %sign3A_1130 = arith.extui %sign3A_1129 : i1 to i32
          %sign3A_1131 = arith.constant 0 : i32
          %sign3A_1132 = arith.cmpi slt, %add3A_238, %sign3A_1131 : i32
          %sign3A_1133 = arith.extui %sign3A_1132 : i1 to i32
          %sign3A_1134 = arith.subi %sign3A_1130, %sign3A_1133 : i32
          %sign3A_1135 = arith.constant 0 : i32
          %sign3A_1136 = arith.cmpi sgt, %jit3A_1126, %sign3A_1135 : i32
          %sign3A_1137 = arith.extui %sign3A_1136 : i1 to i32
          %sign3A_1138 = arith.constant 0 : i32
          %sign3A_1139 = arith.cmpi slt, %jit3A_1126, %sign3A_1138 : i32
          %sign3A_1140 = arith.extui %sign3A_1139 : i1 to i32
          %sign3A_1141 = arith.subi %sign3A_1137, %sign3A_1140 : i32
          %ne3A_1142 = arith.cmpi ne, %sign3A_1134, %sign3A_1141 : i32
          %rem3A_1143 = arith.remsi %add3A_238, %jit3A_1126 : i32
          %ne3A_1144 = arith.constant 0 : i32
          %ne3A_1145 = arith.cmpi ne, %rem3A_1143, %ne3A_1144 : i32
          %and3A_1146 = arith.andi %ne3A_1142, %ne3A_1145 : i1
          %sub3A_1147 = arith.constant 1 : i32
          %sub3A_1148 = arith.subi %div3A_1127, %sub3A_1147 : i32
          %select_n3A_1149 = arith.select %and3A_1146, %sub3A_1148, %div3A_1127 : i32
          %jit3A_1150 = arith.constant 32 : i32
          %eq3A_1151 = arith.constant 0 : i32
          %eq3A_1152 = arith.cmpi eq, %jit3A_1150, %eq3A_1151 : i32
          %jit3A_1153 = arith.constant 1 : i32
          %select_n3A_1154 = arith.select %eq3A_1152, %jit3A_1153, %jit3A_1150 : i32
          %rem3A_1155 = arith.remsi %add3A_238, %select_n3A_1154 : i32
          %ne3A_1156 = arith.constant 0 : i32
          %ne3A_1157 = arith.cmpi ne, %rem3A_1155, %ne3A_1156 : i32
          %lt3A_1158 = arith.constant 0 : i32
          %lt3A_1159 = arith.cmpi slt, %rem3A_1155, %lt3A_1158 : i32
          %lt3A_1160 = arith.constant 0 : i32
          %lt3A_1161 = arith.cmpi slt, %select_n3A_1154, %lt3A_1160 : i32
          %ne3A_1162 = arith.xori %lt3A_1159, %lt3A_1161 : i1
          %and3A_1163 = arith.andi %ne3A_1162, %ne3A_1157 : i1
          %add3A_1164 = arith.addi %rem3A_1155, %select_n3A_1154 : i32
          %select_n3A_1165 = arith.select %and3A_1163, %add3A_1164, %rem3A_1155 : i32
          %mul3A_1166 = arith.constant 1 : i32
          %mul3A_1167 = arith.muli %mul3A_1166, %select_n3A_1149 : i32
          %mul3A_1168 = arith.constant 128 : i32
          %mul3A_1169 = arith.muli %mul3A_1168, %select_n3A_1165 : i32
          %dma_start3A_1170 = arith.constant 0 : i32
          %dma_start3A_1171 = arith.constant 0 : i32
          %dma_start3A_1172 = arith.constant 0 : i32
          %dma_start3A_1173 = arith.constant 0 : i32
          %dma_start3A_1174 = tpu.memref_slice %run_scoped3A_28[%rem3A_1125, %dma_start3A_1170, %dma_start3A_1171, %dma_start3A_1172, %dma_start3A_1173] : memref<2x1x1x128x128xf32, #tpu.memory_space<vmem>> -> memref<1x1x1x128x128xf32, #tpu.memory_space<vmem>>
          %dma_start3A_1175 = tpu.memref_squeeze %dma_start3A_1174 : memref<1x1x1x128x128xf32, #tpu.memory_space<vmem>> -> memref<1x1x128x128xf32, #tpu.memory_space<vmem>>
          %dma_start3A_1176 = arith.constant 0 : i32
          %dma_start3A_1177 = arith.constant 0 : i32
          %dma_start3A_1178 = tpu.memref_slice %arg6[%mul3A_1167, %dma_start3A_1176, %mul3A_1169, %dma_start3A_1177] : memref<50x3x4096x128xf32, #tpu.memory_space<hbm>> -> memref<1x1x128x128xf32, #tpu.memory_space<hbm>>
          %dma_start3A_1179 = tpu.memref_slice %run_scoped3A_29[%rem3A_1125] : memref<2x!tpu.dma_semaphore, #tpu.memory_space<semaphore_mem>> -> memref<1x!tpu.dma_semaphore, #tpu.memory_space<semaphore_mem>>
          %dma_start3A_1180 = tpu.memref_squeeze %dma_start3A_1179 : memref<1x!tpu.dma_semaphore, #tpu.memory_space<semaphore_mem>> -> memref<!tpu.dma_semaphore, #tpu.memory_space<semaphore_mem>>
          %dma_start3A_1181 = arith.constant 0 : i32
          %dma_start3A_1182 = arith.constant 0 : i32
          %dma_start3A_1183 = tpu.memref_slice %arg6[%mul3A_1167, %dma_start3A_1181, %mul3A_1169, %dma_start3A_1182] : memref<50x3x4096x128xf32, #tpu.memory_space<hbm>> -> memref<1x1x128x128xf32, #tpu.memory_space<hbm>>
          %dma_start3A_1184 = arith.constant 0 : i32
          %dma_start3A_1185 = arith.constant 0 : i32
          %dma_start3A_1186 = arith.constant 0 : i32
          %dma_start3A_1187 = arith.constant 0 : i32
          %dma_start3A_1188 = tpu.memref_slice %run_scoped3A_28[%rem3A_1125, %dma_start3A_1184, %dma_start3A_1185, %dma_start3A_1186, %dma_start3A_1187] : memref<2x1x1x128x128xf32, #tpu.memory_space<vmem>> -> memref<1x1x1x128x128xf32, #tpu.memory_space<vmem>>
          %dma_start3A_1189 = tpu.memref_squeeze %dma_start3A_1188 : memref<1x1x1x128x128xf32, #tpu.memory_space<vmem>> -> memref<1x1x128x128xf32, #tpu.memory_space<vmem>>
          tpu.enqueue_dma source(%dma_start3A_1189 : memref<1x1x128x128xf32, #tpu.memory_space<vmem>>) target(%dma_start3A_1183 : memref<1x1x128x128xf32, #tpu.memory_space<hbm>>) target_semaphore(%dma_start3A_1180 : memref<!tpu.dma_semaphore, #tpu.memory_space<semaphore_mem>>)
          "tpu.trace_stop"() : () -> ()
        } else {
        }
        %and3A_829 = arith.constant true
        %and3A_830 = arith.andi %or3A_825, %and3A_829 : i1
        %add3A_831 = arith.constant 1 : i32
        %add3A_832 = arith.addi %scan3A_231, %add3A_831 : i32
        %select_n3A_833 = arith.select %and3A_830, %add3A_832, %scan3A_231 : i32
        %jit3A_834 = arith.constant 32 : i32
        %div3A_835 = arith.divsi %add3A_238, %jit3A_834 : i32
        %sign3A_836 = arith.constant 0 : i32
        %sign3A_837 = arith.cmpi sgt, %add3A_238, %sign3A_836 : i32
        %sign3A_838 = arith.extui %sign3A_837 : i1 to i32
        %sign3A_839 = arith.constant 0 : i32
        %sign3A_840 = arith.cmpi slt, %add3A_238, %sign3A_839 : i32
        %sign3A_841 = arith.extui %sign3A_840 : i1 to i32
        %sign3A_842 = arith.subi %sign3A_838, %sign3A_841 : i32
        %sign3A_843 = arith.constant 0 : i32
        %sign3A_844 = arith.cmpi sgt, %jit3A_834, %sign3A_843 : i32
        %sign3A_845 = arith.extui %sign3A_844 : i1 to i32
        %sign3A_846 = arith.constant 0 : i32
        %sign3A_847 = arith.cmpi slt, %jit3A_834, %sign3A_846 : i32
        %sign3A_848 = arith.extui %sign3A_847 : i1 to i32
        %sign3A_849 = arith.subi %sign3A_845, %sign3A_848 : i32
        %ne3A_850 = arith.cmpi ne, %sign3A_842, %sign3A_849 : i32
        %rem3A_851 = arith.remsi %add3A_238, %jit3A_834 : i32
        %ne3A_852 = arith.constant 0 : i32
        %ne3A_853 = arith.cmpi ne, %rem3A_851, %ne3A_852 : i32
        %and3A_854 = arith.andi %ne3A_850, %ne3A_853 : i1
        %sub3A_855 = arith.constant 1 : i32
        %sub3A_856 = arith.subi %div3A_835, %sub3A_855 : i32
        %select_n3A_857 = arith.select %and3A_854, %sub3A_856, %div3A_835 : i32
        %jit3A_858 = arith.constant 32 : i32
        %eq3A_859 = arith.constant 0 : i32
        %eq3A_860 = arith.cmpi eq, %jit3A_858, %eq3A_859 : i32
        %jit3A_861 = arith.constant 1 : i32
        %select_n3A_862 = arith.select %eq3A_860, %jit3A_861, %jit3A_858 : i32
        %rem3A_863 = arith.remsi %add3A_238, %select_n3A_862 : i32
        %ne3A_864 = arith.constant 0 : i32
        %ne3A_865 = arith.cmpi ne, %rem3A_863, %ne3A_864 : i32
        %lt3A_866 = arith.constant 0 : i32
        %lt3A_867 = arith.cmpi slt, %rem3A_863, %lt3A_866 : i32
        %lt3A_868 = arith.constant 0 : i32
        %lt3A_869 = arith.cmpi slt, %select_n3A_862, %lt3A_868 : i32
        %ne3A_870 = arith.xori %lt3A_867, %lt3A_869 : i1
        %and3A_871 = arith.andi %ne3A_870, %ne3A_865 : i1
        %add3A_872 = arith.addi %rem3A_863, %select_n3A_862 : i32
        %select_n3A_873 = arith.select %and3A_871, %add3A_872, %rem3A_863 : i32
        %jit3A_874 = arith.constant 32 : i32
        %div3A_875 = arith.divsi %add3A_247, %jit3A_874 : i32
        %sign3A_876 = arith.constant 0 : i32
        %sign3A_877 = arith.cmpi sgt, %add3A_247, %sign3A_876 : i32
        %sign3A_878 = arith.extui %sign3A_877 : i1 to i32
        %sign3A_879 = arith.constant 0 : i32
        %sign3A_880 = arith.cmpi slt, %add3A_247, %sign3A_879 : i32
        %sign3A_881 = arith.extui %sign3A_880 : i1 to i32
        %sign3A_882 = arith.subi %sign3A_878, %sign3A_881 : i32
        %sign3A_883 = arith.constant 0 : i32
        %sign3A_884 = arith.cmpi sgt, %jit3A_874, %sign3A_883 : i32
        %sign3A_885 = arith.extui %sign3A_884 : i1 to i32
        %sign3A_886 = arith.constant 0 : i32
        %sign3A_887 = arith.cmpi slt, %jit3A_874, %sign3A_886 : i32
        %sign3A_888 = arith.extui %sign3A_887 : i1 to i32
        %sign3A_889 = arith.subi %sign3A_885, %sign3A_888 : i32
        %ne3A_890 = arith.cmpi ne, %sign3A_882, %sign3A_889 : i32
        %rem3A_891 = arith.remsi %add3A_247, %jit3A_874 : i32
        %ne3A_892 = arith.constant 0 : i32
        %ne3A_893 = arith.cmpi ne, %rem3A_891, %ne3A_892 : i32
        %and3A_894 = arith.andi %ne3A_890, %ne3A_893 : i1
        %sub3A_895 = arith.constant 1 : i32
        %sub3A_896 = arith.subi %div3A_875, %sub3A_895 : i32
        %select_n3A_897 = arith.select %and3A_894, %sub3A_896, %div3A_875 : i32
        %jit3A_898 = arith.constant 32 : i32
        %eq3A_899 = arith.constant 0 : i32
        %eq3A_900 = arith.cmpi eq, %jit3A_898, %eq3A_899 : i32
        %jit3A_901 = arith.constant 1 : i32
        %select_n3A_902 = arith.select %eq3A_900, %jit3A_901, %jit3A_898 : i32
        %rem3A_903 = arith.remsi %add3A_247, %select_n3A_902 : i32
        %ne3A_904 = arith.constant 0 : i32
        %ne3A_905 = arith.cmpi ne, %rem3A_903, %ne3A_904 : i32
        %lt3A_906 = arith.constant 0 : i32
        %lt3A_907 = arith.cmpi slt, %rem3A_903, %lt3A_906 : i32
        %lt3A_908 = arith.constant 0 : i32
        %lt3A_909 = arith.cmpi slt, %select_n3A_902, %lt3A_908 : i32
        %ne3A_910 = arith.xori %lt3A_907, %lt3A_909 : i1
        %and3A_911 = arith.andi %ne3A_910, %ne3A_905 : i1
        %add3A_912 = arith.addi %rem3A_903, %select_n3A_902 : i32
        %select_n3A_913 = arith.select %and3A_911, %add3A_912, %rem3A_903 : i32
        %ne3A_914 = arith.cmpi ne, %select_n3A_857, %select_n3A_897 : i32
        %ne3A_915 = arith.cmpi ne, %select_n3A_873, %select_n3A_913 : i32
        %or3A_916 = arith.constant false
        %or3A_917 = arith.ori %or3A_916, %ne3A_914 : i1
        %or3A_918 = arith.ori %or3A_917, %ne3A_915 : i1
        %not3A_919 = arith.constant true
        %not3A_920 = arith.xori %eq3A_235, %not3A_919 : i1
        %and3A_921 = arith.andi %or3A_918, %not3A_920 : i1
        %convert_element_type3A_922 = arith.extui %and3A_921 : i1 to i32
        %cond3A_923 = arith.constant 0 : i32
        %cond3A_924 = arith.cmpi ne, %convert_element_type3A_922, %cond3A_923 : i32
        scf.if %cond3A_924 {
        } else {
        }
        %and3A_925 = arith.constant false
        %and3A_926 = arith.andi %and3A_921, %and3A_925 : i1
        %jit3A_927 = arith.constant 32 : i32
        %div3A_928 = arith.divsi %add3A_238, %jit3A_927 : i32
        %sign3A_929 = arith.constant 0 : i32
        %sign3A_930 = arith.cmpi sgt, %add3A_238, %sign3A_929 : i32
        %sign3A_931 = arith.extui %sign3A_930 : i1 to i32
        %sign3A_932 = arith.constant 0 : i32
        %sign3A_933 = arith.cmpi slt, %add3A_238, %sign3A_932 : i32
        %sign3A_934 = arith.extui %sign3A_933 : i1 to i32
        %sign3A_935 = arith.subi %sign3A_931, %sign3A_934 : i32
        %sign3A_936 = arith.constant 0 : i32
        %sign3A_937 = arith.cmpi sgt, %jit3A_927, %sign3A_936 : i32
        %sign3A_938 = arith.extui %sign3A_937 : i1 to i32
        %sign3A_939 = arith.constant 0 : i32
        %sign3A_940 = arith.cmpi slt, %jit3A_927, %sign3A_939 : i32
        %sign3A_941 = arith.extui %sign3A_940 : i1 to i32
        %sign3A_942 = arith.subi %sign3A_938, %sign3A_941 : i32
        %ne3A_943 = arith.cmpi ne, %sign3A_935, %sign3A_942 : i32
        %rem3A_944 = arith.remsi %add3A_238, %jit3A_927 : i32
        %ne3A_945 = arith.constant 0 : i32
        %ne3A_946 = arith.cmpi ne, %rem3A_944, %ne3A_945 : i32
        %and3A_947 = arith.andi %ne3A_943, %ne3A_946 : i1
        %sub3A_948 = arith.constant 1 : i32
        %sub3A_949 = arith.subi %div3A_928, %sub3A_948 : i32
        %select_n3A_950 = arith.select %and3A_947, %sub3A_949, %div3A_928 : i32
        %jit3A_951 = arith.constant 32 : i32
        %eq3A_952 = arith.constant 0 : i32
        %eq3A_953 = arith.cmpi eq, %jit3A_951, %eq3A_952 : i32
        %jit3A_954 = arith.constant 1 : i32
        %select_n3A_955 = arith.select %eq3A_953, %jit3A_954, %jit3A_951 : i32
        %rem3A_956 = arith.remsi %add3A_238, %select_n3A_955 : i32
        %ne3A_957 = arith.constant 0 : i32
        %ne3A_958 = arith.cmpi ne, %rem3A_956, %ne3A_957 : i32
        %lt3A_959 = arith.constant 0 : i32
        %lt3A_960 = arith.cmpi slt, %rem3A_956, %lt3A_959 : i32
        %lt3A_961 = arith.constant 0 : i32
        %lt3A_962 = arith.cmpi slt, %select_n3A_955, %lt3A_961 : i32
        %ne3A_963 = arith.xori %lt3A_960, %lt3A_962 : i1
        %and3A_964 = arith.andi %ne3A_963, %ne3A_958 : i1
        %add3A_965 = arith.addi %rem3A_956, %select_n3A_955 : i32
        %select_n3A_966 = arith.select %and3A_964, %add3A_965, %rem3A_956 : i32
        %jit3A_967 = arith.constant 32 : i32
        %div3A_968 = arith.divsi %add3A_247, %jit3A_967 : i32
        %sign3A_969 = arith.constant 0 : i32
        %sign3A_970 = arith.cmpi sgt, %add3A_247, %sign3A_969 : i32
        %sign3A_971 = arith.extui %sign3A_970 : i1 to i32
        %sign3A_972 = arith.constant 0 : i32
        %sign3A_973 = arith.cmpi slt, %add3A_247, %sign3A_972 : i32
        %sign3A_974 = arith.extui %sign3A_973 : i1 to i32
        %sign3A_975 = arith.subi %sign3A_971, %sign3A_974 : i32
        %sign3A_976 = arith.constant 0 : i32
        %sign3A_977 = arith.cmpi sgt, %jit3A_967, %sign3A_976 : i32
        %sign3A_978 = arith.extui %sign3A_977 : i1 to i32
        %sign3A_979 = arith.constant 0 : i32
        %sign3A_980 = arith.cmpi slt, %jit3A_967, %sign3A_979 : i32
        %sign3A_981 = arith.extui %sign3A_980 : i1 to i32
        %sign3A_982 = arith.subi %sign3A_978, %sign3A_981 : i32
        %ne3A_983 = arith.cmpi ne, %sign3A_975, %sign3A_982 : i32
        %rem3A_984 = arith.remsi %add3A_247, %jit3A_967 : i32
        %ne3A_985 = arith.constant 0 : i32
        %ne3A_986 = arith.cmpi ne, %rem3A_984, %ne3A_985 : i32
        %and3A_987 = arith.andi %ne3A_983, %ne3A_986 : i1
        %sub3A_988 = arith.constant 1 : i32
        %sub3A_989 = arith.subi %div3A_968, %sub3A_988 : i32
        %select_n3A_990 = arith.select %and3A_987, %sub3A_989, %div3A_968 : i32
        %jit3A_991 = arith.constant 32 : i32
        %eq3A_992 = arith.constant 0 : i32
        %eq3A_993 = arith.cmpi eq, %jit3A_991, %eq3A_992 : i32
        %jit3A_994 = arith.constant 1 : i32
        %select_n3A_995 = arith.select %eq3A_993, %jit3A_994, %jit3A_991 : i32
        %rem3A_996 = arith.remsi %add3A_247, %select_n3A_995 : i32
        %ne3A_997 = arith.constant 0 : i32
        %ne3A_998 = arith.cmpi ne, %rem3A_996, %ne3A_997 : i32
        %lt3A_999 = arith.constant 0 : i32
        %lt3A_1000 = arith.cmpi slt, %rem3A_996, %lt3A_999 : i32
        %lt3A_1001 = arith.constant 0 : i32
        %lt3A_1002 = arith.cmpi slt, %select_n3A_995, %lt3A_1001 : i32
        %ne3A_1003 = arith.xori %lt3A_1000, %lt3A_1002 : i1
        %and3A_1004 = arith.andi %ne3A_1003, %ne3A_998 : i1
        %add3A_1005 = arith.addi %rem3A_996, %select_n3A_995 : i32
        %select_n3A_1006 = arith.select %and3A_1004, %add3A_1005, %rem3A_996 : i32
        %ne3A_1007 = arith.cmpi ne, %select_n3A_950, %select_n3A_990 : i32
        %ne3A_1008 = arith.cmpi ne, %select_n3A_966, %select_n3A_1006 : i32
        %or3A_1009 = arith.constant false
        %or3A_1010 = arith.ori %or3A_1009, %ne3A_1007 : i1
        %or3A_1011 = arith.constant false
        %or3A_1012 = arith.ori %or3A_1010, %or3A_1011 : i1
        %or3A_1013 = arith.ori %or3A_1012, %ne3A_1008 : i1
        %or3A_1014 = arith.constant false
        %or3A_1015 = arith.ori %or3A_1013, %or3A_1014 : i1
        %not3A_1016 = arith.constant true
        %not3A_1017 = arith.xori %eq3A_235, %not3A_1016 : i1
        %and3A_1018 = arith.andi %or3A_1015, %not3A_1017 : i1
        %convert_element_type3A_1019 = arith.extui %and3A_1018 : i1 to i32
        %cond3A_1020 = arith.constant 0 : i32
        %cond3A_1021 = arith.cmpi ne, %convert_element_type3A_1019, %cond3A_1020 : i32
        scf.if %cond3A_1021 {
          "tpu.trace_start"() <{level = 10 : i32, message = "ep_wait_out"}> : () -> ()
          %rem3A_1124 = arith.constant 2 : i32
          %rem3A_1125 = arith.remui %scan3A_232, %rem3A_1124 : i32
          %jit3A_1126 = arith.constant 32 : i32
          %div3A_1127 = arith.divsi %add3A_247, %jit3A_1126 : i32
          %sign3A_1128 = arith.constant 0 : i32
          %sign3A_1129 = arith.cmpi sgt, %add3A_247, %sign3A_1128 : i32
          %sign3A_1130 = arith.extui %sign3A_1129 : i1 to i32
          %sign3A_1131 = arith.constant 0 : i32
          %sign3A_1132 = arith.cmpi slt, %add3A_247, %sign3A_1131 : i32
          %sign3A_1133 = arith.extui %sign3A_1132 : i1 to i32
          %sign3A_1134 = arith.subi %sign3A_1130, %sign3A_1133 : i32
          %sign3A_1135 = arith.constant 0 : i32
          %sign3A_1136 = arith.cmpi sgt, %jit3A_1126, %sign3A_1135 : i32
          %sign3A_1137 = arith.extui %sign3A_1136 : i1 to i32
          %sign3A_1138 = arith.constant 0 : i32
          %sign3A_1139 = arith.cmpi slt, %jit3A_1126, %sign3A_1138 : i32
          %sign3A_1140 = arith.extui %sign3A_1139 : i1 to i32
          %sign3A_1141 = arith.subi %sign3A_1137, %sign3A_1140 : i32
          %ne3A_1142 = arith.cmpi ne, %sign3A_1134, %sign3A_1141 : i32
          %rem3A_1143 = arith.remsi %add3A_247, %jit3A_1126 : i32
          %ne3A_1144 = arith.constant 0 : i32
          %ne3A_1145 = arith.cmpi ne, %rem3A_1143, %ne3A_1144 : i32
          %and3A_1146 = arith.andi %ne3A_1142, %ne3A_1145 : i1
          %sub3A_1147 = arith.constant 1 : i32
          %sub3A_1148 = arith.subi %div3A_1127, %sub3A_1147 : i32
          %select_n3A_1149 = arith.select %and3A_1146, %sub3A_1148, %div3A_1127 : i32
          %jit3A_1150 = arith.constant 32 : i32
          %eq3A_1151 = arith.constant 0 : i32
          %eq3A_1152 = arith.cmpi eq, %jit3A_1150, %eq3A_1151 : i32
          %jit3A_1153 = arith.constant 1 : i32
          %select_n3A_1154 = arith.select %eq3A_1152, %jit3A_1153, %jit3A_1150 : i32
          %rem3A_1155 = arith.remsi %add3A_247, %select_n3A_1154 : i32
          %ne3A_1156 = arith.constant 0 : i32
          %ne3A_1157 = arith.cmpi ne, %rem3A_1155, %ne3A_1156 : i32
          %lt3A_1158 = arith.constant 0 : i32
          %lt3A_1159 = arith.cmpi slt, %rem3A_1155, %lt3A_1158 : i32
          %lt3A_1160 = arith.constant 0 : i32
          %lt3A_1161 = arith.cmpi slt, %select_n3A_1154, %lt3A_1160 : i32
          %ne3A_1162 = arith.xori %lt3A_1159, %lt3A_1161 : i1
          %and3A_1163 = arith.andi %ne3A_1162, %ne3A_1157 : i1
          %add3A_1164 = arith.addi %rem3A_1155, %select_n3A_1154 : i32
          %select_n3A_1165 = arith.select %and3A_1163, %add3A_1164, %rem3A_1155 : i32
          %mul3A_1166 = arith.constant 1 : i32
          %mul3A_1167 = arith.muli %mul3A_1166, %select_n3A_1149 : i32
          %mul3A_1168 = arith.constant 128 : i32
          %mul3A_1169 = arith.muli %mul3A_1168, %select_n3A_1165 : i32
          %dma_wait3A_1170 = arith.constant 0 : i32
          %dma_wait3A_1171 = arith.constant 0 : i32
          %dma_wait3A_1172 = arith.constant 0 : i32
          %dma_wait3A_1173 = arith.constant 0 : i32
          %dma_wait3A_1174 = tpu.memref_slice %run_scoped3A_28[%rem3A_1125, %dma_wait3A_1170, %dma_wait3A_1171, %dma_wait3A_1172, %dma_wait3A_1173] : memref<2x1x1x128x128xf32, #tpu.memory_space<vmem>> -> memref<1x1x1x128x128xf32, #tpu.memory_space<vmem>>
          %dma_wait3A_1175 = tpu.memref_squeeze %dma_wait3A_1174 : memref<1x1x1x128x128xf32, #tpu.memory_space<vmem>> -> memref<1x1x128x128xf32, #tpu.memory_space<vmem>>
          %dma_wait3A_1176 = arith.constant 0 : i32
          %dma_wait3A_1177 = arith.constant 0 : i32
          %dma_wait3A_1178 = tpu.memref_slice %arg6[%mul3A_1167, %dma_wait3A_1176, %mul3A_1169, %dma_wait3A_1177] : memref<50x3x4096x128xf32, #tpu.memory_space<hbm>> -> memref<1x1x128x128xf32, #tpu.memory_space<hbm>>
          %dma_wait3A_1179 = tpu.memref_slice %run_scoped3A_29[%rem3A_1125] : memref<2x!tpu.dma_semaphore, #tpu.memory_space<semaphore_mem>> -> memref<1x!tpu.dma_semaphore, #tpu.memory_space<semaphore_mem>>
          %dma_wait3A_1180 = tpu.memref_squeeze %dma_wait3A_1179 : memref<1x!tpu.dma_semaphore, #tpu.memory_space<semaphore_mem>> -> memref<!tpu.dma_semaphore, #tpu.memory_space<semaphore_mem>>
          %dma_wait3A_1181 = arith.constant 0 : i32
          %dma_wait3A_1182 = arith.constant 0 : i32
          %dma_wait3A_1183 = tpu.memref_slice %arg6[%mul3A_1167, %dma_wait3A_1181, %mul3A_1169, %dma_wait3A_1182] : memref<50x3x4096x128xf32, #tpu.memory_space<hbm>> -> memref<1x1x128x128xf32, #tpu.memory_space<hbm>>
          %dma_wait3A_1184 = arith.constant 0 : i32
          %dma_wait3A_1185 = arith.constant 0 : i32
          %dma_wait3A_1186 = arith.constant 0 : i32
          %dma_wait3A_1187 = arith.constant 0 : i32
          %dma_wait3A_1188 = tpu.memref_slice %run_scoped3A_28[%rem3A_1125, %dma_wait3A_1184, %dma_wait3A_1185, %dma_wait3A_1186, %dma_wait3A_1187] : memref<2x1x1x128x128xf32, #tpu.memory_space<vmem>> -> memref<1x1x1x128x128xf32, #tpu.memory_space<vmem>>
          %dma_wait3A_1189 = tpu.memref_squeeze %dma_wait3A_1188 : memref<1x1x1x128x128xf32, #tpu.memory_space<vmem>> -> memref<1x1x128x128xf32, #tpu.memory_space<vmem>>
          tpu.wait_dma2 semaphore(%dma_wait3A_1180 : memref<!tpu.dma_semaphore, #tpu.memory_space<semaphore_mem>>) src(%dma_wait3A_1189 : memref<1x1x128x128xf32, #tpu.memory_space<vmem>>) dst(%dma_wait3A_1183 : memref<1x1x128x128xf32, #tpu.memory_space<hbm>>)
          "tpu.trace_stop"() : () -> ()
        } else {
        }
        %and3A_1022 = arith.constant true
        %and3A_1023 = arith.andi %and3A_1018, %and3A_1022 : i1
        %add3A_1024 = arith.constant 1 : i32
        %add3A_1025 = arith.addi %scan3A_232, %add3A_1024 : i32
        %select_n3A_1026 = arith.select %and3A_1023, %add3A_1025, %scan3A_232 : i32
        %jit3A_1027 = arith.constant 32 : i32
        %div3A_1028 = arith.divsi %add3A_238, %jit3A_1027 : i32
        %sign3A_1029 = arith.constant 0 : i32
        %sign3A_1030 = arith.cmpi sgt, %add3A_238, %sign3A_1029 : i32
        %sign3A_1031 = arith.extui %sign3A_1030 : i1 to i32
        %sign3A_1032 = arith.constant 0 : i32
        %sign3A_1033 = arith.cmpi slt, %add3A_238, %sign3A_1032 : i32
        %sign3A_1034 = arith.extui %sign3A_1033 : i1 to i32
        %sign3A_1035 = arith.subi %sign3A_1031, %sign3A_1034 : i32
        %sign3A_1036 = arith.constant 0 : i32
        %sign3A_1037 = arith.cmpi sgt, %jit3A_1027, %sign3A_1036 : i32
        %sign3A_1038 = arith.extui %sign3A_1037 : i1 to i32
        %sign3A_1039 = arith.constant 0 : i32
        %sign3A_1040 = arith.cmpi slt, %jit3A_1027, %sign3A_1039 : i32
        %sign3A_1041 = arith.extui %sign3A_1040 : i1 to i32
        %sign3A_1042 = arith.subi %sign3A_1038, %sign3A_1041 : i32
        %ne3A_1043 = arith.cmpi ne, %sign3A_1035, %sign3A_1042 : i32
        %rem3A_1044 = arith.remsi %add3A_238, %jit3A_1027 : i32
        %ne3A_1045 = arith.constant 0 : i32
        %ne3A_1046 = arith.cmpi ne, %rem3A_1044, %ne3A_1045 : i32
        %and3A_1047 = arith.andi %ne3A_1043, %ne3A_1046 : i1
        %sub3A_1048 = arith.constant 1 : i32
        %sub3A_1049 = arith.subi %div3A_1028, %sub3A_1048 : i32
        %select_n3A_1050 = arith.select %and3A_1047, %sub3A_1049, %div3A_1028 : i32
        %jit3A_1051 = arith.constant 32 : i32
        %eq3A_1052 = arith.constant 0 : i32
        %eq3A_1053 = arith.cmpi eq, %jit3A_1051, %eq3A_1052 : i32
        %jit3A_1054 = arith.constant 1 : i32
        %select_n3A_1055 = arith.select %eq3A_1053, %jit3A_1054, %jit3A_1051 : i32
        %rem3A_1056 = arith.remsi %add3A_238, %select_n3A_1055 : i32
        %ne3A_1057 = arith.constant 0 : i32
        %ne3A_1058 = arith.cmpi ne, %rem3A_1056, %ne3A_1057 : i32
        %lt3A_1059 = arith.constant 0 : i32
        %lt3A_1060 = arith.cmpi slt, %rem3A_1056, %lt3A_1059 : i32
        %lt3A_1061 = arith.constant 0 : i32
        %lt3A_1062 = arith.cmpi slt, %select_n3A_1055, %lt3A_1061 : i32
        %ne3A_1063 = arith.xori %lt3A_1060, %lt3A_1062 : i1
        %and3A_1064 = arith.andi %ne3A_1063, %ne3A_1058 : i1
        %add3A_1065 = arith.addi %rem3A_1056, %select_n3A_1055 : i32
        %select_n3A_1066 = arith.select %and3A_1064, %add3A_1065, %rem3A_1056 : i32
        %jit3A_1067 = arith.constant 32 : i32
        %div3A_1068 = arith.divsi %add3A_256, %jit3A_1067 : i32
        %sign3A_1069 = arith.constant 0 : i32
        %sign3A_1070 = arith.cmpi sgt, %add3A_256, %sign3A_1069 : i32
        %sign3A_1071 = arith.extui %sign3A_1070 : i1 to i32
        %sign3A_1072 = arith.constant 0 : i32
        %sign3A_1073 = arith.cmpi slt, %add3A_256, %sign3A_1072 : i32
        %sign3A_1074 = arith.extui %sign3A_1073 : i1 to i32
        %sign3A_1075 = arith.subi %sign3A_1071, %sign3A_1074 : i32
        %sign3A_1076 = arith.constant 0 : i32
        %sign3A_1077 = arith.cmpi sgt, %jit3A_1067, %sign3A_1076 : i32
        %sign3A_1078 = arith.extui %sign3A_1077 : i1 to i32
        %sign3A_1079 = arith.constant 0 : i32
        %sign3A_1080 = arith.cmpi slt, %jit3A_1067, %sign3A_1079 : i32
        %sign3A_1081 = arith.extui %sign3A_1080 : i1 to i32
        %sign3A_1082 = arith.subi %sign3A_1078, %sign3A_1081 : i32
        %ne3A_1083 = arith.cmpi ne, %sign3A_1075, %sign3A_1082 : i32
        %rem3A_1084 = arith.remsi %add3A_256, %jit3A_1067 : i32
        %ne3A_1085 = arith.constant 0 : i32
        %ne3A_1086 = arith.cmpi ne, %rem3A_1084, %ne3A_1085 : i32
        %and3A_1087 = arith.andi %ne3A_1083, %ne3A_1086 : i1
        %sub3A_1088 = arith.constant 1 : i32
        %sub3A_1089 = arith.subi %div3A_1068, %sub3A_1088 : i32
        %select_n3A_1090 = arith.select %and3A_1087, %sub3A_1089, %div3A_1068 : i32
        %jit3A_1091 = arith.constant 32 : i32
        %eq3A_1092 = arith.constant 0 : i32
        %eq3A_1093 = arith.cmpi eq, %jit3A_1091, %eq3A_1092 : i32
        %jit3A_1094 = arith.constant 1 : i32
        %select_n3A_1095 = arith.select %eq3A_1093, %jit3A_1094, %jit3A_1091 : i32
        %rem3A_1096 = arith.remsi %add3A_256, %select_n3A_1095 : i32
        %ne3A_1097 = arith.constant 0 : i32
        %ne3A_1098 = arith.cmpi ne, %rem3A_1096, %ne3A_1097 : i32
        %lt3A_1099 = arith.constant 0 : i32
        %lt3A_1100 = arith.cmpi slt, %rem3A_1096, %lt3A_1099 : i32
        %lt3A_1101 = arith.constant 0 : i32
        %lt3A_1102 = arith.cmpi slt, %select_n3A_1095, %lt3A_1101 : i32
        %ne3A_1103 = arith.xori %lt3A_1100, %lt3A_1102 : i1
        %and3A_1104 = arith.andi %ne3A_1103, %ne3A_1098 : i1
        %add3A_1105 = arith.addi %rem3A_1096, %select_n3A_1095 : i32
        %select_n3A_1106 = arith.select %and3A_1104, %add3A_1105, %rem3A_1096 : i32
        %ne3A_1107 = arith.cmpi ne, %select_n3A_1050, %select_n3A_1090 : i32
        %ne3A_1108 = arith.cmpi ne, %select_n3A_1066, %select_n3A_1106 : i32
        %or3A_1109 = arith.constant false
        %or3A_1110 = arith.ori %or3A_1109, %ne3A_1107 : i1
        %or3A_1111 = arith.ori %or3A_1110, %ne3A_1108 : i1
        %or3A_1112 = arith.ori %or3A_1111, %eq3A_237 : i1
        %add3A_1113 = arith.constant 1 : i32
        %add3A_1114 = arith.addi %scan3A_230, %add3A_1113 : i32
        %select_n3A_1115 = arith.select %or3A_1112, %add3A_1114, %scan3A_230 : i32
        %add3A_1116 = arith.constant 1 : i32
        %add3A_1117 = arith.addi %scan3A_233, %add3A_1116 : i32
        %select_n3A_1118 = arith.constant true
        %select_n3A_1119 = arith.select %select_n3A_1118, %add3A_1117, %scan3A_233 : i32
        %eq3A_1120 = arith.constant 50 : i32
        %eq3A_1121 = arith.cmpi eq, %select_n3A_1119, %eq3A_1120 : i32
        %select_n3A_1122 = arith.constant 0 : i32
        %select_n3A_1123 = arith.select %eq3A_1121, %select_n3A_1122, %select_n3A_1119 : i32
        scf.yield %select_n3A_360, %select_n3A_1115, %select_n3A_833, %select_n3A_1026, %select_n3A_1123 : i32, i32, i32, i32, i32
      }
      %scan3A_126 = arith.constant 50 : i32
      %sub3A_127 = arith.constant 1 : i32
      %sub3A_128 = arith.subi %scan3A_125#4, %sub3A_127 : i32
      %select_n3A_129 = arith.constant true
      %select_n3A_130 = arith.select %select_n3A_129, %sub3A_128, %scan3A_125#4 : i32
      %eq3A_131 = arith.constant -1 : i32
      %eq3A_132 = arith.cmpi eq, %select_n3A_130, %eq3A_131 : i32
      %select_n3A_133 = arith.constant 49 : i32
      %select_n3A_134 = arith.select %eq3A_132, %select_n3A_133, %select_n3A_130 : i32
      %add3A_135 = arith.addi %select_n3A_134, %mul3A_8 : i32
      %sub3A_136 = arith.constant 1 : i32
      %sub3A_137 = arith.subi %select_n3A_134, %sub3A_136 : i32
      %select_n3A_138 = arith.constant true
      %select_n3A_139 = arith.select %select_n3A_138, %sub3A_137, %select_n3A_134 : i32
      %eq3A_140 = arith.constant -1 : i32
      %eq3A_141 = arith.cmpi eq, %select_n3A_139, %eq3A_140 : i32
      %select_n3A_142 = arith.constant 49 : i32
      %select_n3A_143 = arith.select %eq3A_141, %select_n3A_142, %select_n3A_139 : i32
      %add3A_144 = arith.addi %select_n3A_143, %mul3A_8 : i32
      %add3A_145 = arith.constant 1 : i32
      %add3A_146 = arith.addi %select_n3A_134, %add3A_145 : i32
      %select_n3A_147 = arith.constant true
      %select_n3A_148 = arith.select %select_n3A_147, %add3A_146, %select_n3A_134 : i32
      %eq3A_149 = arith.constant 50 : i32
      %eq3A_150 = arith.cmpi eq, %select_n3A_148, %eq3A_149 : i32
      %select_n3A_151 = arith.constant 0 : i32
      %select_n3A_152 = arith.select %eq3A_150, %select_n3A_151, %select_n3A_148 : i32
      %add3A_153 = arith.addi %select_n3A_152, %mul3A_8 : i32
      %add3A_154 = arith.constant 1 : i32
      %add3A_155 = arith.addi %select_n3A_152, %add3A_154 : i32
      %select_n3A_156 = arith.constant true
      %select_n3A_157 = arith.select %select_n3A_156, %add3A_155, %select_n3A_152 : i32
      %eq3A_158 = arith.constant 50 : i32
      %eq3A_159 = arith.cmpi eq, %select_n3A_157, %eq3A_158 : i32
      %select_n3A_160 = arith.constant 0 : i32
      %select_n3A_161 = arith.select %eq3A_159, %select_n3A_160, %select_n3A_157 : i32
      %add3A_162 = arith.addi %select_n3A_161, %mul3A_8 : i32
      "tpu.trace_start"() <{level = 10 : i32, message = "ep_finalize"}> : () -> ()
      %rem3A_163 = arith.constant 2 : i32
      %rem3A_164 = arith.remui %scan3A_125#3, %rem3A_163 : i32
      %jit3A_165 = arith.constant 32 : i32
      %div3A_166 = arith.divsi %add3A_135, %jit3A_165 : i32
      %sign3A_167 = arith.constant 0 : i32
      %sign3A_168 = arith.cmpi sgt, %add3A_135, %sign3A_167 : i32
      %sign3A_169 = arith.extui %sign3A_168 : i1 to i32
      %sign3A_170 = arith.constant 0 : i32
      %sign3A_171 = arith.cmpi slt, %add3A_135, %sign3A_170 : i32
      %sign3A_172 = arith.extui %sign3A_171 : i1 to i32
      %sign3A_173 = arith.subi %sign3A_169, %sign3A_172 : i32
      %sign3A_174 = arith.constant 0 : i32
      %sign3A_175 = arith.cmpi sgt, %jit3A_165, %sign3A_174 : i32
      %sign3A_176 = arith.extui %sign3A_175 : i1 to i32
      %sign3A_177 = arith.constant 0 : i32
      %sign3A_178 = arith.cmpi slt, %jit3A_165, %sign3A_177 : i32
      %sign3A_179 = arith.extui %sign3A_178 : i1 to i32
      %sign3A_180 = arith.subi %sign3A_176, %sign3A_179 : i32
      %ne3A_181 = arith.cmpi ne, %sign3A_173, %sign3A_180 : i32
      %rem3A_182 = arith.remsi %add3A_135, %jit3A_165 : i32
      %ne3A_183 = arith.constant 0 : i32
      %ne3A_184 = arith.cmpi ne, %rem3A_182, %ne3A_183 : i32
      %and3A_185 = arith.andi %ne3A_181, %ne3A_184 : i1
      %sub3A_186 = arith.constant 1 : i32
      %sub3A_187 = arith.subi %div3A_166, %sub3A_186 : i32
      %select_n3A_188 = arith.select %and3A_185, %sub3A_187, %div3A_166 : i32
      %jit3A_189 = arith.constant 32 : i32
      %eq3A_190 = arith.constant 0 : i32
      %eq3A_191 = arith.cmpi eq, %jit3A_189, %eq3A_190 : i32
      %jit3A_192 = arith.constant 1 : i32
      %select_n3A_193 = arith.select %eq3A_191, %jit3A_192, %jit3A_189 : i32
      %rem3A_194 = arith.remsi %add3A_135, %select_n3A_193 : i32
      %ne3A_195 = arith.constant 0 : i32
      %ne3A_196 = arith.cmpi ne, %rem3A_194, %ne3A_195 : i32
      %lt3A_197 = arith.constant 0 : i32
      %lt3A_198 = arith.cmpi slt, %rem3A_194, %lt3A_197 : i32
      %lt3A_199 = arith.constant 0 : i32
      %lt3A_200 = arith.cmpi slt, %select_n3A_193, %lt3A_199 : i32
      %ne3A_201 = arith.xori %lt3A_198, %lt3A_200 : i1
      %and3A_202 = arith.andi %ne3A_201, %ne3A_196 : i1
      %add3A_203 = arith.addi %rem3A_194, %select_n3A_193 : i32
      %select_n3A_204 = arith.select %and3A_202, %add3A_203, %rem3A_194 : i32
      %mul3A_205 = arith.constant 1 : i32
      %mul3A_206 = arith.muli %mul3A_205, %select_n3A_188 : i32
      %mul3A_207 = arith.constant 128 : i32
      %mul3A_208 = arith.muli %mul3A_207, %select_n3A_204 : i32
      %dma_wait3A = arith.constant 0 : i32
      %dma_wait3A_209 = arith.constant 0 : i32
      %dma_wait3A_210 = arith.constant 0 : i32
      %dma_wait3A_211 = arith.constant 0 : i32
      %dma_wait3A_212 = tpu.memref_slice %run_scoped3A_28[%rem3A_164, %dma_wait3A, %dma_wait3A_209, %dma_wait3A_210, %dma_wait3A_211] : memref<2x1x1x128x128xf32, #tpu.memory_space<vmem>> -> memref<1x1x1x128x128xf32, #tpu.memory_space<vmem>>
      %dma_wait3A_213 = tpu.memref_squeeze %dma_wait3A_212 : memref<1x1x1x128x128xf32, #tpu.memory_space<vmem>> -> memref<1x1x128x128xf32, #tpu.memory_space<vmem>>
      %dma_wait3A_214 = arith.constant 0 : i32
      %dma_wait3A_215 = arith.constant 0 : i32
      %dma_wait3A_216 = tpu.memref_slice %arg6[%mul3A_206, %dma_wait3A_214, %mul3A_208, %dma_wait3A_215] : memref<50x3x4096x128xf32, #tpu.memory_space<hbm>> -> memref<1x1x128x128xf32, #tpu.memory_space<hbm>>
      %dma_wait3A_217 = tpu.memref_slice %run_scoped3A_29[%rem3A_164] : memref<2x!tpu.dma_semaphore, #tpu.memory_space<semaphore_mem>> -> memref<1x!tpu.dma_semaphore, #tpu.memory_space<semaphore_mem>>
      %dma_wait3A_218 = tpu.memref_squeeze %dma_wait3A_217 : memref<1x!tpu.dma_semaphore, #tpu.memory_space<semaphore_mem>> -> memref<!tpu.dma_semaphore, #tpu.memory_space<semaphore_mem>>
      %dma_wait3A_219 = arith.constant 0 : i32
      %dma_wait3A_220 = arith.constant 0 : i32
      %dma_wait3A_221 = tpu.memref_slice %arg6[%mul3A_206, %dma_wait3A_219, %mul3A_208, %dma_wait3A_220] : memref<50x3x4096x128xf32, #tpu.memory_space<hbm>> -> memref<1x1x128x128xf32, #tpu.memory_space<hbm>>
      %dma_wait3A_222 = arith.constant 0 : i32
      %dma_wait3A_223 = arith.constant 0 : i32
      %dma_wait3A_224 = arith.constant 0 : i32
      %dma_wait3A_225 = arith.constant 0 : i32
      %dma_wait3A_226 = tpu.memref_slice %run_scoped3A_28[%rem3A_164, %dma_wait3A_222, %dma_wait3A_223, %dma_wait3A_224, %dma_wait3A_225] : memref<2x1x1x128x128xf32, #tpu.memory_space<vmem>> -> memref<1x1x1x128x128xf32, #tpu.memory_space<vmem>>
      %dma_wait3A_227 = tpu.memref_squeeze %dma_wait3A_226 : memref<1x1x1x128x128xf32, #tpu.memory_space<vmem>> -> memref<1x1x128x128xf32, #tpu.memory_space<vmem>>
      tpu.wait_dma2 semaphore(%dma_wait3A_218 : memref<!tpu.dma_semaphore, #tpu.memory_space<semaphore_mem>>) src(%dma_wait3A_227 : memref<1x1x128x128xf32, #tpu.memory_space<vmem>>) dst(%dma_wait3A_221 : memref<1x1x128x128xf32, #tpu.memory_space<hbm>>)
      "tpu.trace_stop"() : () -> ()
      tpu.yield
    }) : () -> ()
    %mul3A_9 = arith.constant 1 : i32
    %mul3A_10 = arith.muli %arg1, %mul3A_9 : i32
    %add3A_11 = arith.constant 0 : i32
    %add3A_12 = arith.addi %add3A_11, %mul3A_10 : i32
    %mul3A_13 = arith.constant 16 : i32
    %mul3A_14 = arith.muli %arg0, %mul3A_13 : i32
    %add3A_15 = arith.addi %add3A_12, %mul3A_14 : i32
    %mul3A_16 = arith.constant 50 : i32
    %mul3A_17 = arith.muli %add3A_15, %mul3A_16 : i32
    "tpu.region"() ({
      %run_scoped3A = memref.alloca() : memref<2x1x1x128xi32, #tpu.memory_space<vmem>>
      %run_scoped3A_27 = tpu.sem_alloc : memref<2x!tpu.dma_semaphore, #tpu.memory_space<semaphore_mem>>
      %run_scoped3A_28 = memref.alloca() : memref<2x1x1x128x128xf32, #tpu.memory_space<vmem>>
      %run_scoped3A_29 = tpu.sem_alloc : memref<2x!tpu.dma_semaphore, #tpu.memory_space<semaphore_mem>>
      %add3A_30 = arith.constant 0 : i32
      %add3A_31 = arith.addi %add3A_30, %mul3A_17 : i32
      %select_n3A = arith.constant true
      %select_n3A_32 = arith.constant 0 : i32
      %select_n3A_33 = arith.constant -1 : i32
      %select_n3A_34 = arith.select %select_n3A, %select_n3A_33, %select_n3A_32 : i32
      %eq3A_35 = arith.constant -1 : i32
      %eq3A_36 = arith.cmpi eq, %select_n3A_34, %eq3A_35 : i32
      %select_n3A_37 = arith.constant 49 : i32
      %select_n3A_38 = arith.select %eq3A_36, %select_n3A_37, %select_n3A_34 : i32
      %add3A_39 = arith.addi %select_n3A_38, %mul3A_17 : i32
      %select_n3A_40 = arith.constant true
      %select_n3A_41 = arith.constant 0 : i32
      %select_n3A_42 = arith.constant 1 : i32
      %select_n3A_43 = arith.select %select_n3A_40, %select_n3A_42, %select_n3A_41 : i32
      %eq3A_44 = arith.constant 50 : i32
      %eq3A_45 = arith.cmpi eq, %select_n3A_43, %eq3A_44 : i32
      %select_n3A_46 = arith.constant 0 : i32
      %select_n3A_47 = arith.select %eq3A_45, %select_n3A_46, %select_n3A_43 : i32
      %add3A_48 = arith.addi %select_n3A_47, %mul3A_17 : i32
      %add3A_49 = arith.constant 1 : i32
      %add3A_50 = arith.addi %select_n3A_47, %add3A_49 : i32
      %select_n3A_51 = arith.constant true
      %select_n3A_52 = arith.select %select_n3A_51, %add3A_50, %select_n3A_47 : i32
      %eq3A_53 = arith.constant 50 : i32
      %eq3A_54 = arith.cmpi eq, %select_n3A_52, %eq3A_53 : i32
      %select_n3A_55 = arith.constant 0 : i32
      %select_n3A_56 = arith.select %eq3A_54, %select_n3A_55, %select_n3A_52 : i32
      %add3A_57 = arith.addi %select_n3A_56, %mul3A_17 : i32
      "tpu.trace_start"() <{level = 10 : i32, message = "ep_initialize_0"}> : () -> ()
      %rem3A = arith.constant 0 : i32
      %rem3A_58 = arith.constant 2 : i32
      %rem3A_59 = arith.remui %rem3A, %rem3A_58 : i32
      %jit3A = arith.constant 32 : i32
      %div3A = arith.divsi %add3A_31, %jit3A : i32
      %sign3A = arith.constant 0 : i32
      %sign3A_60 = arith.cmpi sgt, %add3A_31, %sign3A : i32
      %sign3A_61 = arith.extui %sign3A_60 : i1 to i32
      %sign3A_62 = arith.constant 0 : i32
      %sign3A_63 = arith.cmpi slt, %add3A_31, %sign3A_62 : i32
      %sign3A_64 = arith.extui %sign3A_63 : i1 to i32
      %sign3A_65 = arith.subi %sign3A_61, %sign3A_64 : i32
      %sign3A_66 = arith.constant 0 : i32
      %sign3A_67 = arith.cmpi sgt, %jit3A, %sign3A_66 : i32
      %sign3A_68 = arith.extui %sign3A_67 : i1 to i32
      %sign3A_69 = arith.constant 0 : i32
      %sign3A_70 = arith.cmpi slt, %jit3A, %sign3A_69 : i32
      %sign3A_71 = arith.extui %sign3A_70 : i1 to i32
      %sign3A_72 = arith.subi %sign3A_68, %sign3A_71 : i32
      %ne3A = arith.cmpi ne, %sign3A_65, %sign3A_72 : i32
      %rem3A_73 = arith.remsi %add3A_31, %jit3A : i32
      %ne3A_74 = arith.constant 0 : i32
      %ne3A_75 = arith.cmpi ne, %rem3A_73, %ne3A_74 : i32
      %and3A = arith.andi %ne3A, %ne3A_75 : i1
      %sub3A = arith.constant 1 : i32
      %sub3A_76 = arith.subi %div3A, %sub3A : i32
      %select_n3A_77 = arith.select %and3A, %sub3A_76, %div3A : i32
      %jit3A_78 = arith.constant 32 : i32
      %eq3A_79 = arith.constant 0 : i32
      %eq3A_80 = arith.cmpi eq, %jit3A_78, %eq3A_79 : i32
      %jit3A_81 = arith.constant 1 : i32
      %select_n3A_82 = arith.select %eq3A_80, %jit3A_81, %jit3A_78 : i32
      %rem3A_83 = arith.remsi %add3A_31, %select_n3A_82 : i32
      %ne3A_84 = arith.constant 0 : i32
      %ne3A_85 = arith.cmpi ne, %rem3A_83, %ne3A_84 : i32
      %lt3A = arith.constant 0 : i32
      %lt3A_86 = arith.cmpi slt, %rem3A_83, %lt3A : i32
      %lt3A_87 = arith.constant 0 : i32
      %lt3A_88 = arith.cmpi slt, %select_n3A_82, %lt3A_87 : i32
      %ne3A_89 = arith.xori %lt3A_86, %lt3A_88 : i1
      %and3A_90 = arith.andi %ne3A_89, %ne3A_85 : i1
      %add3A_91 = arith.addi %rem3A_83, %select_n3A_82 : i32
      %select_n3A_92 = arith.select %and3A_90, %add3A_91, %rem3A_83 : i32
      %mul3A_93 = arith.constant 1 : i32
      %mul3A_94 = arith.muli %mul3A_93, %select_n3A_77 : i32
      %mul3A_95 = arith.constant 128 : i32
      %mul3A_96 = arith.muli %mul3A_95, %select_n3A_92 : i32
      %dma_start3A = arith.constant 0 : i32
      %dma_start3A_97 = arith.constant 0 : i32
      %dma_start3A_98 = arith.constant 0 : i32
      %dma_start3A_99 = tpu.memref_slice %run_scoped3A[%rem3A_59, %dma_start3A, %dma_start3A_97, %dma_start3A_98] : memref<2x1x1x128xi32, #tpu.memory_space<vmem>> -> memref<1x1x1x128xi32, #tpu.memory_space<vmem>>
      %dma_start3A_100 = tpu.memref_squeeze %dma_start3A_99 : memref<1x1x1x128xi32, #tpu.memory_space<vmem>> -> memref<1x1x128xi32, #tpu.memory_space<vmem>>
      %dma_start3A_101 = arith.constant 1 : i32
      %dma_start3A_102 = tpu.memref_slice %arg5[%dma_start3A_101, %mul3A_94, %mul3A_96] : memref<3x50x4096xi32, #tpu.memory_space<hbm>> -> memref<1x1x128xi32, #tpu.memory_space<hbm>>
      %dma_start3A_103 = tpu.memref_slice %run_scoped3A_27[%rem3A_59] : memref<2x!tpu.dma_semaphore, #tpu.memory_space<semaphore_mem>> -> memref<1x!tpu.dma_semaphore, #tpu.memory_space<semaphore_mem>>
      %dma_start3A_104 = tpu.memref_squeeze %dma_start3A_103 : memref<1x!tpu.dma_semaphore, #tpu.memory_space<semaphore_mem>> -> memref<!tpu.dma_semaphore, #tpu.memory_space<semaphore_mem>>
      %dma_start3A_105 = arith.constant 0 : i32
      %dma_start3A_106 = arith.constant 0 : i32
      %dma_start3A_107 = arith.constant 0 : i32
      %dma_start3A_108 = tpu.memref_slice %run_scoped3A[%rem3A_59, %dma_start3A_105, %dma_start3A_106, %dma_start3A_107] : memref<2x1x1x128xi32, #tpu.memory_space<vmem>> -> memref<1x1x1x128xi32, #tpu.memory_space<vmem>>
      %dma_start3A_109 = tpu.memref_squeeze %dma_start3A_108 : memref<1x1x1x128xi32, #tpu.memory_space<vmem>> -> memref<1x1x128xi32, #tpu.memory_space<vmem>>
      %dma_start3A_110 = arith.constant 1 : i32
      %dma_start3A_111 = tpu.memref_slice %arg5[%dma_start3A_110, %mul3A_94, %mul3A_96] : memref<3x50x4096xi32, #tpu.memory_space<hbm>> -> memref<1x1x128xi32, #tpu.memory_space<hbm>>
      tpu.enqueue_dma source(%dma_start3A_111 : memref<1x1x128xi32, #tpu.memory_space<hbm>>) target(%dma_start3A_109 : memref<1x1x128xi32, #tpu.memory_space<vmem>>) target_semaphore(%dma_start3A_104 : memref<!tpu.dma_semaphore, #tpu.memory_space<semaphore_mem>>)
      %add3A_112 = arith.constant 0 : i32
      %add3A_113 = arith.constant 1 : i32
      %add3A_114 = arith.addi %add3A_112, %add3A_113 : i32
      %select_n3A_115 = arith.constant true
      %select_n3A_116 = arith.constant 0 : i32
      %select_n3A_117 = arith.select %select_n3A_115, %add3A_114, %select_n3A_116 : i32
      "tpu.trace_stop"() : () -> ()
      %scan3A = arith.constant 0 : i32
      %scan3A_118 = arith.constant 0 : i32
      %scan3A_119 = arith.constant 0 : i32
      %scan3A_120 = arith.constant 0 : i32
      %scan3A_121 = arith.constant 0 : i32
      %scan3A_122 = arith.constant 50 : i32
      %scan3A_123 = arith.addi %scan3A_121, %scan3A_122 : i32
      %scan3A_124 = arith.constant 1 : i32
      %scan3A_125:5 = scf.for %scan3A_228 = %scan3A_121 to %scan3A_123 step %scan3A_124 iter_args(%scan3A_229 = %select_n3A_117, %scan3A_230 = %scan3A, %scan3A_231 = %scan3A_118, %scan3A_232 = %scan3A_119, %scan3A_233 = %scan3A_120) -> (i32, i32, i32, i32, i32)  : i32 {
        %eq3A_234 = arith.constant 0 : i32
        %eq3A_235 = arith.cmpi eq, %scan3A_228, %eq3A_234 : i32
        %eq3A_236 = arith.constant 49 : i32
        %eq3A_237 = arith.cmpi eq, %scan3A_228, %eq3A_236 : i32
        %add3A_238 = arith.addi %scan3A_233, %mul3A_17 : i32
        %sub3A_239 = arith.constant 1 : i32
        %sub3A_240 = arith.subi %scan3A_233, %sub3A_239 : i32
        %select_n3A_241 = arith.constant true
        %select_n3A_242 = arith.select %select_n3A_241, %sub3A_240, %scan3A_233 : i32
        %eq3A_243 = arith.constant -1 : i32
        %eq3A_244 = arith.cmpi eq, %select_n3A_242, %eq3A_243 : i32
        %select_n3A_245 = arith.constant 49 : i32
        %select_n3A_246 = arith.select %eq3A_244, %select_n3A_245, %select_n3A_242 : i32
        %add3A_247 = arith.addi %select_n3A_246, %mul3A_17 : i32
        %add3A_248 = arith.constant 1 : i32
        %add3A_249 = arith.addi %scan3A_233, %add3A_248 : i32
        %select_n3A_250 = arith.constant true
        %select_n3A_251 = arith.select %select_n3A_250, %add3A_249, %scan3A_233 : i32
        %eq3A_252 = arith.constant 50 : i32
        %eq3A_253 = arith.cmpi eq, %select_n3A_251, %eq3A_252 : i32
        %select_n3A_254 = arith.constant 0 : i32
        %select_n3A_255 = arith.select %eq3A_253, %select_n3A_254, %select_n3A_251 : i32
        %add3A_256 = arith.addi %select_n3A_255, %mul3A_17 : i32
        %add3A_257 = arith.constant 1 : i32
        %add3A_258 = arith.addi %select_n3A_255, %add3A_257 : i32
        %select_n3A_259 = arith.constant true
        %select_n3A_260 = arith.select %select_n3A_259, %add3A_258, %select_n3A_255 : i32
        %eq3A_261 = arith.constant 50 : i32
        %eq3A_262 = arith.cmpi eq, %select_n3A_260, %eq3A_261 : i32
        %select_n3A_263 = arith.constant 0 : i32
        %select_n3A_264 = arith.select %eq3A_262, %select_n3A_263, %select_n3A_260 : i32
        %add3A_265 = arith.addi %select_n3A_264, %mul3A_17 : i32
        %jit3A_266 = arith.constant 32 : i32
        %div3A_267 = arith.divsi %add3A_238, %jit3A_266 : i32
        %sign3A_268 = arith.constant 0 : i32
        %sign3A_269 = arith.cmpi sgt, %add3A_238, %sign3A_268 : i32
        %sign3A_270 = arith.extui %sign3A_269 : i1 to i32
        %sign3A_271 = arith.constant 0 : i32
        %sign3A_272 = arith.cmpi slt, %add3A_238, %sign3A_271 : i32
        %sign3A_273 = arith.extui %sign3A_272 : i1 to i32
        %sign3A_274 = arith.subi %sign3A_270, %sign3A_273 : i32
        %sign3A_275 = arith.constant 0 : i32
        %sign3A_276 = arith.cmpi sgt, %jit3A_266, %sign3A_275 : i32
        %sign3A_277 = arith.extui %sign3A_276 : i1 to i32
        %sign3A_278 = arith.constant 0 : i32
        %sign3A_279 = arith.cmpi slt, %jit3A_266, %sign3A_278 : i32
        %sign3A_280 = arith.extui %sign3A_279 : i1 to i32
        %sign3A_281 = arith.subi %sign3A_277, %sign3A_280 : i32
        %ne3A_282 = arith.cmpi ne, %sign3A_274, %sign3A_281 : i32
        %rem3A_283 = arith.remsi %add3A_238, %jit3A_266 : i32
        %ne3A_284 = arith.constant 0 : i32
        %ne3A_285 = arith.cmpi ne, %rem3A_283, %ne3A_284 : i32
        %and3A_286 = arith.andi %ne3A_282, %ne3A_285 : i1
        %sub3A_287 = arith.constant 1 : i32
        %sub3A_288 = arith.subi %div3A_267, %sub3A_287 : i32
        %select_n3A_289 = arith.select %and3A_286, %sub3A_288, %div3A_267 : i32
        %jit3A_290 = arith.constant 32 : i32
        %eq3A_291 = arith.constant 0 : i32
        %eq3A_292 = arith.cmpi eq, %jit3A_290, %eq3A_291 : i32
        %jit3A_293 = arith.constant 1 : i32
        %select_n3A_294 = arith.select %eq3A_292, %jit3A_293, %jit3A_290 : i32
        %rem3A_295 = arith.remsi %add3A_238, %select_n3A_294 : i32
        %ne3A_296 = arith.constant 0 : i32
        %ne3A_297 = arith.cmpi ne, %rem3A_295, %ne3A_296 : i32
        %lt3A_298 = arith.constant 0 : i32
        %lt3A_299 = arith.cmpi slt, %rem3A_295, %lt3A_298 : i32
        %lt3A_300 = arith.constant 0 : i32
        %lt3A_301 = arith.cmpi slt, %select_n3A_294, %lt3A_300 : i32
        %ne3A_302 = arith.xori %lt3A_299, %lt3A_301 : i1
        %and3A_303 = arith.andi %ne3A_302, %ne3A_297 : i1
        %add3A_304 = arith.addi %rem3A_295, %select_n3A_294 : i32
        %select_n3A_305 = arith.select %and3A_303, %add3A_304, %rem3A_295 : i32
        %jit3A_306 = arith.constant 32 : i32
        %div3A_307 = arith.divsi %add3A_256, %jit3A_306 : i32
        %sign3A_308 = arith.constant 0 : i32
        %sign3A_309 = arith.cmpi sgt, %add3A_256, %sign3A_308 : i32
        %sign3A_310 = arith.extui %sign3A_309 : i1 to i32
        %sign3A_311 = arith.constant 0 : i32
        %sign3A_312 = arith.cmpi slt, %add3A_256, %sign3A_311 : i32
        %sign3A_313 = arith.extui %sign3A_312 : i1 to i32
        %sign3A_314 = arith.subi %sign3A_310, %sign3A_313 : i32
        %sign3A_315 = arith.constant 0 : i32
        %sign3A_316 = arith.cmpi sgt, %jit3A_306, %sign3A_315 : i32
        %sign3A_317 = arith.extui %sign3A_316 : i1 to i32
        %sign3A_318 = arith.constant 0 : i32
        %sign3A_319 = arith.cmpi slt, %jit3A_306, %sign3A_318 : i32
        %sign3A_320 = arith.extui %sign3A_319 : i1 to i32
        %sign3A_321 = arith.subi %sign3A_317, %sign3A_320 : i32
        %ne3A_322 = arith.cmpi ne, %sign3A_314, %sign3A_321 : i32
        %rem3A_323 = arith.remsi %add3A_256, %jit3A_306 : i32
        %ne3A_324 = arith.constant 0 : i32
        %ne3A_325 = arith.cmpi ne, %rem3A_323, %ne3A_324 : i32
        %and3A_326 = arith.andi %ne3A_322, %ne3A_325 : i1
        %sub3A_327 = arith.constant 1 : i32
        %sub3A_328 = arith.subi %div3A_307, %sub3A_327 : i32
        %select_n3A_329 = arith.select %and3A_326, %sub3A_328, %div3A_307 : i32
        %jit3A_330 = arith.constant 32 : i32
        %eq3A_331 = arith.constant 0 : i32
        %eq3A_332 = arith.cmpi eq, %jit3A_330, %eq3A_331 : i32
        %jit3A_333 = arith.constant 1 : i32
        %select_n3A_334 = arith.select %eq3A_332, %jit3A_333, %jit3A_330 : i32
        %rem3A_335 = arith.remsi %add3A_256, %select_n3A_334 : i32
        %ne3A_336 = arith.constant 0 : i32
        %ne3A_337 = arith.cmpi ne, %rem3A_335, %ne3A_336 : i32
        %lt3A_338 = arith.constant 0 : i32
        %lt3A_339 = arith.cmpi slt, %rem3A_335, %lt3A_338 : i32
        %lt3A_340 = arith.constant 0 : i32
        %lt3A_341 = arith.cmpi slt, %select_n3A_334, %lt3A_340 : i32
        %ne3A_342 = arith.xori %lt3A_339, %lt3A_341 : i1
        %and3A_343 = arith.andi %ne3A_342, %ne3A_337 : i1
        %add3A_344 = arith.addi %rem3A_335, %select_n3A_334 : i32
        %select_n3A_345 = arith.select %and3A_343, %add3A_344, %rem3A_335 : i32
        %ne3A_346 = arith.cmpi ne, %select_n3A_289, %select_n3A_329 : i32
        %ne3A_347 = arith.cmpi ne, %select_n3A_305, %select_n3A_345 : i32
        %or3A = arith.constant false
        %or3A_348 = arith.ori %or3A, %ne3A_346 : i1
        %or3A_349 = arith.ori %or3A_348, %ne3A_347 : i1
        %ge3A = arith.constant 49 : i32
        %ge3A_350 = arith.cmpi sge, %scan3A_228, %ge3A : i32
        %not3A = arith.constant true
        %not3A_351 = arith.xori %ge3A_350, %not3A : i1
        %and3A_352 = arith.andi %or3A_349, %not3A_351 : i1
        %convert_element_type3A_353 = arith.extui %and3A_352 : i1 to i32
        %cond3A_354 = arith.constant 0 : i32
        %cond3A_355 = arith.cmpi ne, %convert_element_type3A_353, %cond3A_354 : i32
        scf.if %cond3A_355 {
          "tpu.trace_start"() <{level = 10 : i32, message = "ep_copy_in"}> : () -> ()
          %rem3A_1124 = arith.constant 2 : i32
          %rem3A_1125 = arith.remui %scan3A_229, %rem3A_1124 : i32
          %jit3A_1126 = arith.constant 32 : i32
          %div3A_1127 = arith.divsi %add3A_256, %jit3A_1126 : i32
          %sign3A_1128 = arith.constant 0 : i32
          %sign3A_1129 = arith.cmpi sgt, %add3A_256, %sign3A_1128 : i32
          %sign3A_1130 = arith.extui %sign3A_1129 : i1 to i32
          %sign3A_1131 = arith.constant 0 : i32
          %sign3A_1132 = arith.cmpi slt, %add3A_256, %sign3A_1131 : i32
          %sign3A_1133 = arith.extui %sign3A_1132 : i1 to i32
          %sign3A_1134 = arith.subi %sign3A_1130, %sign3A_1133 : i32
          %sign3A_1135 = arith.constant 0 : i32
          %sign3A_1136 = arith.cmpi sgt, %jit3A_1126, %sign3A_1135 : i32
          %sign3A_1137 = arith.extui %sign3A_1136 : i1 to i32
          %sign3A_1138 = arith.constant 0 : i32
          %sign3A_1139 = arith.cmpi slt, %jit3A_1126, %sign3A_1138 : i32
          %sign3A_1140 = arith.extui %sign3A_1139 : i1 to i32
          %sign3A_1141 = arith.subi %sign3A_1137, %sign3A_1140 : i32
          %ne3A_1142 = arith.cmpi ne, %sign3A_1134, %sign3A_1141 : i32
          %rem3A_1143 = arith.remsi %add3A_256, %jit3A_1126 : i32
          %ne3A_1144 = arith.constant 0 : i32
          %ne3A_1145 = arith.cmpi ne, %rem3A_1143, %ne3A_1144 : i32
          %and3A_1146 = arith.andi %ne3A_1142, %ne3A_1145 : i1
          %sub3A_1147 = arith.constant 1 : i32
          %sub3A_1148 = arith.subi %div3A_1127, %sub3A_1147 : i32
          %select_n3A_1149 = arith.select %and3A_1146, %sub3A_1148, %div3A_1127 : i32
          %jit3A_1150 = arith.constant 32 : i32
          %eq3A_1151 = arith.constant 0 : i32
          %eq3A_1152 = arith.cmpi eq, %jit3A_1150, %eq3A_1151 : i32
          %jit3A_1153 = arith.constant 1 : i32
          %select_n3A_1154 = arith.select %eq3A_1152, %jit3A_1153, %jit3A_1150 : i32
          %rem3A_1155 = arith.remsi %add3A_256, %select_n3A_1154 : i32
          %ne3A_1156 = arith.constant 0 : i32
          %ne3A_1157 = arith.cmpi ne, %rem3A_1155, %ne3A_1156 : i32
          %lt3A_1158 = arith.constant 0 : i32
          %lt3A_1159 = arith.cmpi slt, %rem3A_1155, %lt3A_1158 : i32
          %lt3A_1160 = arith.constant 0 : i32
          %lt3A_1161 = arith.cmpi slt, %select_n3A_1154, %lt3A_1160 : i32
          %ne3A_1162 = arith.xori %lt3A_1159, %lt3A_1161 : i1
          %and3A_1163 = arith.andi %ne3A_1162, %ne3A_1157 : i1
          %add3A_1164 = arith.addi %rem3A_1155, %select_n3A_1154 : i32
          %select_n3A_1165 = arith.select %and3A_1163, %add3A_1164, %rem3A_1155 : i32
          %mul3A_1166 = arith.constant 1 : i32
          %mul3A_1167 = arith.muli %mul3A_1166, %select_n3A_1149 : i32
          %mul3A_1168 = arith.constant 128 : i32
          %mul3A_1169 = arith.muli %mul3A_1168, %select_n3A_1165 : i32
          %dma_start3A_1170 = arith.constant 0 : i32
          %dma_start3A_1171 = arith.constant 0 : i32
          %dma_start3A_1172 = arith.constant 0 : i32
          %dma_start3A_1173 = tpu.memref_slice %run_scoped3A[%rem3A_1125, %dma_start3A_1170, %dma_start3A_1171, %dma_start3A_1172] : memref<2x1x1x128xi32, #tpu.memory_space<vmem>> -> memref<1x1x1x128xi32, #tpu.memory_space<vmem>>
          %dma_start3A_1174 = tpu.memref_squeeze %dma_start3A_1173 : memref<1x1x1x128xi32, #tpu.memory_space<vmem>> -> memref<1x1x128xi32, #tpu.memory_space<vmem>>
          %dma_start3A_1175 = arith.constant 1 : i32
          %dma_start3A_1176 = tpu.memref_slice %arg5[%dma_start3A_1175, %mul3A_1167, %mul3A_1169] : memref<3x50x4096xi32, #tpu.memory_space<hbm>> -> memref<1x1x128xi32, #tpu.memory_space<hbm>>
          %dma_start3A_1177 = tpu.memref_slice %run_scoped3A_27[%rem3A_1125] : memref<2x!tpu.dma_semaphore, #tpu.memory_space<semaphore_mem>> -> memref<1x!tpu.dma_semaphore, #tpu.memory_space<semaphore_mem>>
          %dma_start3A_1178 = tpu.memref_squeeze %dma_start3A_1177 : memref<1x!tpu.dma_semaphore, #tpu.memory_space<semaphore_mem>> -> memref<!tpu.dma_semaphore, #tpu.memory_space<semaphore_mem>>
          %dma_start3A_1179 = arith.constant 0 : i32
          %dma_start3A_1180 = arith.constant 0 : i32
          %dma_start3A_1181 = arith.constant 0 : i32
          %dma_start3A_1182 = tpu.memref_slice %run_scoped3A[%rem3A_1125, %dma_start3A_1179, %dma_start3A_1180, %dma_start3A_1181] : memref<2x1x1x128xi32, #tpu.memory_space<vmem>> -> memref<1x1x1x128xi32, #tpu.memory_space<vmem>>
          %dma_start3A_1183 = tpu.memref_squeeze %dma_start3A_1182 : memref<1x1x1x128xi32, #tpu.memory_space<vmem>> -> memref<1x1x128xi32, #tpu.memory_space<vmem>>
          %dma_start3A_1184 = arith.constant 1 : i32
          %dma_start3A_1185 = tpu.memref_slice %arg5[%dma_start3A_1184, %mul3A_1167, %mul3A_1169] : memref<3x50x4096xi32, #tpu.memory_space<hbm>> -> memref<1x1x128xi32, #tpu.memory_space<hbm>>
          tpu.enqueue_dma source(%dma_start3A_1185 : memref<1x1x128xi32, #tpu.memory_space<hbm>>) target(%dma_start3A_1183 : memref<1x1x128xi32, #tpu.memory_space<vmem>>) target_semaphore(%dma_start3A_1178 : memref<!tpu.dma_semaphore, #tpu.memory_space<semaphore_mem>>)
          "tpu.trace_stop"() : () -> ()
        } else {
        }
        %and3A_356 = arith.constant true
        %and3A_357 = arith.andi %and3A_352, %and3A_356 : i1
        %add3A_358 = arith.constant 1 : i32
        %add3A_359 = arith.addi %scan3A_229, %add3A_358 : i32
        %select_n3A_360 = arith.select %and3A_357, %add3A_359, %scan3A_229 : i32
        %jit3A_361 = arith.constant 32 : i32
        %div3A_362 = arith.divsi %add3A_238, %jit3A_361 : i32
        %sign3A_363 = arith.constant 0 : i32
        %sign3A_364 = arith.cmpi sgt, %add3A_238, %sign3A_363 : i32
        %sign3A_365 = arith.extui %sign3A_364 : i1 to i32
        %sign3A_366 = arith.constant 0 : i32
        %sign3A_367 = arith.cmpi slt, %add3A_238, %sign3A_366 : i32
        %sign3A_368 = arith.extui %sign3A_367 : i1 to i32
        %sign3A_369 = arith.subi %sign3A_365, %sign3A_368 : i32
        %sign3A_370 = arith.constant 0 : i32
        %sign3A_371 = arith.cmpi sgt, %jit3A_361, %sign3A_370 : i32
        %sign3A_372 = arith.extui %sign3A_371 : i1 to i32
        %sign3A_373 = arith.constant 0 : i32
        %sign3A_374 = arith.cmpi slt, %jit3A_361, %sign3A_373 : i32
        %sign3A_375 = arith.extui %sign3A_374 : i1 to i32
        %sign3A_376 = arith.subi %sign3A_372, %sign3A_375 : i32
        %ne3A_377 = arith.cmpi ne, %sign3A_369, %sign3A_376 : i32
        %rem3A_378 = arith.remsi %add3A_238, %jit3A_361 : i32
        %ne3A_379 = arith.constant 0 : i32
        %ne3A_380 = arith.cmpi ne, %rem3A_378, %ne3A_379 : i32
        %and3A_381 = arith.andi %ne3A_377, %ne3A_380 : i1
        %sub3A_382 = arith.constant 1 : i32
        %sub3A_383 = arith.subi %div3A_362, %sub3A_382 : i32
        %select_n3A_384 = arith.select %and3A_381, %sub3A_383, %div3A_362 : i32
        %jit3A_385 = arith.constant 32 : i32
        %eq3A_386 = arith.constant 0 : i32
        %eq3A_387 = arith.cmpi eq, %jit3A_385, %eq3A_386 : i32
        %jit3A_388 = arith.constant 1 : i32
        %select_n3A_389 = arith.select %eq3A_387, %jit3A_388, %jit3A_385 : i32
        %rem3A_390 = arith.remsi %add3A_238, %select_n3A_389 : i32
        %ne3A_391 = arith.constant 0 : i32
        %ne3A_392 = arith.cmpi ne, %rem3A_390, %ne3A_391 : i32
        %lt3A_393 = arith.constant 0 : i32
        %lt3A_394 = arith.cmpi slt, %rem3A_390, %lt3A_393 : i32
        %lt3A_395 = arith.constant 0 : i32
        %lt3A_396 = arith.cmpi slt, %select_n3A_389, %lt3A_395 : i32
        %ne3A_397 = arith.xori %lt3A_394, %lt3A_396 : i1
        %and3A_398 = arith.andi %ne3A_397, %ne3A_392 : i1
        %add3A_399 = arith.addi %rem3A_390, %select_n3A_389 : i32
        %select_n3A_400 = arith.select %and3A_398, %add3A_399, %rem3A_390 : i32
        %jit3A_401 = arith.constant 32 : i32
        %div3A_402 = arith.divsi %add3A_256, %jit3A_401 : i32
        %sign3A_403 = arith.constant 0 : i32
        %sign3A_404 = arith.cmpi sgt, %add3A_256, %sign3A_403 : i32
        %sign3A_405 = arith.extui %sign3A_404 : i1 to i32
        %sign3A_406 = arith.constant 0 : i32
        %sign3A_407 = arith.cmpi slt, %add3A_256, %sign3A_406 : i32
        %sign3A_408 = arith.extui %sign3A_407 : i1 to i32
        %sign3A_409 = arith.subi %sign3A_405, %sign3A_408 : i32
        %sign3A_410 = arith.constant 0 : i32
        %sign3A_411 = arith.cmpi sgt, %jit3A_401, %sign3A_410 : i32
        %sign3A_412 = arith.extui %sign3A_411 : i1 to i32
        %sign3A_413 = arith.constant 0 : i32
        %sign3A_414 = arith.cmpi slt, %jit3A_401, %sign3A_413 : i32
        %sign3A_415 = arith.extui %sign3A_414 : i1 to i32
        %sign3A_416 = arith.subi %sign3A_412, %sign3A_415 : i32
        %ne3A_417 = arith.cmpi ne, %sign3A_409, %sign3A_416 : i32
        %rem3A_418 = arith.remsi %add3A_256, %jit3A_401 : i32
        %ne3A_419 = arith.constant 0 : i32
        %ne3A_420 = arith.cmpi ne, %rem3A_418, %ne3A_419 : i32
        %and3A_421 = arith.andi %ne3A_417, %ne3A_420 : i1
        %sub3A_422 = arith.constant 1 : i32
        %sub3A_423 = arith.subi %div3A_402, %sub3A_422 : i32
        %select_n3A_424 = arith.select %and3A_421, %sub3A_423, %div3A_402 : i32
        %jit3A_425 = arith.constant 32 : i32
        %eq3A_426 = arith.constant 0 : i32
        %eq3A_427 = arith.cmpi eq, %jit3A_425, %eq3A_426 : i32
        %jit3A_428 = arith.constant 1 : i32
        %select_n3A_429 = arith.select %eq3A_427, %jit3A_428, %jit3A_425 : i32
        %rem3A_430 = arith.remsi %add3A_256, %select_n3A_429 : i32
        %ne3A_431 = arith.constant 0 : i32
        %ne3A_432 = arith.cmpi ne, %rem3A_430, %ne3A_431 : i32
        %lt3A_433 = arith.constant 0 : i32
        %lt3A_434 = arith.cmpi slt, %rem3A_430, %lt3A_433 : i32
        %lt3A_435 = arith.constant 0 : i32
        %lt3A_436 = arith.cmpi slt, %select_n3A_429, %lt3A_435 : i32
        %ne3A_437 = arith.xori %lt3A_434, %lt3A_436 : i1
        %and3A_438 = arith.andi %ne3A_437, %ne3A_432 : i1
        %add3A_439 = arith.addi %rem3A_430, %select_n3A_429 : i32
        %select_n3A_440 = arith.select %and3A_438, %add3A_439, %rem3A_430 : i32
        %ne3A_441 = arith.cmpi ne, %select_n3A_384, %select_n3A_424 : i32
        %ne3A_442 = arith.cmpi ne, %select_n3A_400, %select_n3A_440 : i32
        %or3A_443 = arith.constant false
        %or3A_444 = arith.ori %or3A_443, %ne3A_441 : i1
        %or3A_445 = arith.constant false
        %or3A_446 = arith.ori %or3A_444, %or3A_445 : i1
        %or3A_447 = arith.ori %or3A_446, %ne3A_442 : i1
        %or3A_448 = arith.constant false
        %or3A_449 = arith.ori %or3A_447, %or3A_448 : i1
        %ge3A_450 = arith.constant 49 : i32
        %ge3A_451 = arith.cmpi sge, %scan3A_228, %ge3A_450 : i32
        %not3A_452 = arith.constant true
        %not3A_453 = arith.xori %ge3A_451, %not3A_452 : i1
        %and3A_454 = arith.andi %or3A_449, %not3A_453 : i1
        %jit3A_455 = arith.constant 32 : i32
        %div3A_456 = arith.divsi %add3A_238, %jit3A_455 : i32
        %sign3A_457 = arith.constant 0 : i32
        %sign3A_458 = arith.cmpi sgt, %add3A_238, %sign3A_457 : i32
        %sign3A_459 = arith.extui %sign3A_458 : i1 to i32
        %sign3A_460 = arith.constant 0 : i32
        %sign3A_461 = arith.cmpi slt, %add3A_238, %sign3A_460 : i32
        %sign3A_462 = arith.extui %sign3A_461 : i1 to i32
        %sign3A_463 = arith.subi %sign3A_459, %sign3A_462 : i32
        %sign3A_464 = arith.constant 0 : i32
        %sign3A_465 = arith.cmpi sgt, %jit3A_455, %sign3A_464 : i32
        %sign3A_466 = arith.extui %sign3A_465 : i1 to i32
        %sign3A_467 = arith.constant 0 : i32
        %sign3A_468 = arith.cmpi slt, %jit3A_455, %sign3A_467 : i32
        %sign3A_469 = arith.extui %sign3A_468 : i1 to i32
        %sign3A_470 = arith.subi %sign3A_466, %sign3A_469 : i32
        %ne3A_471 = arith.cmpi ne, %sign3A_463, %sign3A_470 : i32
        %rem3A_472 = arith.remsi %add3A_238, %jit3A_455 : i32
        %ne3A_473 = arith.constant 0 : i32
        %ne3A_474 = arith.cmpi ne, %rem3A_472, %ne3A_473 : i32
        %and3A_475 = arith.andi %ne3A_471, %ne3A_474 : i1
        %sub3A_476 = arith.constant 1 : i32
        %sub3A_477 = arith.subi %div3A_456, %sub3A_476 : i32
        %select_n3A_478 = arith.select %and3A_475, %sub3A_477, %div3A_456 : i32
        %jit3A_479 = arith.constant 32 : i32
        %eq3A_480 = arith.constant 0 : i32
        %eq3A_481 = arith.cmpi eq, %jit3A_479, %eq3A_480 : i32
        %jit3A_482 = arith.constant 1 : i32
        %select_n3A_483 = arith.select %eq3A_481, %jit3A_482, %jit3A_479 : i32
        %rem3A_484 = arith.remsi %add3A_238, %select_n3A_483 : i32
        %ne3A_485 = arith.constant 0 : i32
        %ne3A_486 = arith.cmpi ne, %rem3A_484, %ne3A_485 : i32
        %lt3A_487 = arith.constant 0 : i32
        %lt3A_488 = arith.cmpi slt, %rem3A_484, %lt3A_487 : i32
        %lt3A_489 = arith.constant 0 : i32
        %lt3A_490 = arith.cmpi slt, %select_n3A_483, %lt3A_489 : i32
        %ne3A_491 = arith.xori %lt3A_488, %lt3A_490 : i1
        %and3A_492 = arith.andi %ne3A_491, %ne3A_486 : i1
        %add3A_493 = arith.addi %rem3A_484, %select_n3A_483 : i32
        %select_n3A_494 = arith.select %and3A_492, %add3A_493, %rem3A_484 : i32
        %jit3A_495 = arith.constant 32 : i32
        %div3A_496 = arith.divsi %add3A_247, %jit3A_495 : i32
        %sign3A_497 = arith.constant 0 : i32
        %sign3A_498 = arith.cmpi sgt, %add3A_247, %sign3A_497 : i32
        %sign3A_499 = arith.extui %sign3A_498 : i1 to i32
        %sign3A_500 = arith.constant 0 : i32
        %sign3A_501 = arith.cmpi slt, %add3A_247, %sign3A_500 : i32
        %sign3A_502 = arith.extui %sign3A_501 : i1 to i32
        %sign3A_503 = arith.subi %sign3A_499, %sign3A_502 : i32
        %sign3A_504 = arith.constant 0 : i32
        %sign3A_505 = arith.cmpi sgt, %jit3A_495, %sign3A_504 : i32
        %sign3A_506 = arith.extui %sign3A_505 : i1 to i32
        %sign3A_507 = arith.constant 0 : i32
        %sign3A_508 = arith.cmpi slt, %jit3A_495, %sign3A_507 : i32
        %sign3A_509 = arith.extui %sign3A_508 : i1 to i32
        %sign3A_510 = arith.subi %sign3A_506, %sign3A_509 : i32
        %ne3A_511 = arith.cmpi ne, %sign3A_503, %sign3A_510 : i32
        %rem3A_512 = arith.remsi %add3A_247, %jit3A_495 : i32
        %ne3A_513 = arith.constant 0 : i32
        %ne3A_514 = arith.cmpi ne, %rem3A_512, %ne3A_513 : i32
        %and3A_515 = arith.andi %ne3A_511, %ne3A_514 : i1
        %sub3A_516 = arith.constant 1 : i32
        %sub3A_517 = arith.subi %div3A_496, %sub3A_516 : i32
        %select_n3A_518 = arith.select %and3A_515, %sub3A_517, %div3A_496 : i32
        %jit3A_519 = arith.constant 32 : i32
        %eq3A_520 = arith.constant 0 : i32
        %eq3A_521 = arith.cmpi eq, %jit3A_519, %eq3A_520 : i32
        %jit3A_522 = arith.constant 1 : i32
        %select_n3A_523 = arith.select %eq3A_521, %jit3A_522, %jit3A_519 : i32
        %rem3A_524 = arith.remsi %add3A_247, %select_n3A_523 : i32
        %ne3A_525 = arith.constant 0 : i32
        %ne3A_526 = arith.cmpi ne, %rem3A_524, %ne3A_525 : i32
        %lt3A_527 = arith.constant 0 : i32
        %lt3A_528 = arith.cmpi slt, %rem3A_524, %lt3A_527 : i32
        %lt3A_529 = arith.constant 0 : i32
        %lt3A_530 = arith.cmpi slt, %select_n3A_523, %lt3A_529 : i32
        %ne3A_531 = arith.xori %lt3A_528, %lt3A_530 : i1
        %and3A_532 = arith.andi %ne3A_531, %ne3A_526 : i1
        %add3A_533 = arith.addi %rem3A_524, %select_n3A_523 : i32
        %select_n3A_534 = arith.select %and3A_532, %add3A_533, %rem3A_524 : i32
        %ne3A_535 = arith.cmpi ne, %select_n3A_478, %select_n3A_518 : i32
        %ne3A_536 = arith.cmpi ne, %select_n3A_494, %select_n3A_534 : i32
        %or3A_537 = arith.constant false
        %or3A_538 = arith.ori %or3A_537, %ne3A_535 : i1
        %or3A_539 = arith.ori %or3A_538, %ne3A_536 : i1
        %or3A_540 = arith.ori %or3A_539, %eq3A_235 : i1
        %convert_element_type3A_541 = arith.extui %or3A_540 : i1 to i32
        %cond3A_542 = arith.constant 0 : i32
        %cond3A_543 = arith.cmpi ne, %convert_element_type3A_541, %cond3A_542 : i32
        scf.if %cond3A_543 {
          %jit3A_1124 = arith.constant 32 : i32
          "tpu.trace_start"() <{level = 10 : i32, message = "ep_wait_in"}> : () -> ()
          %div3A_1125 = arith.divsi %add3A_238, %jit3A_1124 : i32
          %sign3A_1126 = arith.constant 0 : i32
          %sign3A_1127 = arith.cmpi sgt, %add3A_238, %sign3A_1126 : i32
          %sign3A_1128 = arith.extui %sign3A_1127 : i1 to i32
          %sign3A_1129 = arith.constant 0 : i32
          %sign3A_1130 = arith.cmpi slt, %add3A_238, %sign3A_1129 : i32
          %sign3A_1131 = arith.extui %sign3A_1130 : i1 to i32
          %sign3A_1132 = arith.subi %sign3A_1128, %sign3A_1131 : i32
          %sign3A_1133 = arith.constant 0 : i32
          %sign3A_1134 = arith.cmpi sgt, %jit3A_1124, %sign3A_1133 : i32
          %sign3A_1135 = arith.extui %sign3A_1134 : i1 to i32
          %sign3A_1136 = arith.constant 0 : i32
          %sign3A_1137 = arith.cmpi slt, %jit3A_1124, %sign3A_1136 : i32
          %sign3A_1138 = arith.extui %sign3A_1137 : i1 to i32
          %sign3A_1139 = arith.subi %sign3A_1135, %sign3A_1138 : i32
          %ne3A_1140 = arith.cmpi ne, %sign3A_1132, %sign3A_1139 : i32
          %rem3A_1141 = arith.remsi %add3A_238, %jit3A_1124 : i32
          %ne3A_1142 = arith.constant 0 : i32
          %ne3A_1143 = arith.cmpi ne, %rem3A_1141, %ne3A_1142 : i32
          %and3A_1144 = arith.andi %ne3A_1140, %ne3A_1143 : i1
          %sub3A_1145 = arith.constant 1 : i32
          %sub3A_1146 = arith.subi %div3A_1125, %sub3A_1145 : i32
          %select_n3A_1147 = arith.select %and3A_1144, %sub3A_1146, %div3A_1125 : i32
          %jit3A_1148 = arith.constant 32 : i32
          %eq3A_1149 = arith.constant 0 : i32
          %eq3A_1150 = arith.cmpi eq, %jit3A_1148, %eq3A_1149 : i32
          %jit3A_1151 = arith.constant 1 : i32
          %select_n3A_1152 = arith.select %eq3A_1150, %jit3A_1151, %jit3A_1148 : i32
          %rem3A_1153 = arith.remsi %add3A_238, %select_n3A_1152 : i32
          %ne3A_1154 = arith.constant 0 : i32
          %ne3A_1155 = arith.cmpi ne, %rem3A_1153, %ne3A_1154 : i32
          %lt3A_1156 = arith.constant 0 : i32
          %lt3A_1157 = arith.cmpi slt, %rem3A_1153, %lt3A_1156 : i32
          %lt3A_1158 = arith.constant 0 : i32
          %lt3A_1159 = arith.cmpi slt, %select_n3A_1152, %lt3A_1158 : i32
          %ne3A_1160 = arith.xori %lt3A_1157, %lt3A_1159 : i1
          %and3A_1161 = arith.andi %ne3A_1160, %ne3A_1155 : i1
          %add3A_1162 = arith.addi %rem3A_1153, %select_n3A_1152 : i32
          %select_n3A_1163 = arith.select %and3A_1161, %add3A_1162, %rem3A_1153 : i32
          %mul3A_1164 = arith.constant 1 : i32
          %mul3A_1165 = arith.muli %mul3A_1164, %select_n3A_1147 : i32
          %mul3A_1166 = arith.constant 128 : i32
          %mul3A_1167 = arith.muli %mul3A_1166, %select_n3A_1163 : i32
          %rem3A_1168 = arith.constant 2 : i32
          %rem3A_1169 = arith.remui %scan3A_230, %rem3A_1168 : i32
          %dma_wait3A_1170 = arith.constant 0 : i32
          %dma_wait3A_1171 = arith.constant 0 : i32
          %dma_wait3A_1172 = arith.constant 0 : i32
          %dma_wait3A_1173 = tpu.memref_slice %run_scoped3A[%rem3A_1169, %dma_wait3A_1170, %dma_wait3A_1171, %dma_wait3A_1172] : memref<2x1x1x128xi32, #tpu.memory_space<vmem>> -> memref<1x1x1x128xi32, #tpu.memory_space<vmem>>
          %dma_wait3A_1174 = tpu.memref_squeeze %dma_wait3A_1173 : memref<1x1x1x128xi32, #tpu.memory_space<vmem>> -> memref<1x1x128xi32, #tpu.memory_space<vmem>>
          %dma_wait3A_1175 = arith.constant 1 : i32
          %dma_wait3A_1176 = tpu.memref_slice %arg5[%dma_wait3A_1175, %mul3A_1165, %mul3A_1167] : memref<3x50x4096xi32, #tpu.memory_space<hbm>> -> memref<1x1x128xi32, #tpu.memory_space<hbm>>
          %dma_wait3A_1177 = tpu.memref_slice %run_scoped3A_27[%rem3A_1169] : memref<2x!tpu.dma_semaphore, #tpu.memory_space<semaphore_mem>> -> memref<1x!tpu.dma_semaphore, #tpu.memory_space<semaphore_mem>>
          %dma_wait3A_1178 = tpu.memref_squeeze %dma_wait3A_1177 : memref<1x!tpu.dma_semaphore, #tpu.memory_space<semaphore_mem>> -> memref<!tpu.dma_semaphore, #tpu.memory_space<semaphore_mem>>
          %dma_wait3A_1179 = arith.constant 0 : i32
          %dma_wait3A_1180 = arith.constant 0 : i32
          %dma_wait3A_1181 = arith.constant 0 : i32
          %dma_wait3A_1182 = tpu.memref_slice %run_scoped3A[%rem3A_1169, %dma_wait3A_1179, %dma_wait3A_1180, %dma_wait3A_1181] : memref<2x1x1x128xi32, #tpu.memory_space<vmem>> -> memref<1x1x1x128xi32, #tpu.memory_space<vmem>>
          %dma_wait3A_1183 = tpu.memref_squeeze %dma_wait3A_1182 : memref<1x1x1x128xi32, #tpu.memory_space<vmem>> -> memref<1x1x128xi32, #tpu.memory_space<vmem>>
          %dma_wait3A_1184 = arith.constant 1 : i32
          %dma_wait3A_1185 = tpu.memref_slice %arg5[%dma_wait3A_1184, %mul3A_1165, %mul3A_1167] : memref<3x50x4096xi32, #tpu.memory_space<hbm>> -> memref<1x1x128xi32, #tpu.memory_space<hbm>>
          tpu.wait_dma2 semaphore(%dma_wait3A_1178 : memref<!tpu.dma_semaphore, #tpu.memory_space<semaphore_mem>>) src(%dma_wait3A_1185 : memref<1x1x128xi32, #tpu.memory_space<hbm>>) dst(%dma_wait3A_1183 : memref<1x1x128xi32, #tpu.memory_space<vmem>>)
          "tpu.trace_stop"() : () -> ()
        } else {
        }
        %jit3A_544 = arith.constant 32 : i32
        %div3A_545 = arith.divsi %add3A_238, %jit3A_544 : i32
        %sign3A_546 = arith.constant 0 : i32
        %sign3A_547 = arith.cmpi sgt, %add3A_238, %sign3A_546 : i32
        %sign3A_548 = arith.extui %sign3A_547 : i1 to i32
        %sign3A_549 = arith.constant 0 : i32
        %sign3A_550 = arith.cmpi slt, %add3A_238, %sign3A_549 : i32
        %sign3A_551 = arith.extui %sign3A_550 : i1 to i32
        %sign3A_552 = arith.subi %sign3A_548, %sign3A_551 : i32
        %sign3A_553 = arith.constant 0 : i32
        %sign3A_554 = arith.cmpi sgt, %jit3A_544, %sign3A_553 : i32
        %sign3A_555 = arith.extui %sign3A_554 : i1 to i32
        %sign3A_556 = arith.constant 0 : i32
        %sign3A_557 = arith.cmpi slt, %jit3A_544, %sign3A_556 : i32
        %sign3A_558 = arith.extui %sign3A_557 : i1 to i32
        %sign3A_559 = arith.subi %sign3A_555, %sign3A_558 : i32
        %ne3A_560 = arith.cmpi ne, %sign3A_552, %sign3A_559 : i32
        %rem3A_561 = arith.remsi %add3A_238, %jit3A_544 : i32
        %ne3A_562 = arith.constant 0 : i32
        %ne3A_563 = arith.cmpi ne, %rem3A_561, %ne3A_562 : i32
        %and3A_564 = arith.andi %ne3A_560, %ne3A_563 : i1
        %sub3A_565 = arith.constant 1 : i32
        %sub3A_566 = arith.subi %div3A_545, %sub3A_565 : i32
        %select_n3A_567 = arith.select %and3A_564, %sub3A_566, %div3A_545 : i32
        %jit3A_568 = arith.constant 32 : i32
        %eq3A_569 = arith.constant 0 : i32
        %eq3A_570 = arith.cmpi eq, %jit3A_568, %eq3A_569 : i32
        %jit3A_571 = arith.constant 1 : i32
        %select_n3A_572 = arith.select %eq3A_570, %jit3A_571, %jit3A_568 : i32
        %rem3A_573 = arith.remsi %add3A_238, %select_n3A_572 : i32
        %ne3A_574 = arith.constant 0 : i32
        %ne3A_575 = arith.cmpi ne, %rem3A_573, %ne3A_574 : i32
        %lt3A_576 = arith.constant 0 : i32
        %lt3A_577 = arith.cmpi slt, %rem3A_573, %lt3A_576 : i32
        %lt3A_578 = arith.constant 0 : i32
        %lt3A_579 = arith.cmpi slt, %select_n3A_572, %lt3A_578 : i32
        %ne3A_580 = arith.xori %lt3A_577, %lt3A_579 : i1
        %and3A_581 = arith.andi %ne3A_580, %ne3A_575 : i1
        %add3A_582 = arith.addi %rem3A_573, %select_n3A_572 : i32
        %select_n3A_583 = arith.select %and3A_581, %add3A_582, %rem3A_573 : i32
        %jit3A_584 = arith.constant 32 : i32
        %div3A_585 = arith.divsi %add3A_247, %jit3A_584 : i32
        %sign3A_586 = arith.constant 0 : i32
        %sign3A_587 = arith.cmpi sgt, %add3A_247, %sign3A_586 : i32
        %sign3A_588 = arith.extui %sign3A_587 : i1 to i32
        %sign3A_589 = arith.constant 0 : i32
        %sign3A_590 = arith.cmpi slt, %add3A_247, %sign3A_589 : i32
        %sign3A_591 = arith.extui %sign3A_590 : i1 to i32
        %sign3A_592 = arith.subi %sign3A_588, %sign3A_591 : i32
        %sign3A_593 = arith.constant 0 : i32
        %sign3A_594 = arith.cmpi sgt, %jit3A_584, %sign3A_593 : i32
        %sign3A_595 = arith.extui %sign3A_594 : i1 to i32
        %sign3A_596 = arith.constant 0 : i32
        %sign3A_597 = arith.cmpi slt, %jit3A_584, %sign3A_596 : i32
        %sign3A_598 = arith.extui %sign3A_597 : i1 to i32
        %sign3A_599 = arith.subi %sign3A_595, %sign3A_598 : i32
        %ne3A_600 = arith.cmpi ne, %sign3A_592, %sign3A_599 : i32
        %rem3A_601 = arith.remsi %add3A_247, %jit3A_584 : i32
        %ne3A_602 = arith.constant 0 : i32
        %ne3A_603 = arith.cmpi ne, %rem3A_601, %ne3A_602 : i32
        %and3A_604 = arith.andi %ne3A_600, %ne3A_603 : i1
        %sub3A_605 = arith.constant 1 : i32
        %sub3A_606 = arith.subi %div3A_585, %sub3A_605 : i32
        %select_n3A_607 = arith.select %and3A_604, %sub3A_606, %div3A_585 : i32
        %jit3A_608 = arith.constant 32 : i32
        %eq3A_609 = arith.constant 0 : i32
        %eq3A_610 = arith.cmpi eq, %jit3A_608, %eq3A_609 : i32
        %jit3A_611 = arith.constant 1 : i32
        %select_n3A_612 = arith.select %eq3A_610, %jit3A_611, %jit3A_608 : i32
        %rem3A_613 = arith.remsi %add3A_247, %select_n3A_612 : i32
        %ne3A_614 = arith.constant 0 : i32
        %ne3A_615 = arith.cmpi ne, %rem3A_613, %ne3A_614 : i32
        %lt3A_616 = arith.constant 0 : i32
        %lt3A_617 = arith.cmpi slt, %rem3A_613, %lt3A_616 : i32
        %lt3A_618 = arith.constant 0 : i32
        %lt3A_619 = arith.cmpi slt, %select_n3A_612, %lt3A_618 : i32
        %ne3A_620 = arith.xori %lt3A_617, %lt3A_619 : i1
        %and3A_621 = arith.andi %ne3A_620, %ne3A_615 : i1
        %add3A_622 = arith.addi %rem3A_613, %select_n3A_612 : i32
        %select_n3A_623 = arith.select %and3A_621, %add3A_622, %rem3A_613 : i32
        %ne3A_624 = arith.cmpi ne, %select_n3A_567, %select_n3A_607 : i32
        %ne3A_625 = arith.cmpi ne, %select_n3A_583, %select_n3A_623 : i32
        %or3A_626 = arith.constant false
        %or3A_627 = arith.ori %or3A_626, %ne3A_624 : i1
        %or3A_628 = arith.constant false
        %or3A_629 = arith.ori %or3A_627, %or3A_628 : i1
        %or3A_630 = arith.ori %or3A_629, %ne3A_625 : i1
        %or3A_631 = arith.constant false
        %or3A_632 = arith.ori %or3A_630, %or3A_631 : i1
        %or3A_633 = arith.ori %or3A_632, %eq3A_235 : i1
        %convert_element_type3A_634 = arith.extui %or3A_633 : i1 to i32
        %cond3A_635 = arith.constant 0 : i32
        %cond3A_636 = arith.cmpi ne, %convert_element_type3A_634, %cond3A_635 : i32
        scf.if %cond3A_636 {
        } else {
        }
        %rem3A_637 = arith.constant 2 : i32
        %rem3A_638 = arith.remui %scan3A_230, %rem3A_637 : i32
        %rem3A_639 = arith.constant 2 : i32
        %rem3A_640 = arith.remui %scan3A_231, %rem3A_639 : i32
        %run_scoped3A_641 = arith.constant 0 : i32
        %run_scoped3A_642 = arith.constant 0 : i32
        %run_scoped3A_643 = arith.constant 0 : i32
        %run_scoped3A_644 = arith.constant 0 : i32
        "tpu.trace_start"() <{level = 10 : i32, message = "ep_run_kernel"}> : () -> ()
        "tpu.region"() ({
          %run_scoped3A_1124 = tpu.sem_alloc : memref<!tpu.dma_semaphore, #tpu.memory_space<semaphore_mem>>
          %dma_start3A_1125 = arith.constant 0 : i32
          %dma_start3A_1126 = arith.constant 0 : i32
          %dma_start3A_1127 = arith.constant 0 : i32
          %dma_start3A_1128 = arith.constant 0 : i32
          %dma_start3A_1129 = tpu.memref_slice %run_scoped3A_28[%rem3A_640, %dma_start3A_1125, %dma_start3A_1126, %dma_start3A_1127, %dma_start3A_1128] : memref<2x1x1x128x128xf32, #tpu.memory_space<vmem>> -> memref<1x1x1x128x128xf32, #tpu.memory_space<vmem>>
          %dma_start3A_1130 = tpu.memref_squeeze %dma_start3A_1129 : memref<1x1x1x128x128xf32, #tpu.memory_space<vmem>> -> memref<1x1x128x128xf32, #tpu.memory_space<vmem>>
          %dma_start3A_1131 = arith.constant 0 : i32
          %dma_start3A_1132 = arith.constant 0 : i32
          %dma_start3A_1133 = tpu.memref_slice %dma_start3A_1130[%run_scoped3A_643, %run_scoped3A_644, %dma_start3A_1131, %dma_start3A_1132] : memref<1x1x128x128xf32, #tpu.memory_space<vmem>> -> memref<1x1x128x128xf32, #tpu.memory_space<vmem>>
          %dma_start3A_1134 = tpu.memref_squeeze %dma_start3A_1133 : memref<1x1x128x128xf32, #tpu.memory_space<vmem>> -> memref<128x128xf32, #tpu.memory_space<vmem>>
          %dma_start3A_1135 = arith.constant 0 : i32
          %dma_start3A_1136 = arith.constant 0 : i32
          %dma_start3A_1137 = arith.constant 0 : i32
          %dma_start3A_1138 = tpu.memref_slice %run_scoped3A[%rem3A_638, %dma_start3A_1135, %dma_start3A_1136, %dma_start3A_1137] : memref<2x1x1x128xi32, #tpu.memory_space<vmem>> -> memref<1x1x1x128xi32, #tpu.memory_space<vmem>>
          %dma_start3A_1139 = tpu.memref_squeeze %dma_start3A_1138 : memref<1x1x1x128xi32, #tpu.memory_space<vmem>> -> memref<1x1x128xi32, #tpu.memory_space<vmem>>
          %dma_start3A_1140 = arith.constant 0 : i32
          %dma_start3A_1141 = tpu.memref_slice %dma_start3A_1139[%run_scoped3A_641, %run_scoped3A_642, %dma_start3A_1140] : memref<1x1x128xi32, #tpu.memory_space<vmem>> -> memref<1x1x128xi32, #tpu.memory_space<vmem>>
          %dma_start3A_1142 = tpu.memref_squeeze %dma_start3A_1141 : memref<1x1x128xi32, #tpu.memory_space<vmem>> -> memref<128xi32, #tpu.memory_space<vmem>>
          %dma_start3A_1143 = arith.constant 0 : i32
          %dma_start3A_1144 = arith.constant 0 : i32
          %dma_start3A_1145 = tpu.memref_slice %arg8[%dma_start3A_1143, %dma_start3A_1144] : memref<1001x128xf32, #tpu.memory_space<vmem_shared>> -> memref<1001x128xf32, #tpu.memory_space<vmem_shared>>
          tpu.enqueue_indirect_dma source(%dma_start3A_1145 : memref<1001x128xf32, #tpu.memory_space<vmem_shared>>) target(%dma_start3A_1134 : memref<128x128xf32, #tpu.memory_space<vmem>>) offsets(%dma_start3A_1142 : memref<128xi32, #tpu.memory_space<vmem>>) semaphore(%run_scoped3A_1124 : memref<!tpu.dma_semaphore, #tpu.memory_space<semaphore_mem>>)
          %dma_wait3A_1146 = arith.constant 0 : i32
          %dma_wait3A_1147 = arith.constant 0 : i32
          %dma_wait3A_1148 = arith.constant 0 : i32
          %dma_wait3A_1149 = arith.constant 0 : i32
          %dma_wait3A_1150 = tpu.memref_slice %run_scoped3A_28[%rem3A_640, %dma_wait3A_1146, %dma_wait3A_1147, %dma_wait3A_1148, %dma_wait3A_1149] : memref<2x1x1x128x128xf32, #tpu.memory_space<vmem>> -> memref<1x1x1x128x128xf32, #tpu.memory_space<vmem>>
          %dma_wait3A_1151 = tpu.memref_squeeze %dma_wait3A_1150 : memref<1x1x1x128x128xf32, #tpu.memory_space<vmem>> -> memref<1x1x128x128xf32, #tpu.memory_space<vmem>>
          %dma_wait3A_1152 = arith.constant 0 : i32
          %dma_wait3A_1153 = arith.constant 0 : i32
          %dma_wait3A_1154 = tpu.memref_slice %dma_wait3A_1151[%run_scoped3A_643, %run_scoped3A_644, %dma_wait3A_1152, %dma_wait3A_1153] : memref<1x1x128x128xf32, #tpu.memory_space<vmem>> -> memref<1x1x128x128xf32, #tpu.memory_space<vmem>>
          %dma_wait3A_1155 = tpu.memref_squeeze %dma_wait3A_1154 : memref<1x1x128x128xf32, #tpu.memory_space<vmem>> -> memref<128x128xf32, #tpu.memory_space<vmem>>
          %dma_wait3A_1156 = arith.constant 0 : i32
          %dma_wait3A_1157 = arith.constant 0 : i32
          %dma_wait3A_1158 = arith.constant 0 : i32
          %dma_wait3A_1159 = tpu.memref_slice %run_scoped3A[%rem3A_638, %dma_wait3A_1156, %dma_wait3A_1157, %dma_wait3A_1158] : memref<2x1x1x128xi32, #tpu.memory_space<vmem>> -> memref<1x1x1x128xi32, #tpu.memory_space<vmem>>
          %dma_wait3A_1160 = tpu.memref_squeeze %dma_wait3A_1159 : memref<1x1x1x128xi32, #tpu.memory_space<vmem>> -> memref<1x1x128xi32, #tpu.memory_space<vmem>>
          %dma_wait3A_1161 = arith.constant 0 : i32
          %dma_wait3A_1162 = tpu.memref_slice %dma_wait3A_1160[%run_scoped3A_641, %run_scoped3A_642, %dma_wait3A_1161] : memref<1x1x128xi32, #tpu.memory_space<vmem>> -> memref<1x1x128xi32, #tpu.memory_space<vmem>>
          %dma_wait3A_1163 = tpu.memref_squeeze %dma_wait3A_1162 : memref<1x1x128xi32, #tpu.memory_space<vmem>> -> memref<128xi32, #tpu.memory_space<vmem>>
          %dma_wait3A_1164 = arith.constant 0 : i32
          %dma_wait3A_1165 = arith.constant 0 : i32
          %dma_wait3A_1166 = tpu.memref_slice %arg8[%dma_wait3A_1164, %dma_wait3A_1165] : memref<1001x128xf32, #tpu.memory_space<vmem_shared>> -> memref<1001x128xf32, #tpu.memory_space<vmem_shared>>
          tpu.wait_indirect_dma semaphore(%run_scoped3A_1124 : memref<!tpu.dma_semaphore, #tpu.memory_space<semaphore_mem>>) src(%dma_wait3A_1166 : memref<1001x128xf32, #tpu.memory_space<vmem_shared>>) dst(%dma_wait3A_1155 : memref<128x128xf32, #tpu.memory_space<vmem>>)
          tpu.yield
        }) : () -> ()
        %jit3A_645 = arith.constant 32 : i32
        "tpu.trace_stop"() : () -> ()
        %div3A_646 = arith.divsi %add3A_238, %jit3A_645 : i32
        %sign3A_647 = arith.constant 0 : i32
        %sign3A_648 = arith.cmpi sgt, %add3A_238, %sign3A_647 : i32
        %sign3A_649 = arith.extui %sign3A_648 : i1 to i32
        %sign3A_650 = arith.constant 0 : i32
        %sign3A_651 = arith.cmpi slt, %add3A_238, %sign3A_650 : i32
        %sign3A_652 = arith.extui %sign3A_651 : i1 to i32
        %sign3A_653 = arith.subi %sign3A_649, %sign3A_652 : i32
        %sign3A_654 = arith.constant 0 : i32
        %sign3A_655 = arith.cmpi sgt, %jit3A_645, %sign3A_654 : i32
        %sign3A_656 = arith.extui %sign3A_655 : i1 to i32
        %sign3A_657 = arith.constant 0 : i32
        %sign3A_658 = arith.cmpi slt, %jit3A_645, %sign3A_657 : i32
        %sign3A_659 = arith.extui %sign3A_658 : i1 to i32
        %sign3A_660 = arith.subi %sign3A_656, %sign3A_659 : i32
        %ne3A_661 = arith.cmpi ne, %sign3A_653, %sign3A_660 : i32
        %rem3A_662 = arith.remsi %add3A_238, %jit3A_645 : i32
        %ne3A_663 = arith.constant 0 : i32
        %ne3A_664 = arith.cmpi ne, %rem3A_662, %ne3A_663 : i32
        %and3A_665 = arith.andi %ne3A_661, %ne3A_664 : i1
        %sub3A_666 = arith.constant 1 : i32
        %sub3A_667 = arith.subi %div3A_646, %sub3A_666 : i32
        %select_n3A_668 = arith.select %and3A_665, %sub3A_667, %div3A_646 : i32
        %jit3A_669 = arith.constant 32 : i32
        %eq3A_670 = arith.constant 0 : i32
        %eq3A_671 = arith.cmpi eq, %jit3A_669, %eq3A_670 : i32
        %jit3A_672 = arith.constant 1 : i32
        %select_n3A_673 = arith.select %eq3A_671, %jit3A_672, %jit3A_669 : i32
        %rem3A_674 = arith.remsi %add3A_238, %select_n3A_673 : i32
        %ne3A_675 = arith.constant 0 : i32
        %ne3A_676 = arith.cmpi ne, %rem3A_674, %ne3A_675 : i32
        %lt3A_677 = arith.constant 0 : i32
        %lt3A_678 = arith.cmpi slt, %rem3A_674, %lt3A_677 : i32
        %lt3A_679 = arith.constant 0 : i32
        %lt3A_680 = arith.cmpi slt, %select_n3A_673, %lt3A_679 : i32
        %ne3A_681 = arith.xori %lt3A_678, %lt3A_680 : i1
        %and3A_682 = arith.andi %ne3A_681, %ne3A_676 : i1
        %add3A_683 = arith.addi %rem3A_674, %select_n3A_673 : i32
        %select_n3A_684 = arith.select %and3A_682, %add3A_683, %rem3A_674 : i32
        %jit3A_685 = arith.constant 32 : i32
        %div3A_686 = arith.divsi %add3A_256, %jit3A_685 : i32
        %sign3A_687 = arith.constant 0 : i32
        %sign3A_688 = arith.cmpi sgt, %add3A_256, %sign3A_687 : i32
        %sign3A_689 = arith.extui %sign3A_688 : i1 to i32
        %sign3A_690 = arith.constant 0 : i32
        %sign3A_691 = arith.cmpi slt, %add3A_256, %sign3A_690 : i32
        %sign3A_692 = arith.extui %sign3A_691 : i1 to i32
        %sign3A_693 = arith.subi %sign3A_689, %sign3A_692 : i32
        %sign3A_694 = arith.constant 0 : i32
        %sign3A_695 = arith.cmpi sgt, %jit3A_685, %sign3A_694 : i32
        %sign3A_696 = arith.extui %sign3A_695 : i1 to i32
        %sign3A_697 = arith.constant 0 : i32
        %sign3A_698 = arith.cmpi slt, %jit3A_685, %sign3A_697 : i32
        %sign3A_699 = arith.extui %sign3A_698 : i1 to i32
        %sign3A_700 = arith.subi %sign3A_696, %sign3A_699 : i32
        %ne3A_701 = arith.cmpi ne, %sign3A_693, %sign3A_700 : i32
        %rem3A_702 = arith.remsi %add3A_256, %jit3A_685 : i32
        %ne3A_703 = arith.constant 0 : i32
        %ne3A_704 = arith.cmpi ne, %rem3A_702, %ne3A_703 : i32
        %and3A_705 = arith.andi %ne3A_701, %ne3A_704 : i1
        %sub3A_706 = arith.constant 1 : i32
        %sub3A_707 = arith.subi %div3A_686, %sub3A_706 : i32
        %select_n3A_708 = arith.select %and3A_705, %sub3A_707, %div3A_686 : i32
        %jit3A_709 = arith.constant 32 : i32
        %eq3A_710 = arith.constant 0 : i32
        %eq3A_711 = arith.cmpi eq, %jit3A_709, %eq3A_710 : i32
        %jit3A_712 = arith.constant 1 : i32
        %select_n3A_713 = arith.select %eq3A_711, %jit3A_712, %jit3A_709 : i32
        %rem3A_714 = arith.remsi %add3A_256, %select_n3A_713 : i32
        %ne3A_715 = arith.constant 0 : i32
        %ne3A_716 = arith.cmpi ne, %rem3A_714, %ne3A_715 : i32
        %lt3A_717 = arith.constant 0 : i32
        %lt3A_718 = arith.cmpi slt, %rem3A_714, %lt3A_717 : i32
        %lt3A_719 = arith.constant 0 : i32
        %lt3A_720 = arith.cmpi slt, %select_n3A_713, %lt3A_719 : i32
        %ne3A_721 = arith.xori %lt3A_718, %lt3A_720 : i1
        %and3A_722 = arith.andi %ne3A_721, %ne3A_716 : i1
        %add3A_723 = arith.addi %rem3A_714, %select_n3A_713 : i32
        %select_n3A_724 = arith.select %and3A_722, %add3A_723, %rem3A_714 : i32
        %ne3A_725 = arith.cmpi ne, %select_n3A_668, %select_n3A_708 : i32
        %ne3A_726 = arith.cmpi ne, %select_n3A_684, %select_n3A_724 : i32
        %or3A_727 = arith.constant false
        %or3A_728 = arith.ori %or3A_727, %ne3A_725 : i1
        %or3A_729 = arith.ori %or3A_728, %ne3A_726 : i1
        %or3A_730 = arith.ori %or3A_729, %eq3A_237 : i1
        %convert_element_type3A_731 = arith.extui %or3A_730 : i1 to i32
        %cond3A_732 = arith.constant 0 : i32
        %cond3A_733 = arith.cmpi ne, %convert_element_type3A_731, %cond3A_732 : i32
        scf.if %cond3A_733 {
        } else {
        }
        %and3A_734 = arith.constant false
        %and3A_735 = arith.andi %or3A_730, %and3A_734 : i1
        %jit3A_736 = arith.constant 32 : i32
        %div3A_737 = arith.divsi %add3A_238, %jit3A_736 : i32
        %sign3A_738 = arith.constant 0 : i32
        %sign3A_739 = arith.cmpi sgt, %add3A_238, %sign3A_738 : i32
        %sign3A_740 = arith.extui %sign3A_739 : i1 to i32
        %sign3A_741 = arith.constant 0 : i32
        %sign3A_742 = arith.cmpi slt, %add3A_238, %sign3A_741 : i32
        %sign3A_743 = arith.extui %sign3A_742 : i1 to i32
        %sign3A_744 = arith.subi %sign3A_740, %sign3A_743 : i32
        %sign3A_745 = arith.constant 0 : i32
        %sign3A_746 = arith.cmpi sgt, %jit3A_736, %sign3A_745 : i32
        %sign3A_747 = arith.extui %sign3A_746 : i1 to i32
        %sign3A_748 = arith.constant 0 : i32
        %sign3A_749 = arith.cmpi slt, %jit3A_736, %sign3A_748 : i32
        %sign3A_750 = arith.extui %sign3A_749 : i1 to i32
        %sign3A_751 = arith.subi %sign3A_747, %sign3A_750 : i32
        %ne3A_752 = arith.cmpi ne, %sign3A_744, %sign3A_751 : i32
        %rem3A_753 = arith.remsi %add3A_238, %jit3A_736 : i32
        %ne3A_754 = arith.constant 0 : i32
        %ne3A_755 = arith.cmpi ne, %rem3A_753, %ne3A_754 : i32
        %and3A_756 = arith.andi %ne3A_752, %ne3A_755 : i1
        %sub3A_757 = arith.constant 1 : i32
        %sub3A_758 = arith.subi %div3A_737, %sub3A_757 : i32
        %select_n3A_759 = arith.select %and3A_756, %sub3A_758, %div3A_737 : i32
        %jit3A_760 = arith.constant 32 : i32
        %eq3A_761 = arith.constant 0 : i32
        %eq3A_762 = arith.cmpi eq, %jit3A_760, %eq3A_761 : i32
        %jit3A_763 = arith.constant 1 : i32
        %select_n3A_764 = arith.select %eq3A_762, %jit3A_763, %jit3A_760 : i32
        %rem3A_765 = arith.remsi %add3A_238, %select_n3A_764 : i32
        %ne3A_766 = arith.constant 0 : i32
        %ne3A_767 = arith.cmpi ne, %rem3A_765, %ne3A_766 : i32
        %lt3A_768 = arith.constant 0 : i32
        %lt3A_769 = arith.cmpi slt, %rem3A_765, %lt3A_768 : i32
        %lt3A_770 = arith.constant 0 : i32
        %lt3A_771 = arith.cmpi slt, %select_n3A_764, %lt3A_770 : i32
        %ne3A_772 = arith.xori %lt3A_769, %lt3A_771 : i1
        %and3A_773 = arith.andi %ne3A_772, %ne3A_767 : i1
        %add3A_774 = arith.addi %rem3A_765, %select_n3A_764 : i32
        %select_n3A_775 = arith.select %and3A_773, %add3A_774, %rem3A_765 : i32
        %jit3A_776 = arith.constant 32 : i32
        %div3A_777 = arith.divsi %add3A_256, %jit3A_776 : i32
        %sign3A_778 = arith.constant 0 : i32
        %sign3A_779 = arith.cmpi sgt, %add3A_256, %sign3A_778 : i32
        %sign3A_780 = arith.extui %sign3A_779 : i1 to i32
        %sign3A_781 = arith.constant 0 : i32
        %sign3A_782 = arith.cmpi slt, %add3A_256, %sign3A_781 : i32
        %sign3A_783 = arith.extui %sign3A_782 : i1 to i32
        %sign3A_784 = arith.subi %sign3A_780, %sign3A_783 : i32
        %sign3A_785 = arith.constant 0 : i32
        %sign3A_786 = arith.cmpi sgt, %jit3A_776, %sign3A_785 : i32
        %sign3A_787 = arith.extui %sign3A_786 : i1 to i32
        %sign3A_788 = arith.constant 0 : i32
        %sign3A_789 = arith.cmpi slt, %jit3A_776, %sign3A_788 : i32
        %sign3A_790 = arith.extui %sign3A_789 : i1 to i32
        %sign3A_791 = arith.subi %sign3A_787, %sign3A_790 : i32
        %ne3A_792 = arith.cmpi ne, %sign3A_784, %sign3A_791 : i32
        %rem3A_793 = arith.remsi %add3A_256, %jit3A_776 : i32
        %ne3A_794 = arith.constant 0 : i32
        %ne3A_795 = arith.cmpi ne, %rem3A_793, %ne3A_794 : i32
        %and3A_796 = arith.andi %ne3A_792, %ne3A_795 : i1
        %sub3A_797 = arith.constant 1 : i32
        %sub3A_798 = arith.subi %div3A_777, %sub3A_797 : i32
        %select_n3A_799 = arith.select %and3A_796, %sub3A_798, %div3A_777 : i32
        %jit3A_800 = arith.constant 32 : i32
        %eq3A_801 = arith.constant 0 : i32
        %eq3A_802 = arith.cmpi eq, %jit3A_800, %eq3A_801 : i32
        %jit3A_803 = arith.constant 1 : i32
        %select_n3A_804 = arith.select %eq3A_802, %jit3A_803, %jit3A_800 : i32
        %rem3A_805 = arith.remsi %add3A_256, %select_n3A_804 : i32
        %ne3A_806 = arith.constant 0 : i32
        %ne3A_807 = arith.cmpi ne, %rem3A_805, %ne3A_806 : i32
        %lt3A_808 = arith.constant 0 : i32
        %lt3A_809 = arith.cmpi slt, %rem3A_805, %lt3A_808 : i32
        %lt3A_810 = arith.constant 0 : i32
        %lt3A_811 = arith.cmpi slt, %select_n3A_804, %lt3A_810 : i32
        %ne3A_812 = arith.xori %lt3A_809, %lt3A_811 : i1
        %and3A_813 = arith.andi %ne3A_812, %ne3A_807 : i1
        %add3A_814 = arith.addi %rem3A_805, %select_n3A_804 : i32
        %select_n3A_815 = arith.select %and3A_813, %add3A_814, %rem3A_805 : i32
        %ne3A_816 = arith.cmpi ne, %select_n3A_759, %select_n3A_799 : i32
        %ne3A_817 = arith.cmpi ne, %select_n3A_775, %select_n3A_815 : i32
        %or3A_818 = arith.constant false
        %or3A_819 = arith.ori %or3A_818, %ne3A_816 : i1
        %or3A_820 = arith.constant false
        %or3A_821 = arith.ori %or3A_819, %or3A_820 : i1
        %or3A_822 = arith.ori %or3A_821, %ne3A_817 : i1
        %or3A_823 = arith.constant false
        %or3A_824 = arith.ori %or3A_822, %or3A_823 : i1
        %or3A_825 = arith.ori %or3A_824, %eq3A_237 : i1
        %convert_element_type3A_826 = arith.extui %or3A_825 : i1 to i32
        %cond3A_827 = arith.constant 0 : i32
        %cond3A_828 = arith.cmpi ne, %convert_element_type3A_826, %cond3A_827 : i32
        scf.if %cond3A_828 {
          "tpu.trace_start"() <{level = 10 : i32, message = "ep_copy_out"}> : () -> ()
          %rem3A_1124 = arith.constant 2 : i32
          %rem3A_1125 = arith.remui %scan3A_231, %rem3A_1124 : i32
          %jit3A_1126 = arith.constant 32 : i32
          %div3A_1127 = arith.divsi %add3A_238, %jit3A_1126 : i32
          %sign3A_1128 = arith.constant 0 : i32
          %sign3A_1129 = arith.cmpi sgt, %add3A_238, %sign3A_1128 : i32
          %sign3A_1130 = arith.extui %sign3A_1129 : i1 to i32
          %sign3A_1131 = arith.constant 0 : i32
          %sign3A_1132 = arith.cmpi slt, %add3A_238, %sign3A_1131 : i32
          %sign3A_1133 = arith.extui %sign3A_1132 : i1 to i32
          %sign3A_1134 = arith.subi %sign3A_1130, %sign3A_1133 : i32
          %sign3A_1135 = arith.constant 0 : i32
          %sign3A_1136 = arith.cmpi sgt, %jit3A_1126, %sign3A_1135 : i32
          %sign3A_1137 = arith.extui %sign3A_1136 : i1 to i32
          %sign3A_1138 = arith.constant 0 : i32
          %sign3A_1139 = arith.cmpi slt, %jit3A_1126, %sign3A_1138 : i32
          %sign3A_1140 = arith.extui %sign3A_1139 : i1 to i32
          %sign3A_1141 = arith.subi %sign3A_1137, %sign3A_1140 : i32
          %ne3A_1142 = arith.cmpi ne, %sign3A_1134, %sign3A_1141 : i32
          %rem3A_1143 = arith.remsi %add3A_238, %jit3A_1126 : i32
          %ne3A_1144 = arith.constant 0 : i32
          %ne3A_1145 = arith.cmpi ne, %rem3A_1143, %ne3A_1144 : i32
          %and3A_1146 = arith.andi %ne3A_1142, %ne3A_1145 : i1
          %sub3A_1147 = arith.constant 1 : i32
          %sub3A_1148 = arith.subi %div3A_1127, %sub3A_1147 : i32
          %select_n3A_1149 = arith.select %and3A_1146, %sub3A_1148, %div3A_1127 : i32
          %jit3A_1150 = arith.constant 32 : i32
          %eq3A_1151 = arith.constant 0 : i32
          %eq3A_1152 = arith.cmpi eq, %jit3A_1150, %eq3A_1151 : i32
          %jit3A_1153 = arith.constant 1 : i32
          %select_n3A_1154 = arith.select %eq3A_1152, %jit3A_1153, %jit3A_1150 : i32
          %rem3A_1155 = arith.remsi %add3A_238, %select_n3A_1154 : i32
          %ne3A_1156 = arith.constant 0 : i32
          %ne3A_1157 = arith.cmpi ne, %rem3A_1155, %ne3A_1156 : i32
          %lt3A_1158 = arith.constant 0 : i32
          %lt3A_1159 = arith.cmpi slt, %rem3A_1155, %lt3A_1158 : i32
          %lt3A_1160 = arith.constant 0 : i32
          %lt3A_1161 = arith.cmpi slt, %select_n3A_1154, %lt3A_1160 : i32
          %ne3A_1162 = arith.xori %lt3A_1159, %lt3A_1161 : i1
          %and3A_1163 = arith.andi %ne3A_1162, %ne3A_1157 : i1
          %add3A_1164 = arith.addi %rem3A_1155, %select_n3A_1154 : i32
          %select_n3A_1165 = arith.select %and3A_1163, %add3A_1164, %rem3A_1155 : i32
          %mul3A_1166 = arith.constant 1 : i32
          %mul3A_1167 = arith.muli %mul3A_1166, %select_n3A_1149 : i32
          %mul3A_1168 = arith.constant 128 : i32
          %mul3A_1169 = arith.muli %mul3A_1168, %select_n3A_1165 : i32
          %dma_start3A_1170 = arith.constant 0 : i32
          %dma_start3A_1171 = arith.constant 0 : i32
          %dma_start3A_1172 = arith.constant 0 : i32
          %dma_start3A_1173 = arith.constant 0 : i32
          %dma_start3A_1174 = tpu.memref_slice %run_scoped3A_28[%rem3A_1125, %dma_start3A_1170, %dma_start3A_1171, %dma_start3A_1172, %dma_start3A_1173] : memref<2x1x1x128x128xf32, #tpu.memory_space<vmem>> -> memref<1x1x1x128x128xf32, #tpu.memory_space<vmem>>
          %dma_start3A_1175 = tpu.memref_squeeze %dma_start3A_1174 : memref<1x1x1x128x128xf32, #tpu.memory_space<vmem>> -> memref<1x1x128x128xf32, #tpu.memory_space<vmem>>
          %dma_start3A_1176 = arith.constant 1 : i32
          %dma_start3A_1177 = arith.constant 0 : i32
          %dma_start3A_1178 = tpu.memref_slice %arg6[%mul3A_1167, %dma_start3A_1176, %mul3A_1169, %dma_start3A_1177] : memref<50x3x4096x128xf32, #tpu.memory_space<hbm>> -> memref<1x1x128x128xf32, #tpu.memory_space<hbm>>
          %dma_start3A_1179 = tpu.memref_slice %run_scoped3A_29[%rem3A_1125] : memref<2x!tpu.dma_semaphore, #tpu.memory_space<semaphore_mem>> -> memref<1x!tpu.dma_semaphore, #tpu.memory_space<semaphore_mem>>
          %dma_start3A_1180 = tpu.memref_squeeze %dma_start3A_1179 : memref<1x!tpu.dma_semaphore, #tpu.memory_space<semaphore_mem>> -> memref<!tpu.dma_semaphore, #tpu.memory_space<semaphore_mem>>
          %dma_start3A_1181 = arith.constant 1 : i32
          %dma_start3A_1182 = arith.constant 0 : i32
          %dma_start3A_1183 = tpu.memref_slice %arg6[%mul3A_1167, %dma_start3A_1181, %mul3A_1169, %dma_start3A_1182] : memref<50x3x4096x128xf32, #tpu.memory_space<hbm>> -> memref<1x1x128x128xf32, #tpu.memory_space<hbm>>
          %dma_start3A_1184 = arith.constant 0 : i32
          %dma_start3A_1185 = arith.constant 0 : i32
          %dma_start3A_1186 = arith.constant 0 : i32
          %dma_start3A_1187 = arith.constant 0 : i32
          %dma_start3A_1188 = tpu.memref_slice %run_scoped3A_28[%rem3A_1125, %dma_start3A_1184, %dma_start3A_1185, %dma_start3A_1186, %dma_start3A_1187] : memref<2x1x1x128x128xf32, #tpu.memory_space<vmem>> -> memref<1x1x1x128x128xf32, #tpu.memory_space<vmem>>
          %dma_start3A_1189 = tpu.memref_squeeze %dma_start3A_1188 : memref<1x1x1x128x128xf32, #tpu.memory_space<vmem>> -> memref<1x1x128x128xf32, #tpu.memory_space<vmem>>
          tpu.enqueue_dma source(%dma_start3A_1189 : memref<1x1x128x128xf32, #tpu.memory_space<vmem>>) target(%dma_start3A_1183 : memref<1x1x128x128xf32, #tpu.memory_space<hbm>>) target_semaphore(%dma_start3A_1180 : memref<!tpu.dma_semaphore, #tpu.memory_space<semaphore_mem>>)
          "tpu.trace_stop"() : () -> ()
        } else {
        }
        %and3A_829 = arith.constant true
        %and3A_830 = arith.andi %or3A_825, %and3A_829 : i1
        %add3A_831 = arith.constant 1 : i32
        %add3A_832 = arith.addi %scan3A_231, %add3A_831 : i32
        %select_n3A_833 = arith.select %and3A_830, %add3A_832, %scan3A_231 : i32
        %jit3A_834 = arith.constant 32 : i32
        %div3A_835 = arith.divsi %add3A_238, %jit3A_834 : i32
        %sign3A_836 = arith.constant 0 : i32
        %sign3A_837 = arith.cmpi sgt, %add3A_238, %sign3A_836 : i32
        %sign3A_838 = arith.extui %sign3A_837 : i1 to i32
        %sign3A_839 = arith.constant 0 : i32
        %sign3A_840 = arith.cmpi slt, %add3A_238, %sign3A_839 : i32
        %sign3A_841 = arith.extui %sign3A_840 : i1 to i32
        %sign3A_842 = arith.subi %sign3A_838, %sign3A_841 : i32
        %sign3A_843 = arith.constant 0 : i32
        %sign3A_844 = arith.cmpi sgt, %jit3A_834, %sign3A_843 : i32
        %sign3A_845 = arith.extui %sign3A_844 : i1 to i32
        %sign3A_846 = arith.constant 0 : i32
        %sign3A_847 = arith.cmpi slt, %jit3A_834, %sign3A_846 : i32
        %sign3A_848 = arith.extui %sign3A_847 : i1 to i32
        %sign3A_849 = arith.subi %sign3A_845, %sign3A_848 : i32
        %ne3A_850 = arith.cmpi ne, %sign3A_842, %sign3A_849 : i32
        %rem3A_851 = arith.remsi %add3A_238, %jit3A_834 : i32
        %ne3A_852 = arith.constant 0 : i32
        %ne3A_853 = arith.cmpi ne, %rem3A_851, %ne3A_852 : i32
        %and3A_854 = arith.andi %ne3A_850, %ne3A_853 : i1
        %sub3A_855 = arith.constant 1 : i32
        %sub3A_856 = arith.subi %div3A_835, %sub3A_855 : i32
        %select_n3A_857 = arith.select %and3A_854, %sub3A_856, %div3A_835 : i32
        %jit3A_858 = arith.constant 32 : i32
        %eq3A_859 = arith.constant 0 : i32
        %eq3A_860 = arith.cmpi eq, %jit3A_858, %eq3A_859 : i32
        %jit3A_861 = arith.constant 1 : i32
        %select_n3A_862 = arith.select %eq3A_860, %jit3A_861, %jit3A_858 : i32
        %rem3A_863 = arith.remsi %add3A_238, %select_n3A_862 : i32
        %ne3A_864 = arith.constant 0 : i32
        %ne3A_865 = arith.cmpi ne, %rem3A_863, %ne3A_864 : i32
        %lt3A_866 = arith.constant 0 : i32
        %lt3A_867 = arith.cmpi slt, %rem3A_863, %lt3A_866 : i32
        %lt3A_868 = arith.constant 0 : i32
        %lt3A_869 = arith.cmpi slt, %select_n3A_862, %lt3A_868 : i32
        %ne3A_870 = arith.xori %lt3A_867, %lt3A_869 : i1
        %and3A_871 = arith.andi %ne3A_870, %ne3A_865 : i1
        %add3A_872 = arith.addi %rem3A_863, %select_n3A_862 : i32
        %select_n3A_873 = arith.select %and3A_871, %add3A_872, %rem3A_863 : i32
        %jit3A_874 = arith.constant 32 : i32
        %div3A_875 = arith.divsi %add3A_247, %jit3A_874 : i32
        %sign3A_876 = arith.constant 0 : i32
        %sign3A_877 = arith.cmpi sgt, %add3A_247, %sign3A_876 : i32
        %sign3A_878 = arith.extui %sign3A_877 : i1 to i32
        %sign3A_879 = arith.constant 0 : i32
        %sign3A_880 = arith.cmpi slt, %add3A_247, %sign3A_879 : i32
        %sign3A_881 = arith.extui %sign3A_880 : i1 to i32
        %sign3A_882 = arith.subi %sign3A_878, %sign3A_881 : i32
        %sign3A_883 = arith.constant 0 : i32
        %sign3A_884 = arith.cmpi sgt, %jit3A_874, %sign3A_883 : i32
        %sign3A_885 = arith.extui %sign3A_884 : i1 to i32
        %sign3A_886 = arith.constant 0 : i32
        %sign3A_887 = arith.cmpi slt, %jit3A_874, %sign3A_886 : i32
        %sign3A_888 = arith.extui %sign3A_887 : i1 to i32
        %sign3A_889 = arith.subi %sign3A_885, %sign3A_888 : i32
        %ne3A_890 = arith.cmpi ne, %sign3A_882, %sign3A_889 : i32
        %rem3A_891 = arith.remsi %add3A_247, %jit3A_874 : i32
        %ne3A_892 = arith.constant 0 : i32
        %ne3A_893 = arith.cmpi ne, %rem3A_891, %ne3A_892 : i32
        %and3A_894 = arith.andi %ne3A_890, %ne3A_893 : i1
        %sub3A_895 = arith.constant 1 : i32
        %sub3A_896 = arith.subi %div3A_875, %sub3A_895 : i32
        %select_n3A_897 = arith.select %and3A_894, %sub3A_896, %div3A_875 : i32
        %jit3A_898 = arith.constant 32 : i32
        %eq3A_899 = arith.constant 0 : i32
        %eq3A_900 = arith.cmpi eq, %jit3A_898, %eq3A_899 : i32
        %jit3A_901 = arith.constant 1 : i32
        %select_n3A_902 = arith.select %eq3A_900, %jit3A_901, %jit3A_898 : i32
        %rem3A_903 = arith.remsi %add3A_247, %select_n3A_902 : i32
        %ne3A_904 = arith.constant 0 : i32
        %ne3A_905 = arith.cmpi ne, %rem3A_903, %ne3A_904 : i32
        %lt3A_906 = arith.constant 0 : i32
        %lt3A_907 = arith.cmpi slt, %rem3A_903, %lt3A_906 : i32
        %lt3A_908 = arith.constant 0 : i32
        %lt3A_909 = arith.cmpi slt, %select_n3A_902, %lt3A_908 : i32
        %ne3A_910 = arith.xori %lt3A_907, %lt3A_909 : i1
        %and3A_911 = arith.andi %ne3A_910, %ne3A_905 : i1
        %add3A_912 = arith.addi %rem3A_903, %select_n3A_902 : i32
        %select_n3A_913 = arith.select %and3A_911, %add3A_912, %rem3A_903 : i32
        %ne3A_914 = arith.cmpi ne, %select_n3A_857, %select_n3A_897 : i32
        %ne3A_915 = arith.cmpi ne, %select_n3A_873, %select_n3A_913 : i32
        %or3A_916 = arith.constant false
        %or3A_917 = arith.ori %or3A_916, %ne3A_914 : i1
        %or3A_918 = arith.ori %or3A_917, %ne3A_915 : i1
        %not3A_919 = arith.constant true
        %not3A_920 = arith.xori %eq3A_235, %not3A_919 : i1
        %and3A_921 = arith.andi %or3A_918, %not3A_920 : i1
        %convert_element_type3A_922 = arith.extui %and3A_921 : i1 to i32
        %cond3A_923 = arith.constant 0 : i32
        %cond3A_924 = arith.cmpi ne, %convert_element_type3A_922, %cond3A_923 : i32
        scf.if %cond3A_924 {
        } else {
        }
        %and3A_925 = arith.constant false
        %and3A_926 = arith.andi %and3A_921, %and3A_925 : i1
        %jit3A_927 = arith.constant 32 : i32
        %div3A_928 = arith.divsi %add3A_238, %jit3A_927 : i32
        %sign3A_929 = arith.constant 0 : i32
        %sign3A_930 = arith.cmpi sgt, %add3A_238, %sign3A_929 : i32
        %sign3A_931 = arith.extui %sign3A_930 : i1 to i32
        %sign3A_932 = arith.constant 0 : i32
        %sign3A_933 = arith.cmpi slt, %add3A_238, %sign3A_932 : i32
        %sign3A_934 = arith.extui %sign3A_933 : i1 to i32
        %sign3A_935 = arith.subi %sign3A_931, %sign3A_934 : i32
        %sign3A_936 = arith.constant 0 : i32
        %sign3A_937 = arith.cmpi sgt, %jit3A_927, %sign3A_936 : i32
        %sign3A_938 = arith.extui %sign3A_937 : i1 to i32
        %sign3A_939 = arith.constant 0 : i32
        %sign3A_940 = arith.cmpi slt, %jit3A_927, %sign3A_939 : i32
        %sign3A_941 = arith.extui %sign3A_940 : i1 to i32
        %sign3A_942 = arith.subi %sign3A_938, %sign3A_941 : i32
        %ne3A_943 = arith.cmpi ne, %sign3A_935, %sign3A_942 : i32
        %rem3A_944 = arith.remsi %add3A_238, %jit3A_927 : i32
        %ne3A_945 = arith.constant 0 : i32
        %ne3A_946 = arith.cmpi ne, %rem3A_944, %ne3A_945 : i32
        %and3A_947 = arith.andi %ne3A_943, %ne3A_946 : i1
        %sub3A_948 = arith.constant 1 : i32
        %sub3A_949 = arith.subi %div3A_928, %sub3A_948 : i32
        %select_n3A_950 = arith.select %and3A_947, %sub3A_949, %div3A_928 : i32
        %jit3A_951 = arith.constant 32 : i32
        %eq3A_952 = arith.constant 0 : i32
        %eq3A_953 = arith.cmpi eq, %jit3A_951, %eq3A_952 : i32
        %jit3A_954 = arith.constant 1 : i32
        %select_n3A_955 = arith.select %eq3A_953, %jit3A_954, %jit3A_951 : i32
        %rem3A_956 = arith.remsi %add3A_238, %select_n3A_955 : i32
        %ne3A_957 = arith.constant 0 : i32
        %ne3A_958 = arith.cmpi ne, %rem3A_956, %ne3A_957 : i32
        %lt3A_959 = arith.constant 0 : i32
        %lt3A_960 = arith.cmpi slt, %rem3A_956, %lt3A_959 : i32
        %lt3A_961 = arith.constant 0 : i32
        %lt3A_962 = arith.cmpi slt, %select_n3A_955, %lt3A_961 : i32
        %ne3A_963 = arith.xori %lt3A_960, %lt3A_962 : i1
        %and3A_964 = arith.andi %ne3A_963, %ne3A_958 : i1
        %add3A_965 = arith.addi %rem3A_956, %select_n3A_955 : i32
        %select_n3A_966 = arith.select %and3A_964, %add3A_965, %rem3A_956 : i32
        %jit3A_967 = arith.constant 32 : i32
        %div3A_968 = arith.divsi %add3A_247, %jit3A_967 : i32
        %sign3A_969 = arith.constant 0 : i32
        %sign3A_970 = arith.cmpi sgt, %add3A_247, %sign3A_969 : i32
        %sign3A_971 = arith.extui %sign3A_970 : i1 to i32
        %sign3A_972 = arith.constant 0 : i32
        %sign3A_973 = arith.cmpi slt, %add3A_247, %sign3A_972 : i32
        %sign3A_974 = arith.extui %sign3A_973 : i1 to i32
        %sign3A_975 = arith.subi %sign3A_971, %sign3A_974 : i32
        %sign3A_976 = arith.constant 0 : i32
        %sign3A_977 = arith.cmpi sgt, %jit3A_967, %sign3A_976 : i32
        %sign3A_978 = arith.extui %sign3A_977 : i1 to i32
        %sign3A_979 = arith.constant 0 : i32
        %sign3A_980 = arith.cmpi slt, %jit3A_967, %sign3A_979 : i32
        %sign3A_981 = arith.extui %sign3A_980 : i1 to i32
        %sign3A_982 = arith.subi %sign3A_978, %sign3A_981 : i32
        %ne3A_983 = arith.cmpi ne, %sign3A_975, %sign3A_982 : i32
        %rem3A_984 = arith.remsi %add3A_247, %jit3A_967 : i32
        %ne3A_985 = arith.constant 0 : i32
        %ne3A_986 = arith.cmpi ne, %rem3A_984, %ne3A_985 : i32
        %and3A_987 = arith.andi %ne3A_983, %ne3A_986 : i1
        %sub3A_988 = arith.constant 1 : i32
        %sub3A_989 = arith.subi %div3A_968, %sub3A_988 : i32
        %select_n3A_990 = arith.select %and3A_987, %sub3A_989, %div3A_968 : i32
        %jit3A_991 = arith.constant 32 : i32
        %eq3A_992 = arith.constant 0 : i32
        %eq3A_993 = arith.cmpi eq, %jit3A_991, %eq3A_992 : i32
        %jit3A_994 = arith.constant 1 : i32
        %select_n3A_995 = arith.select %eq3A_993, %jit3A_994, %jit3A_991 : i32
        %rem3A_996 = arith.remsi %add3A_247, %select_n3A_995 : i32
        %ne3A_997 = arith.constant 0 : i32
        %ne3A_998 = arith.cmpi ne, %rem3A_996, %ne3A_997 : i32
        %lt3A_999 = arith.constant 0 : i32
        %lt3A_1000 = arith.cmpi slt, %rem3A_996, %lt3A_999 : i32
        %lt3A_1001 = arith.constant 0 : i32
        %lt3A_1002 = arith.cmpi slt, %select_n3A_995, %lt3A_1001 : i32
        %ne3A_1003 = arith.xori %lt3A_1000, %lt3A_1002 : i1
        %and3A_1004 = arith.andi %ne3A_1003, %ne3A_998 : i1
        %add3A_1005 = arith.addi %rem3A_996, %select_n3A_995 : i32
        %select_n3A_1006 = arith.select %and3A_1004, %add3A_1005, %rem3A_996 : i32
        %ne3A_1007 = arith.cmpi ne, %select_n3A_950, %select_n3A_990 : i32
        %ne3A_1008 = arith.cmpi ne, %select_n3A_966, %select_n3A_1006 : i32
        %or3A_1009 = arith.constant false
        %or3A_1010 = arith.ori %or3A_1009, %ne3A_1007 : i1
        %or3A_1011 = arith.constant false
        %or3A_1012 = arith.ori %or3A_1010, %or3A_1011 : i1
        %or3A_1013 = arith.ori %or3A_1012, %ne3A_1008 : i1
        %or3A_1014 = arith.constant false
        %or3A_1015 = arith.ori %or3A_1013, %or3A_1014 : i1
        %not3A_1016 = arith.constant true
        %not3A_1017 = arith.xori %eq3A_235, %not3A_1016 : i1
        %and3A_1018 = arith.andi %or3A_1015, %not3A_1017 : i1
        %convert_element_type3A_1019 = arith.extui %and3A_1018 : i1 to i32
        %cond3A_1020 = arith.constant 0 : i32
        %cond3A_1021 = arith.cmpi ne, %convert_element_type3A_1019, %cond3A_1020 : i32
        scf.if %cond3A_1021 {
          "tpu.trace_start"() <{level = 10 : i32, message = "ep_wait_out"}> : () -> ()
          %rem3A_1124 = arith.constant 2 : i32
          %rem3A_1125 = arith.remui %scan3A_232, %rem3A_1124 : i32
          %jit3A_1126 = arith.constant 32 : i32
          %div3A_1127 = arith.divsi %add3A_247, %jit3A_1126 : i32
          %sign3A_1128 = arith.constant 0 : i32
          %sign3A_1129 = arith.cmpi sgt, %add3A_247, %sign3A_1128 : i32
          %sign3A_1130 = arith.extui %sign3A_1129 : i1 to i32
          %sign3A_1131 = arith.constant 0 : i32
          %sign3A_1132 = arith.cmpi slt, %add3A_247, %sign3A_1131 : i32
          %sign3A_1133 = arith.extui %sign3A_1132 : i1 to i32
          %sign3A_1134 = arith.subi %sign3A_1130, %sign3A_1133 : i32
          %sign3A_1135 = arith.constant 0 : i32
          %sign3A_1136 = arith.cmpi sgt, %jit3A_1126, %sign3A_1135 : i32
          %sign3A_1137 = arith.extui %sign3A_1136 : i1 to i32
          %sign3A_1138 = arith.constant 0 : i32
          %sign3A_1139 = arith.cmpi slt, %jit3A_1126, %sign3A_1138 : i32
          %sign3A_1140 = arith.extui %sign3A_1139 : i1 to i32
          %sign3A_1141 = arith.subi %sign3A_1137, %sign3A_1140 : i32
          %ne3A_1142 = arith.cmpi ne, %sign3A_1134, %sign3A_1141 : i32
          %rem3A_1143 = arith.remsi %add3A_247, %jit3A_1126 : i32
          %ne3A_1144 = arith.constant 0 : i32
          %ne3A_1145 = arith.cmpi ne, %rem3A_1143, %ne3A_1144 : i32
          %and3A_1146 = arith.andi %ne3A_1142, %ne3A_1145 : i1
          %sub3A_1147 = arith.constant 1 : i32
          %sub3A_1148 = arith.subi %div3A_1127, %sub3A_1147 : i32
          %select_n3A_1149 = arith.select %and3A_1146, %sub3A_1148, %div3A_1127 : i32
          %jit3A_1150 = arith.constant 32 : i32
          %eq3A_1151 = arith.constant 0 : i32
          %eq3A_1152 = arith.cmpi eq, %jit3A_1150, %eq3A_1151 : i32
          %jit3A_1153 = arith.constant 1 : i32
          %select_n3A_1154 = arith.select %eq3A_1152, %jit3A_1153, %jit3A_1150 : i32
          %rem3A_1155 = arith.remsi %add3A_247, %select_n3A_1154 : i32
          %ne3A_1156 = arith.constant 0 : i32
          %ne3A_1157 = arith.cmpi ne, %rem3A_1155, %ne3A_1156 : i32
          %lt3A_1158 = arith.constant 0 : i32
          %lt3A_1159 = arith.cmpi slt, %rem3A_1155, %lt3A_1158 : i32
          %lt3A_1160 = arith.constant 0 : i32
          %lt3A_1161 = arith.cmpi slt, %select_n3A_1154, %lt3A_1160 : i32
          %ne3A_1162 = arith.xori %lt3A_1159, %lt3A_1161 : i1
          %and3A_1163 = arith.andi %ne3A_1162, %ne3A_1157 : i1
          %add3A_1164 = arith.addi %rem3A_1155, %select_n3A_1154 : i32
          %select_n3A_1165 = arith.select %and3A_1163, %add3A_1164, %rem3A_1155 : i32
          %mul3A_1166 = arith.constant 1 : i32
          %mul3A_1167 = arith.muli %mul3A_1166, %select_n3A_1149 : i32
          %mul3A_1168 = arith.constant 128 : i32
          %mul3A_1169 = arith.muli %mul3A_1168, %select_n3A_1165 : i32
          %dma_wait3A_1170 = arith.constant 0 : i32
          %dma_wait3A_1171 = arith.constant 0 : i32
          %dma_wait3A_1172 = arith.constant 0 : i32
          %dma_wait3A_1173 = arith.constant 0 : i32
          %dma_wait3A_1174 = tpu.memref_slice %run_scoped3A_28[%rem3A_1125, %dma_wait3A_1170, %dma_wait3A_1171, %dma_wait3A_1172, %dma_wait3A_1173] : memref<2x1x1x128x128xf32, #tpu.memory_space<vmem>> -> memref<1x1x1x128x128xf32, #tpu.memory_space<vmem>>
          %dma_wait3A_1175 = tpu.memref_squeeze %dma_wait3A_1174 : memref<1x1x1x128x128xf32, #tpu.memory_space<vmem>> -> memref<1x1x128x128xf32, #tpu.memory_space<vmem>>
          %dma_wait3A_1176 = arith.constant 1 : i32
          %dma_wait3A_1177 = arith.constant 0 : i32
          %dma_wait3A_1178 = tpu.memref_slice %arg6[%mul3A_1167, %dma_wait3A_1176, %mul3A_1169, %dma_wait3A_1177] : memref<50x3x4096x128xf32, #tpu.memory_space<hbm>> -> memref<1x1x128x128xf32, #tpu.memory_space<hbm>>
          %dma_wait3A_1179 = tpu.memref_slice %run_scoped3A_29[%rem3A_1125] : memref<2x!tpu.dma_semaphore, #tpu.memory_space<semaphore_mem>> -> memref<1x!tpu.dma_semaphore, #tpu.memory_space<semaphore_mem>>
          %dma_wait3A_1180 = tpu.memref_squeeze %dma_wait3A_1179 : memref<1x!tpu.dma_semaphore, #tpu.memory_space<semaphore_mem>> -> memref<!tpu.dma_semaphore, #tpu.memory_space<semaphore_mem>>
          %dma_wait3A_1181 = arith.constant 1 : i32
          %dma_wait3A_1182 = arith.constant 0 : i32
          %dma_wait3A_1183 = tpu.memref_slice %arg6[%mul3A_1167, %dma_wait3A_1181, %mul3A_1169, %dma_wait3A_1182] : memref<50x3x4096x128xf32, #tpu.memory_space<hbm>> -> memref<1x1x128x128xf32, #tpu.memory_space<hbm>>
          %dma_wait3A_1184 = arith.constant 0 : i32
          %dma_wait3A_1185 = arith.constant 0 : i32
          %dma_wait3A_1186 = arith.constant 0 : i32
          %dma_wait3A_1187 = arith.constant 0 : i32
          %dma_wait3A_1188 = tpu.memref_slice %run_scoped3A_28[%rem3A_1125, %dma_wait3A_1184, %dma_wait3A_1185, %dma_wait3A_1186, %dma_wait3A_1187] : memref<2x1x1x128x128xf32, #tpu.memory_space<vmem>> -> memref<1x1x1x128x128xf32, #tpu.memory_space<vmem>>
          %dma_wait3A_1189 = tpu.memref_squeeze %dma_wait3A_1188 : memref<1x1x1x128x128xf32, #tpu.memory_space<vmem>> -> memref<1x1x128x128xf32, #tpu.memory_space<vmem>>
          tpu.wait_dma2 semaphore(%dma_wait3A_1180 : memref<!tpu.dma_semaphore, #tpu.memory_space<semaphore_mem>>) src(%dma_wait3A_1189 : memref<1x1x128x128xf32, #tpu.memory_space<vmem>>) dst(%dma_wait3A_1183 : memref<1x1x128x128xf32, #tpu.memory_space<hbm>>)
          "tpu.trace_stop"() : () -> ()
        } else {
        }
        %and3A_1022 = arith.constant true
        %and3A_1023 = arith.andi %and3A_1018, %and3A_1022 : i1
        %add3A_1024 = arith.constant 1 : i32
        %add3A_1025 = arith.addi %scan3A_232, %add3A_1024 : i32
        %select_n3A_1026 = arith.select %and3A_1023, %add3A_1025, %scan3A_232 : i32
        %jit3A_1027 = arith.constant 32 : i32
        %div3A_1028 = arith.divsi %add3A_238, %jit3A_1027 : i32
        %sign3A_1029 = arith.constant 0 : i32
        %sign3A_1030 = arith.cmpi sgt, %add3A_238, %sign3A_1029 : i32
        %sign3A_1031 = arith.extui %sign3A_1030 : i1 to i32
        %sign3A_1032 = arith.constant 0 : i32
        %sign3A_1033 = arith.cmpi slt, %add3A_238, %sign3A_1032 : i32
        %sign3A_1034 = arith.extui %sign3A_1033 : i1 to i32
        %sign3A_1035 = arith.subi %sign3A_1031, %sign3A_1034 : i32
        %sign3A_1036 = arith.constant 0 : i32
        %sign3A_1037 = arith.cmpi sgt, %jit3A_1027, %sign3A_1036 : i32
        %sign3A_1038 = arith.extui %sign3A_1037 : i1 to i32
        %sign3A_1039 = arith.constant 0 : i32
        %sign3A_1040 = arith.cmpi slt, %jit3A_1027, %sign3A_1039 : i32
        %sign3A_1041 = arith.extui %sign3A_1040 : i1 to i32
        %sign3A_1042 = arith.subi %sign3A_1038, %sign3A_1041 : i32
        %ne3A_1043 = arith.cmpi ne, %sign3A_1035, %sign3A_1042 : i32
        %rem3A_1044 = arith.remsi %add3A_238, %jit3A_1027 : i32
        %ne3A_1045 = arith.constant 0 : i32
        %ne3A_1046 = arith.cmpi ne, %rem3A_1044, %ne3A_1045 : i32
        %and3A_1047 = arith.andi %ne3A_1043, %ne3A_1046 : i1
        %sub3A_1048 = arith.constant 1 : i32
        %sub3A_1049 = arith.subi %div3A_1028, %sub3A_1048 : i32
        %select_n3A_1050 = arith.select %and3A_1047, %sub3A_1049, %div3A_1028 : i32
        %jit3A_1051 = arith.constant 32 : i32
        %eq3A_1052 = arith.constant 0 : i32
        %eq3A_1053 = arith.cmpi eq, %jit3A_1051, %eq3A_1052 : i32
        %jit3A_1054 = arith.constant 1 : i32
        %select_n3A_1055 = arith.select %eq3A_1053, %jit3A_1054, %jit3A_1051 : i32
        %rem3A_1056 = arith.remsi %add3A_238, %select_n3A_1055 : i32
        %ne3A_1057 = arith.constant 0 : i32
        %ne3A_1058 = arith.cmpi ne, %rem3A_1056, %ne3A_1057 : i32
        %lt3A_1059 = arith.constant 0 : i32
        %lt3A_1060 = arith.cmpi slt, %rem3A_1056, %lt3A_1059 : i32
        %lt3A_1061 = arith.constant 0 : i32
        %lt3A_1062 = arith.cmpi slt, %select_n3A_1055, %lt3A_1061 : i32
        %ne3A_1063 = arith.xori %lt3A_1060, %lt3A_1062 : i1
        %and3A_1064 = arith.andi %ne3A_1063, %ne3A_1058 : i1
        %add3A_1065 = arith.addi %rem3A_1056, %select_n3A_1055 : i32
        %select_n3A_1066 = arith.select %and3A_1064, %add3A_1065, %rem3A_1056 : i32
        %jit3A_1067 = arith.constant 32 : i32
        %div3A_1068 = arith.divsi %add3A_256, %jit3A_1067 : i32
        %sign3A_1069 = arith.constant 0 : i32
        %sign3A_1070 = arith.cmpi sgt, %add3A_256, %sign3A_1069 : i32
        %sign3A_1071 = arith.extui %sign3A_1070 : i1 to i32
        %sign3A_1072 = arith.constant 0 : i32
        %sign3A_1073 = arith.cmpi slt, %add3A_256, %sign3A_1072 : i32
        %sign3A_1074 = arith.extui %sign3A_1073 : i1 to i32
        %sign3A_1075 = arith.subi %sign3A_1071, %sign3A_1074 : i32
        %sign3A_1076 = arith.constant 0 : i32
        %sign3A_1077 = arith.cmpi sgt, %jit3A_1067, %sign3A_1076 : i32
        %sign3A_1078 = arith.extui %sign3A_1077 : i1 to i32
        %sign3A_1079 = arith.constant 0 : i32
        %sign3A_1080 = arith.cmpi slt, %jit3A_1067, %sign3A_1079 : i32
        %sign3A_1081 = arith.extui %sign3A_1080 : i1 to i32
        %sign3A_1082 = arith.subi %sign3A_1078, %sign3A_1081 : i32
        %ne3A_1083 = arith.cmpi ne, %sign3A_1075, %sign3A_1082 : i32
        %rem3A_1084 = arith.remsi %add3A_256, %jit3A_1067 : i32
        %ne3A_1085 = arith.constant 0 : i32
        %ne3A_1086 = arith.cmpi ne, %rem3A_1084, %ne3A_1085 : i32
        %and3A_1087 = arith.andi %ne3A_1083, %ne3A_1086 : i1
        %sub3A_1088 = arith.constant 1 : i32
        %sub3A_1089 = arith.subi %div3A_1068, %sub3A_1088 : i32
        %select_n3A_1090 = arith.select %and3A_1087, %sub3A_1089, %div3A_1068 : i32
        %jit3A_1091 = arith.constant 32 : i32
        %eq3A_1092 = arith.constant 0 : i32
        %eq3A_1093 = arith.cmpi eq, %jit3A_1091, %eq3A_1092 : i32
        %jit3A_1094 = arith.constant 1 : i32
        %select_n3A_1095 = arith.select %eq3A_1093, %jit3A_1094, %jit3A_1091 : i32
        %rem3A_1096 = arith.remsi %add3A_256, %select_n3A_1095 : i32
        %ne3A_1097 = arith.constant 0 : i32
        %ne3A_1098 = arith.cmpi ne, %rem3A_1096, %ne3A_1097 : i32
        %lt3A_1099 = arith.constant 0 : i32
        %lt3A_1100 = arith.cmpi slt, %rem3A_1096, %lt3A_1099 : i32
        %lt3A_1101 = arith.constant 0 : i32
        %lt3A_1102 = arith.cmpi slt, %select_n3A_1095, %lt3A_1101 : i32
        %ne3A_1103 = arith.xori %lt3A_1100, %lt3A_1102 : i1
        %and3A_1104 = arith.andi %ne3A_1103, %ne3A_1098 : i1
        %add3A_1105 = arith.addi %rem3A_1096, %select_n3A_1095 : i32
        %select_n3A_1106 = arith.select %and3A_1104, %add3A_1105, %rem3A_1096 : i32
        %ne3A_1107 = arith.cmpi ne, %select_n3A_1050, %select_n3A_1090 : i32
        %ne3A_1108 = arith.cmpi ne, %select_n3A_1066, %select_n3A_1106 : i32
        %or3A_1109 = arith.constant false
        %or3A_1110 = arith.ori %or3A_1109, %ne3A_1107 : i1
        %or3A_1111 = arith.ori %or3A_1110, %ne3A_1108 : i1
        %or3A_1112 = arith.ori %or3A_1111, %eq3A_237 : i1
        %add3A_1113 = arith.constant 1 : i32
        %add3A_1114 = arith.addi %scan3A_230, %add3A_1113 : i32
        %select_n3A_1115 = arith.select %or3A_1112, %add3A_1114, %scan3A_230 : i32
        %add3A_1116 = arith.constant 1 : i32
        %add3A_1117 = arith.addi %scan3A_233, %add3A_1116 : i32
        %select_n3A_1118 = arith.constant true
        %select_n3A_1119 = arith.select %select_n3A_1118, %add3A_1117, %scan3A_233 : i32
        %eq3A_1120 = arith.constant 50 : i32
        %eq3A_1121 = arith.cmpi eq, %select_n3A_1119, %eq3A_1120 : i32
        %select_n3A_1122 = arith.constant 0 : i32
        %select_n3A_1123 = arith.select %eq3A_1121, %select_n3A_1122, %select_n3A_1119 : i32
        scf.yield %select_n3A_360, %select_n3A_1115, %select_n3A_833, %select_n3A_1026, %select_n3A_1123 : i32, i32, i32, i32, i32
      }
      %scan3A_126 = arith.constant 50 : i32
      %sub3A_127 = arith.constant 1 : i32
      %sub3A_128 = arith.subi %scan3A_125#4, %sub3A_127 : i32
      %select_n3A_129 = arith.constant true
      %select_n3A_130 = arith.select %select_n3A_129, %sub3A_128, %scan3A_125#4 : i32
      %eq3A_131 = arith.constant -1 : i32
      %eq3A_132 = arith.cmpi eq, %select_n3A_130, %eq3A_131 : i32
      %select_n3A_133 = arith.constant 49 : i32
      %select_n3A_134 = arith.select %eq3A_132, %select_n3A_133, %select_n3A_130 : i32
      %add3A_135 = arith.addi %select_n3A_134, %mul3A_17 : i32
      %sub3A_136 = arith.constant 1 : i32
      %sub3A_137 = arith.subi %select_n3A_134, %sub3A_136 : i32
      %select_n3A_138 = arith.constant true
      %select_n3A_139 = arith.select %select_n3A_138, %sub3A_137, %select_n3A_134 : i32
      %eq3A_140 = arith.constant -1 : i32
      %eq3A_141 = arith.cmpi eq, %select_n3A_139, %eq3A_140 : i32
      %select_n3A_142 = arith.constant 49 : i32
      %select_n3A_143 = arith.select %eq3A_141, %select_n3A_142, %select_n3A_139 : i32
      %add3A_144 = arith.addi %select_n3A_143, %mul3A_17 : i32
      %add3A_145 = arith.constant 1 : i32
      %add3A_146 = arith.addi %select_n3A_134, %add3A_145 : i32
      %select_n3A_147 = arith.constant true
      %select_n3A_148 = arith.select %select_n3A_147, %add3A_146, %select_n3A_134 : i32
      %eq3A_149 = arith.constant 50 : i32
      %eq3A_150 = arith.cmpi eq, %select_n3A_148, %eq3A_149 : i32
      %select_n3A_151 = arith.constant 0 : i32
      %select_n3A_152 = arith.select %eq3A_150, %select_n3A_151, %select_n3A_148 : i32
      %add3A_153 = arith.addi %select_n3A_152, %mul3A_17 : i32
      %add3A_154 = arith.constant 1 : i32
      %add3A_155 = arith.addi %select_n3A_152, %add3A_154 : i32
      %select_n3A_156 = arith.constant true
      %select_n3A_157 = arith.select %select_n3A_156, %add3A_155, %select_n3A_152 : i32
      %eq3A_158 = arith.constant 50 : i32
      %eq3A_159 = arith.cmpi eq, %select_n3A_157, %eq3A_158 : i32
      %select_n3A_160 = arith.constant 0 : i32
      %select_n3A_161 = arith.select %eq3A_159, %select_n3A_160, %select_n3A_157 : i32
      %add3A_162 = arith.addi %select_n3A_161, %mul3A_17 : i32
      "tpu.trace_start"() <{level = 10 : i32, message = "ep_finalize"}> : () -> ()
      %rem3A_163 = arith.constant 2 : i32
      %rem3A_164 = arith.remui %scan3A_125#3, %rem3A_163 : i32
      %jit3A_165 = arith.constant 32 : i32
      %div3A_166 = arith.divsi %add3A_135, %jit3A_165 : i32
      %sign3A_167 = arith.constant 0 : i32
      %sign3A_168 = arith.cmpi sgt, %add3A_135, %sign3A_167 : i32
      %sign3A_169 = arith.extui %sign3A_168 : i1 to i32
      %sign3A_170 = arith.constant 0 : i32
      %sign3A_171 = arith.cmpi slt, %add3A_135, %sign3A_170 : i32
      %sign3A_172 = arith.extui %sign3A_171 : i1 to i32
      %sign3A_173 = arith.subi %sign3A_169, %sign3A_172 : i32
      %sign3A_174 = arith.constant 0 : i32
      %sign3A_175 = arith.cmpi sgt, %jit3A_165, %sign3A_174 : i32
      %sign3A_176 = arith.extui %sign3A_175 : i1 to i32
      %sign3A_177 = arith.constant 0 : i32
      %sign3A_178 = arith.cmpi slt, %jit3A_165, %sign3A_177 : i32
      %sign3A_179 = arith.extui %sign3A_178 : i1 to i32
      %sign3A_180 = arith.subi %sign3A_176, %sign3A_179 : i32
      %ne3A_181 = arith.cmpi ne, %sign3A_173, %sign3A_180 : i32
      %rem3A_182 = arith.remsi %add3A_135, %jit3A_165 : i32
      %ne3A_183 = arith.constant 0 : i32
      %ne3A_184 = arith.cmpi ne, %rem3A_182, %ne3A_183 : i32
      %and3A_185 = arith.andi %ne3A_181, %ne3A_184 : i1
      %sub3A_186 = arith.constant 1 : i32
      %sub3A_187 = arith.subi %div3A_166, %sub3A_186 : i32
      %select_n3A_188 = arith.select %and3A_185, %sub3A_187, %div3A_166 : i32
      %jit3A_189 = arith.constant 32 : i32
      %eq3A_190 = arith.constant 0 : i32
      %eq3A_191 = arith.cmpi eq, %jit3A_189, %eq3A_190 : i32
      %jit3A_192 = arith.constant 1 : i32
      %select_n3A_193 = arith.select %eq3A_191, %jit3A_192, %jit3A_189 : i32
      %rem3A_194 = arith.remsi %add3A_135, %select_n3A_193 : i32
      %ne3A_195 = arith.constant 0 : i32
      %ne3A_196 = arith.cmpi ne, %rem3A_194, %ne3A_195 : i32
      %lt3A_197 = arith.constant 0 : i32
      %lt3A_198 = arith.cmpi slt, %rem3A_194, %lt3A_197 : i32
      %lt3A_199 = arith.constant 0 : i32
      %lt3A_200 = arith.cmpi slt, %select_n3A_193, %lt3A_199 : i32
      %ne3A_201 = arith.xori %lt3A_198, %lt3A_200 : i1
      %and3A_202 = arith.andi %ne3A_201, %ne3A_196 : i1
      %add3A_203 = arith.addi %rem3A_194, %select_n3A_193 : i32
      %select_n3A_204 = arith.select %and3A_202, %add3A_203, %rem3A_194 : i32
      %mul3A_205 = arith.constant 1 : i32
      %mul3A_206 = arith.muli %mul3A_205, %select_n3A_188 : i32
      %mul3A_207 = arith.constant 128 : i32
      %mul3A_208 = arith.muli %mul3A_207, %select_n3A_204 : i32
      %dma_wait3A = arith.constant 0 : i32
      %dma_wait3A_209 = arith.constant 0 : i32
      %dma_wait3A_210 = arith.constant 0 : i32
      %dma_wait3A_211 = arith.constant 0 : i32
      %dma_wait3A_212 = tpu.memref_slice %run_scoped3A_28[%rem3A_164, %dma_wait3A, %dma_wait3A_209, %dma_wait3A_210, %dma_wait3A_211] : memref<2x1x1x128x128xf32, #tpu.memory_space<vmem>> -> memref<1x1x1x128x128xf32, #tpu.memory_space<vmem>>
      %dma_wait3A_213 = tpu.memref_squeeze %dma_wait3A_212 : memref<1x1x1x128x128xf32, #tpu.memory_space<vmem>> -> memref<1x1x128x128xf32, #tpu.memory_space<vmem>>
      %dma_wait3A_214 = arith.constant 1 : i32
      %dma_wait3A_215 = arith.constant 0 : i32
      %dma_wait3A_216 = tpu.memref_slice %arg6[%mul3A_206, %dma_wait3A_214, %mul3A_208, %dma_wait3A_215] : memref<50x3x4096x128xf32, #tpu.memory_space<hbm>> -> memref<1x1x128x128xf32, #tpu.memory_space<hbm>>
      %dma_wait3A_217 = tpu.memref_slice %run_scoped3A_29[%rem3A_164] : memref<2x!tpu.dma_semaphore, #tpu.memory_space<semaphore_mem>> -> memref<1x!tpu.dma_semaphore, #tpu.memory_space<semaphore_mem>>
      %dma_wait3A_218 = tpu.memref_squeeze %dma_wait3A_217 : memref<1x!tpu.dma_semaphore, #tpu.memory_space<semaphore_mem>> -> memref<!tpu.dma_semaphore, #tpu.memory_space<semaphore_mem>>
      %dma_wait3A_219 = arith.constant 1 : i32
      %dma_wait3A_220 = arith.constant 0 : i32
      %dma_wait3A_221 = tpu.memref_slice %arg6[%mul3A_206, %dma_wait3A_219, %mul3A_208, %dma_wait3A_220] : memref<50x3x4096x128xf32, #tpu.memory_space<hbm>> -> memref<1x1x128x128xf32, #tpu.memory_space<hbm>>
      %dma_wait3A_222 = arith.constant 0 : i32
      %dma_wait3A_223 = arith.constant 0 : i32
      %dma_wait3A_224 = arith.constant 0 : i32
      %dma_wait3A_225 = arith.constant 0 : i32
      %dma_wait3A_226 = tpu.memref_slice %run_scoped3A_28[%rem3A_164, %dma_wait3A_222, %dma_wait3A_223, %dma_wait3A_224, %dma_wait3A_225] : memref<2x1x1x128x128xf32, #tpu.memory_space<vmem>> -> memref<1x1x1x128x128xf32, #tpu.memory_space<vmem>>
      %dma_wait3A_227 = tpu.memref_squeeze %dma_wait3A_226 : memref<1x1x1x128x128xf32, #tpu.memory_space<vmem>> -> memref<1x1x128x128xf32, #tpu.memory_space<vmem>>
      tpu.wait_dma2 semaphore(%dma_wait3A_218 : memref<!tpu.dma_semaphore, #tpu.memory_space<semaphore_mem>>) src(%dma_wait3A_227 : memref<1x1x128x128xf32, #tpu.memory_space<vmem>>) dst(%dma_wait3A_221 : memref<1x1x128x128xf32, #tpu.memory_space<hbm>>)
      "tpu.trace_stop"() : () -> ()
      tpu.yield
    }) : () -> ()
    %mul3A_18 = arith.constant 1 : i32
    %mul3A_19 = arith.muli %arg1, %mul3A_18 : i32
    %add3A_20 = arith.constant 0 : i32
    %add3A_21 = arith.addi %add3A_20, %mul3A_19 : i32
    %mul3A_22 = arith.constant 16 : i32
    %mul3A_23 = arith.muli %arg0, %mul3A_22 : i32
    %add3A_24 = arith.addi %add3A_21, %mul3A_23 : i32
    %mul3A_25 = arith.constant 50 : i32
    %mul3A_26 = arith.muli %add3A_24, %mul3A_25 : i32
    "tpu.region"() ({
      %run_scoped3A = memref.alloca() : memref<2x1x1x128xi32, #tpu.memory_space<vmem>>
      %run_scoped3A_27 = tpu.sem_alloc : memref<2x!tpu.dma_semaphore, #tpu.memory_space<semaphore_mem>>
      %run_scoped3A_28 = memref.alloca() : memref<2x1x1x128x128xf32, #tpu.memory_space<vmem>>
      %run_scoped3A_29 = tpu.sem_alloc : memref<2x!tpu.dma_semaphore, #tpu.memory_space<semaphore_mem>>
      %add3A_30 = arith.constant 0 : i32
      %add3A_31 = arith.addi %add3A_30, %mul3A_26 : i32
      %select_n3A = arith.constant true
      %select_n3A_32 = arith.constant 0 : i32
      %select_n3A_33 = arith.constant -1 : i32
      %select_n3A_34 = arith.select %select_n3A, %select_n3A_33, %select_n3A_32 : i32
      %eq3A_35 = arith.constant -1 : i32
      %eq3A_36 = arith.cmpi eq, %select_n3A_34, %eq3A_35 : i32
      %select_n3A_37 = arith.constant 49 : i32
      %select_n3A_38 = arith.select %eq3A_36, %select_n3A_37, %select_n3A_34 : i32
      %add3A_39 = arith.addi %select_n3A_38, %mul3A_26 : i32
      %select_n3A_40 = arith.constant true
      %select_n3A_41 = arith.constant 0 : i32
      %select_n3A_42 = arith.constant 1 : i32
      %select_n3A_43 = arith.select %select_n3A_40, %select_n3A_42, %select_n3A_41 : i32
      %eq3A_44 = arith.constant 50 : i32
      %eq3A_45 = arith.cmpi eq, %select_n3A_43, %eq3A_44 : i32
      %select_n3A_46 = arith.constant 0 : i32
      %select_n3A_47 = arith.select %eq3A_45, %select_n3A_46, %select_n3A_43 : i32
      %add3A_48 = arith.addi %select_n3A_47, %mul3A_26 : i32
      %add3A_49 = arith.constant 1 : i32
      %add3A_50 = arith.addi %select_n3A_47, %add3A_49 : i32
      %select_n3A_51 = arith.constant true
      %select_n3A_52 = arith.select %select_n3A_51, %add3A_50, %select_n3A_47 : i32
      %eq3A_53 = arith.constant 50 : i32
      %eq3A_54 = arith.cmpi eq, %select_n3A_52, %eq3A_53 : i32
      %select_n3A_55 = arith.constant 0 : i32
      %select_n3A_56 = arith.select %eq3A_54, %select_n3A_55, %select_n3A_52 : i32
      %add3A_57 = arith.addi %select_n3A_56, %mul3A_26 : i32
      "tpu.trace_start"() <{level = 10 : i32, message = "ep_initialize_0"}> : () -> ()
      %rem3A = arith.constant 0 : i32
      %rem3A_58 = arith.constant 2 : i32
      %rem3A_59 = arith.remui %rem3A, %rem3A_58 : i32
      %jit3A = arith.constant 32 : i32
      %div3A = arith.divsi %add3A_31, %jit3A : i32
      %sign3A = arith.constant 0 : i32
      %sign3A_60 = arith.cmpi sgt, %add3A_31, %sign3A : i32
      %sign3A_61 = arith.extui %sign3A_60 : i1 to i32
      %sign3A_62 = arith.constant 0 : i32
      %sign3A_63 = arith.cmpi slt, %add3A_31, %sign3A_62 : i32
      %sign3A_64 = arith.extui %sign3A_63 : i1 to i32
      %sign3A_65 = arith.subi %sign3A_61, %sign3A_64 : i32
      %sign3A_66 = arith.constant 0 : i32
      %sign3A_67 = arith.cmpi sgt, %jit3A, %sign3A_66 : i32
      %sign3A_68 = arith.extui %sign3A_67 : i1 to i32
      %sign3A_69 = arith.constant 0 : i32
      %sign3A_70 = arith.cmpi slt, %jit3A, %sign3A_69 : i32
      %sign3A_71 = arith.extui %sign3A_70 : i1 to i32
      %sign3A_72 = arith.subi %sign3A_68, %sign3A_71 : i32
      %ne3A = arith.cmpi ne, %sign3A_65, %sign3A_72 : i32
      %rem3A_73 = arith.remsi %add3A_31, %jit3A : i32
      %ne3A_74 = arith.constant 0 : i32
      %ne3A_75 = arith.cmpi ne, %rem3A_73, %ne3A_74 : i32
      %and3A = arith.andi %ne3A, %ne3A_75 : i1
      %sub3A = arith.constant 1 : i32
      %sub3A_76 = arith.subi %div3A, %sub3A : i32
      %select_n3A_77 = arith.select %and3A, %sub3A_76, %div3A : i32
      %jit3A_78 = arith.constant 32 : i32
      %eq3A_79 = arith.constant 0 : i32
      %eq3A_80 = arith.cmpi eq, %jit3A_78, %eq3A_79 : i32
      %jit3A_81 = arith.constant 1 : i32
      %select_n3A_82 = arith.select %eq3A_80, %jit3A_81, %jit3A_78 : i32
      %rem3A_83 = arith.remsi %add3A_31, %select_n3A_82 : i32
      %ne3A_84 = arith.constant 0 : i32
      %ne3A_85 = arith.cmpi ne, %rem3A_83, %ne3A_84 : i32
      %lt3A = arith.constant 0 : i32
      %lt3A_86 = arith.cmpi slt, %rem3A_83, %lt3A : i32
      %lt3A_87 = arith.constant 0 : i32
      %lt3A_88 = arith.cmpi slt, %select_n3A_82, %lt3A_87 : i32
      %ne3A_89 = arith.xori %lt3A_86, %lt3A_88 : i1
      %and3A_90 = arith.andi %ne3A_89, %ne3A_85 : i1
      %add3A_91 = arith.addi %rem3A_83, %select_n3A_82 : i32
      %select_n3A_92 = arith.select %and3A_90, %add3A_91, %rem3A_83 : i32
      %mul3A_93 = arith.constant 1 : i32
      %mul3A_94 = arith.muli %mul3A_93, %select_n3A_77 : i32
      %mul3A_95 = arith.constant 128 : i32
      %mul3A_96 = arith.muli %mul3A_95, %select_n3A_92 : i32
      %dma_start3A = arith.constant 0 : i32
      %dma_start3A_97 = arith.constant 0 : i32
      %dma_start3A_98 = arith.constant 0 : i32
      %dma_start3A_99 = tpu.memref_slice %run_scoped3A[%rem3A_59, %dma_start3A, %dma_start3A_97, %dma_start3A_98] : memref<2x1x1x128xi32, #tpu.memory_space<vmem>> -> memref<1x1x1x128xi32, #tpu.memory_space<vmem>>
      %dma_start3A_100 = tpu.memref_squeeze %dma_start3A_99 : memref<1x1x1x128xi32, #tpu.memory_space<vmem>> -> memref<1x1x128xi32, #tpu.memory_space<vmem>>
      %dma_start3A_101 = arith.constant 2 : i32
      %dma_start3A_102 = tpu.memref_slice %arg5[%dma_start3A_101, %mul3A_94, %mul3A_96] : memref<3x50x4096xi32, #tpu.memory_space<hbm>> -> memref<1x1x128xi32, #tpu.memory_space<hbm>>
      %dma_start3A_103 = tpu.memref_slice %run_scoped3A_27[%rem3A_59] : memref<2x!tpu.dma_semaphore, #tpu.memory_space<semaphore_mem>> -> memref<1x!tpu.dma_semaphore, #tpu.memory_space<semaphore_mem>>
      %dma_start3A_104 = tpu.memref_squeeze %dma_start3A_103 : memref<1x!tpu.dma_semaphore, #tpu.memory_space<semaphore_mem>> -> memref<!tpu.dma_semaphore, #tpu.memory_space<semaphore_mem>>
      %dma_start3A_105 = arith.constant 0 : i32
      %dma_start3A_106 = arith.constant 0 : i32
      %dma_start3A_107 = arith.constant 0 : i32
      %dma_start3A_108 = tpu.memref_slice %run_scoped3A[%rem3A_59, %dma_start3A_105, %dma_start3A_106, %dma_start3A_107] : memref<2x1x1x128xi32, #tpu.memory_space<vmem>> -> memref<1x1x1x128xi32, #tpu.memory_space<vmem>>
      %dma_start3A_109 = tpu.memref_squeeze %dma_start3A_108 : memref<1x1x1x128xi32, #tpu.memory_space<vmem>> -> memref<1x1x128xi32, #tpu.memory_space<vmem>>
      %dma_start3A_110 = arith.constant 2 : i32
      %dma_start3A_111 = tpu.memref_slice %arg5[%dma_start3A_110, %mul3A_94, %mul3A_96] : memref<3x50x4096xi32, #tpu.memory_space<hbm>> -> memref<1x1x128xi32, #tpu.memory_space<hbm>>
      tpu.enqueue_dma source(%dma_start3A_111 : memref<1x1x128xi32, #tpu.memory_space<hbm>>) target(%dma_start3A_109 : memref<1x1x128xi32, #tpu.memory_space<vmem>>) target_semaphore(%dma_start3A_104 : memref<!tpu.dma_semaphore, #tpu.memory_space<semaphore_mem>>)
      %add3A_112 = arith.constant 0 : i32
      %add3A_113 = arith.constant 1 : i32
      %add3A_114 = arith.addi %add3A_112, %add3A_113 : i32
      %select_n3A_115 = arith.constant true
      %select_n3A_116 = arith.constant 0 : i32
      %select_n3A_117 = arith.select %select_n3A_115, %add3A_114, %select_n3A_116 : i32
      "tpu.trace_stop"() : () -> ()
      %scan3A = arith.constant 0 : i32
      %scan3A_118 = arith.constant 0 : i32
      %scan3A_119 = arith.constant 0 : i32
      %scan3A_120 = arith.constant 0 : i32
      %scan3A_121 = arith.constant 0 : i32
      %scan3A_122 = arith.constant 50 : i32
      %scan3A_123 = arith.addi %scan3A_121, %scan3A_122 : i32
      %scan3A_124 = arith.constant 1 : i32
      %scan3A_125:5 = scf.for %scan3A_228 = %scan3A_121 to %scan3A_123 step %scan3A_124 iter_args(%scan3A_229 = %select_n3A_117, %scan3A_230 = %scan3A, %scan3A_231 = %scan3A_118, %scan3A_232 = %scan3A_119, %scan3A_233 = %scan3A_120) -> (i32, i32, i32, i32, i32)  : i32 {
        %eq3A_234 = arith.constant 0 : i32
        %eq3A_235 = arith.cmpi eq, %scan3A_228, %eq3A_234 : i32
        %eq3A_236 = arith.constant 49 : i32
        %eq3A_237 = arith.cmpi eq, %scan3A_228, %eq3A_236 : i32
        %add3A_238 = arith.addi %scan3A_233, %mul3A_26 : i32
        %sub3A_239 = arith.constant 1 : i32
        %sub3A_240 = arith.subi %scan3A_233, %sub3A_239 : i32
        %select_n3A_241 = arith.constant true
        %select_n3A_242 = arith.select %select_n3A_241, %sub3A_240, %scan3A_233 : i32
        %eq3A_243 = arith.constant -1 : i32
        %eq3A_244 = arith.cmpi eq, %select_n3A_242, %eq3A_243 : i32
        %select_n3A_245 = arith.constant 49 : i32
        %select_n3A_246 = arith.select %eq3A_244, %select_n3A_245, %select_n3A_242 : i32
        %add3A_247 = arith.addi %select_n3A_246, %mul3A_26 : i32
        %add3A_248 = arith.constant 1 : i32
        %add3A_249 = arith.addi %scan3A_233, %add3A_248 : i32
        %select_n3A_250 = arith.constant true
        %select_n3A_251 = arith.select %select_n3A_250, %add3A_249, %scan3A_233 : i32
        %eq3A_252 = arith.constant 50 : i32
        %eq3A_253 = arith.cmpi eq, %select_n3A_251, %eq3A_252 : i32
        %select_n3A_254 = arith.constant 0 : i32
        %select_n3A_255 = arith.select %eq3A_253, %select_n3A_254, %select_n3A_251 : i32
        %add3A_256 = arith.addi %select_n3A_255, %mul3A_26 : i32
        %add3A_257 = arith.constant 1 : i32
        %add3A_258 = arith.addi %select_n3A_255, %add3A_257 : i32
        %select_n3A_259 = arith.constant true
        %select_n3A_260 = arith.select %select_n3A_259, %add3A_258, %select_n3A_255 : i32
        %eq3A_261 = arith.constant 50 : i32
        %eq3A_262 = arith.cmpi eq, %select_n3A_260, %eq3A_261 : i32
        %select_n3A_263 = arith.constant 0 : i32
        %select_n3A_264 = arith.select %eq3A_262, %select_n3A_263, %select_n3A_260 : i32
        %add3A_265 = arith.addi %select_n3A_264, %mul3A_26 : i32
        %jit3A_266 = arith.constant 32 : i32
        %div3A_267 = arith.divsi %add3A_238, %jit3A_266 : i32
        %sign3A_268 = arith.constant 0 : i32
        %sign3A_269 = arith.cmpi sgt, %add3A_238, %sign3A_268 : i32
        %sign3A_270 = arith.extui %sign3A_269 : i1 to i32
        %sign3A_271 = arith.constant 0 : i32
        %sign3A_272 = arith.cmpi slt, %add3A_238, %sign3A_271 : i32
        %sign3A_273 = arith.extui %sign3A_272 : i1 to i32
        %sign3A_274 = arith.subi %sign3A_270, %sign3A_273 : i32
        %sign3A_275 = arith.constant 0 : i32
        %sign3A_276 = arith.cmpi sgt, %jit3A_266, %sign3A_275 : i32
        %sign3A_277 = arith.extui %sign3A_276 : i1 to i32
        %sign3A_278 = arith.constant 0 : i32
        %sign3A_279 = arith.cmpi slt, %jit3A_266, %sign3A_278 : i32
        %sign3A_280 = arith.extui %sign3A_279 : i1 to i32
        %sign3A_281 = arith.subi %sign3A_277, %sign3A_280 : i32
        %ne3A_282 = arith.cmpi ne, %sign3A_274, %sign3A_281 : i32
        %rem3A_283 = arith.remsi %add3A_238, %jit3A_266 : i32
        %ne3A_284 = arith.constant 0 : i32
        %ne3A_285 = arith.cmpi ne, %rem3A_283, %ne3A_284 : i32
        %and3A_286 = arith.andi %ne3A_282, %ne3A_285 : i1
        %sub3A_287 = arith.constant 1 : i32
        %sub3A_288 = arith.subi %div3A_267, %sub3A_287 : i32
        %select_n3A_289 = arith.select %and3A_286, %sub3A_288, %div3A_267 : i32
        %jit3A_290 = arith.constant 32 : i32
        %eq3A_291 = arith.constant 0 : i32
        %eq3A_292 = arith.cmpi eq, %jit3A_290, %eq3A_291 : i32
        %jit3A_293 = arith.constant 1 : i32
        %select_n3A_294 = arith.select %eq3A_292, %jit3A_293, %jit3A_290 : i32
        %rem3A_295 = arith.remsi %add3A_238, %select_n3A_294 : i32
        %ne3A_296 = arith.constant 0 : i32
        %ne3A_297 = arith.cmpi ne, %rem3A_295, %ne3A_296 : i32
        %lt3A_298 = arith.constant 0 : i32
        %lt3A_299 = arith.cmpi slt, %rem3A_295, %lt3A_298 : i32
        %lt3A_300 = arith.constant 0 : i32
        %lt3A_301 = arith.cmpi slt, %select_n3A_294, %lt3A_300 : i32
        %ne3A_302 = arith.xori %lt3A_299, %lt3A_301 : i1
        %and3A_303 = arith.andi %ne3A_302, %ne3A_297 : i1
        %add3A_304 = arith.addi %rem3A_295, %select_n3A_294 : i32
        %select_n3A_305 = arith.select %and3A_303, %add3A_304, %rem3A_295 : i32
        %jit3A_306 = arith.constant 32 : i32
        %div3A_307 = arith.divsi %add3A_256, %jit3A_306 : i32
        %sign3A_308 = arith.constant 0 : i32
        %sign3A_309 = arith.cmpi sgt, %add3A_256, %sign3A_308 : i32
        %sign3A_310 = arith.extui %sign3A_309 : i1 to i32
        %sign3A_311 = arith.constant 0 : i32
        %sign3A_312 = arith.cmpi slt, %add3A_256, %sign3A_311 : i32
        %sign3A_313 = arith.extui %sign3A_312 : i1 to i32
        %sign3A_314 = arith.subi %sign3A_310, %sign3A_313 : i32
        %sign3A_315 = arith.constant 0 : i32
        %sign3A_316 = arith.cmpi sgt, %jit3A_306, %sign3A_315 : i32
        %sign3A_317 = arith.extui %sign3A_316 : i1 to i32
        %sign3A_318 = arith.constant 0 : i32
        %sign3A_319 = arith.cmpi slt, %jit3A_306, %sign3A_318 : i32
        %sign3A_320 = arith.extui %sign3A_319 : i1 to i32
        %sign3A_321 = arith.subi %sign3A_317, %sign3A_320 : i32
        %ne3A_322 = arith.cmpi ne, %sign3A_314, %sign3A_321 : i32
        %rem3A_323 = arith.remsi %add3A_256, %jit3A_306 : i32
        %ne3A_324 = arith.constant 0 : i32
        %ne3A_325 = arith.cmpi ne, %rem3A_323, %ne3A_324 : i32
        %and3A_326 = arith.andi %ne3A_322, %ne3A_325 : i1
        %sub3A_327 = arith.constant 1 : i32
        %sub3A_328 = arith.subi %div3A_307, %sub3A_327 : i32
        %select_n3A_329 = arith.select %and3A_326, %sub3A_328, %div3A_307 : i32
        %jit3A_330 = arith.constant 32 : i32
        %eq3A_331 = arith.constant 0 : i32
        %eq3A_332 = arith.cmpi eq, %jit3A_330, %eq3A_331 : i32
        %jit3A_333 = arith.constant 1 : i32
        %select_n3A_334 = arith.select %eq3A_332, %jit3A_333, %jit3A_330 : i32
        %rem3A_335 = arith.remsi %add3A_256, %select_n3A_334 : i32
        %ne3A_336 = arith.constant 0 : i32
        %ne3A_337 = arith.cmpi ne, %rem3A_335, %ne3A_336 : i32
        %lt3A_338 = arith.constant 0 : i32
        %lt3A_339 = arith.cmpi slt, %rem3A_335, %lt3A_338 : i32
        %lt3A_340 = arith.constant 0 : i32
        %lt3A_341 = arith.cmpi slt, %select_n3A_334, %lt3A_340 : i32
        %ne3A_342 = arith.xori %lt3A_339, %lt3A_341 : i1
        %and3A_343 = arith.andi %ne3A_342, %ne3A_337 : i1
        %add3A_344 = arith.addi %rem3A_335, %select_n3A_334 : i32
        %select_n3A_345 = arith.select %and3A_343, %add3A_344, %rem3A_335 : i32
        %ne3A_346 = arith.cmpi ne, %select_n3A_289, %select_n3A_329 : i32
        %ne3A_347 = arith.cmpi ne, %select_n3A_305, %select_n3A_345 : i32
        %or3A = arith.constant false
        %or3A_348 = arith.ori %or3A, %ne3A_346 : i1
        %or3A_349 = arith.ori %or3A_348, %ne3A_347 : i1
        %ge3A = arith.constant 49 : i32
        %ge3A_350 = arith.cmpi sge, %scan3A_228, %ge3A : i32
        %not3A = arith.constant true
        %not3A_351 = arith.xori %ge3A_350, %not3A : i1
        %and3A_352 = arith.andi %or3A_349, %not3A_351 : i1
        %convert_element_type3A_353 = arith.extui %and3A_352 : i1 to i32
        %cond3A_354 = arith.constant 0 : i32
        %cond3A_355 = arith.cmpi ne, %convert_element_type3A_353, %cond3A_354 : i32
        scf.if %cond3A_355 {
          "tpu.trace_start"() <{level = 10 : i32, message = "ep_copy_in"}> : () -> ()
          %rem3A_1124 = arith.constant 2 : i32
          %rem3A_1125 = arith.remui %scan3A_229, %rem3A_1124 : i32
          %jit3A_1126 = arith.constant 32 : i32
          %div3A_1127 = arith.divsi %add3A_256, %jit3A_1126 : i32
          %sign3A_1128 = arith.constant 0 : i32
          %sign3A_1129 = arith.cmpi sgt, %add3A_256, %sign3A_1128 : i32
          %sign3A_1130 = arith.extui %sign3A_1129 : i1 to i32
          %sign3A_1131 = arith.constant 0 : i32
          %sign3A_1132 = arith.cmpi slt, %add3A_256, %sign3A_1131 : i32
          %sign3A_1133 = arith.extui %sign3A_1132 : i1 to i32
          %sign3A_1134 = arith.subi %sign3A_1130, %sign3A_1133 : i32
          %sign3A_1135 = arith.constant 0 : i32
          %sign3A_1136 = arith.cmpi sgt, %jit3A_1126, %sign3A_1135 : i32
          %sign3A_1137 = arith.extui %sign3A_1136 : i1 to i32
          %sign3A_1138 = arith.constant 0 : i32
          %sign3A_1139 = arith.cmpi slt, %jit3A_1126, %sign3A_1138 : i32
          %sign3A_1140 = arith.extui %sign3A_1139 : i1 to i32
          %sign3A_1141 = arith.subi %sign3A_1137, %sign3A_1140 : i32
          %ne3A_1142 = arith.cmpi ne, %sign3A_1134, %sign3A_1141 : i32
          %rem3A_1143 = arith.remsi %add3A_256, %jit3A_1126 : i32
          %ne3A_1144 = arith.constant 0 : i32
          %ne3A_1145 = arith.cmpi ne, %rem3A_1143, %ne3A_1144 : i32
          %and3A_1146 = arith.andi %ne3A_1142, %ne3A_1145 : i1
          %sub3A_1147 = arith.constant 1 : i32
          %sub3A_1148 = arith.subi %div3A_1127, %sub3A_1147 : i32
          %select_n3A_1149 = arith.select %and3A_1146, %sub3A_1148, %div3A_1127 : i32
          %jit3A_1150 = arith.constant 32 : i32
          %eq3A_1151 = arith.constant 0 : i32
          %eq3A_1152 = arith.cmpi eq, %jit3A_1150, %eq3A_1151 : i32
          %jit3A_1153 = arith.constant 1 : i32
          %select_n3A_1154 = arith.select %eq3A_1152, %jit3A_1153, %jit3A_1150 : i32
          %rem3A_1155 = arith.remsi %add3A_256, %select_n3A_1154 : i32
          %ne3A_1156 = arith.constant 0 : i32
          %ne3A_1157 = arith.cmpi ne, %rem3A_1155, %ne3A_1156 : i32
          %lt3A_1158 = arith.constant 0 : i32
          %lt3A_1159 = arith.cmpi slt, %rem3A_1155, %lt3A_1158 : i32
          %lt3A_1160 = arith.constant 0 : i32
          %lt3A_1161 = arith.cmpi slt, %select_n3A_1154, %lt3A_1160 : i32
          %ne3A_1162 = arith.xori %lt3A_1159, %lt3A_1161 : i1
          %and3A_1163 = arith.andi %ne3A_1162, %ne3A_1157 : i1
          %add3A_1164 = arith.addi %rem3A_1155, %select_n3A_1154 : i32
          %select_n3A_1165 = arith.select %and3A_1163, %add3A_1164, %rem3A_1155 : i32
          %mul3A_1166 = arith.constant 1 : i32
          %mul3A_1167 = arith.muli %mul3A_1166, %select_n3A_1149 : i32
          %mul3A_1168 = arith.constant 128 : i32
          %mul3A_1169 = arith.muli %mul3A_1168, %select_n3A_1165 : i32
          %dma_start3A_1170 = arith.constant 0 : i32
          %dma_start3A_1171 = arith.constant 0 : i32
          %dma_start3A_1172 = arith.constant 0 : i32
          %dma_start3A_1173 = tpu.memref_slice %run_scoped3A[%rem3A_1125, %dma_start3A_1170, %dma_start3A_1171, %dma_start3A_1172] : memref<2x1x1x128xi32, #tpu.memory_space<vmem>> -> memref<1x1x1x128xi32, #tpu.memory_space<vmem>>
          %dma_start3A_1174 = tpu.memref_squeeze %dma_start3A_1173 : memref<1x1x1x128xi32, #tpu.memory_space<vmem>> -> memref<1x1x128xi32, #tpu.memory_space<vmem>>
          %dma_start3A_1175 = arith.constant 2 : i32
          %dma_start3A_1176 = tpu.memref_slice %arg5[%dma_start3A_1175, %mul3A_1167, %mul3A_1169] : memref<3x50x4096xi32, #tpu.memory_space<hbm>> -> memref<1x1x128xi32, #tpu.memory_space<hbm>>
          %dma_start3A_1177 = tpu.memref_slice %run_scoped3A_27[%rem3A_1125] : memref<2x!tpu.dma_semaphore, #tpu.memory_space<semaphore_mem>> -> memref<1x!tpu.dma_semaphore, #tpu.memory_space<semaphore_mem>>
          %dma_start3A_1178 = tpu.memref_squeeze %dma_start3A_1177 : memref<1x!tpu.dma_semaphore, #tpu.memory_space<semaphore_mem>> -> memref<!tpu.dma_semaphore, #tpu.memory_space<semaphore_mem>>
          %dma_start3A_1179 = arith.constant 0 : i32
          %dma_start3A_1180 = arith.constant 0 : i32
          %dma_start3A_1181 = arith.constant 0 : i32
          %dma_start3A_1182 = tpu.memref_slice %run_scoped3A[%rem3A_1125, %dma_start3A_1179, %dma_start3A_1180, %dma_start3A_1181] : memref<2x1x1x128xi32, #tpu.memory_space<vmem>> -> memref<1x1x1x128xi32, #tpu.memory_space<vmem>>
          %dma_start3A_1183 = tpu.memref_squeeze %dma_start3A_1182 : memref<1x1x1x128xi32, #tpu.memory_space<vmem>> -> memref<1x1x128xi32, #tpu.memory_space<vmem>>
          %dma_start3A_1184 = arith.constant 2 : i32
          %dma_start3A_1185 = tpu.memref_slice %arg5[%dma_start3A_1184, %mul3A_1167, %mul3A_1169] : memref<3x50x4096xi32, #tpu.memory_space<hbm>> -> memref<1x1x128xi32, #tpu.memory_space<hbm>>
          tpu.enqueue_dma source(%dma_start3A_1185 : memref<1x1x128xi32, #tpu.memory_space<hbm>>) target(%dma_start3A_1183 : memref<1x1x128xi32, #tpu.memory_space<vmem>>) target_semaphore(%dma_start3A_1178 : memref<!tpu.dma_semaphore, #tpu.memory_space<semaphore_mem>>)
          "tpu.trace_stop"() : () -> ()
        } else {
        }
        %and3A_356 = arith.constant true
        %and3A_357 = arith.andi %and3A_352, %and3A_356 : i1
        %add3A_358 = arith.constant 1 : i32
        %add3A_359 = arith.addi %scan3A_229, %add3A_358 : i32
        %select_n3A_360 = arith.select %and3A_357, %add3A_359, %scan3A_229 : i32
        %jit3A_361 = arith.constant 32 : i32
        %div3A_362 = arith.divsi %add3A_238, %jit3A_361 : i32
        %sign3A_363 = arith.constant 0 : i32
        %sign3A_364 = arith.cmpi sgt, %add3A_238, %sign3A_363 : i32
        %sign3A_365 = arith.extui %sign3A_364 : i1 to i32
        %sign3A_366 = arith.constant 0 : i32
        %sign3A_367 = arith.cmpi slt, %add3A_238, %sign3A_366 : i32
        %sign3A_368 = arith.extui %sign3A_367 : i1 to i32
        %sign3A_369 = arith.subi %sign3A_365, %sign3A_368 : i32
        %sign3A_370 = arith.constant 0 : i32
        %sign3A_371 = arith.cmpi sgt, %jit3A_361, %sign3A_370 : i32
        %sign3A_372 = arith.extui %sign3A_371 : i1 to i32
        %sign3A_373 = arith.constant 0 : i32
        %sign3A_374 = arith.cmpi slt, %jit3A_361, %sign3A_373 : i32
        %sign3A_375 = arith.extui %sign3A_374 : i1 to i32
        %sign3A_376 = arith.subi %sign3A_372, %sign3A_375 : i32
        %ne3A_377 = arith.cmpi ne, %sign3A_369, %sign3A_376 : i32
        %rem3A_378 = arith.remsi %add3A_238, %jit3A_361 : i32
        %ne3A_379 = arith.constant 0 : i32
        %ne3A_380 = arith.cmpi ne, %rem3A_378, %ne3A_379 : i32
        %and3A_381 = arith.andi %ne3A_377, %ne3A_380 : i1
        %sub3A_382 = arith.constant 1 : i32
        %sub3A_383 = arith.subi %div3A_362, %sub3A_382 : i32
        %select_n3A_384 = arith.select %and3A_381, %sub3A_383, %div3A_362 : i32
        %jit3A_385 = arith.constant 32 : i32
        %eq3A_386 = arith.constant 0 : i32
        %eq3A_387 = arith.cmpi eq, %jit3A_385, %eq3A_386 : i32
        %jit3A_388 = arith.constant 1 : i32
        %select_n3A_389 = arith.select %eq3A_387, %jit3A_388, %jit3A_385 : i32
        %rem3A_390 = arith.remsi %add3A_238, %select_n3A_389 : i32
        %ne3A_391 = arith.constant 0 : i32
        %ne3A_392 = arith.cmpi ne, %rem3A_390, %ne3A_391 : i32
        %lt3A_393 = arith.constant 0 : i32
        %lt3A_394 = arith.cmpi slt, %rem3A_390, %lt3A_393 : i32
        %lt3A_395 = arith.constant 0 : i32
        %lt3A_396 = arith.cmpi slt, %select_n3A_389, %lt3A_395 : i32
        %ne3A_397 = arith.xori %lt3A_394, %lt3A_396 : i1
        %and3A_398 = arith.andi %ne3A_397, %ne3A_392 : i1
        %add3A_399 = arith.addi %rem3A_390, %select_n3A_389 : i32
        %select_n3A_400 = arith.select %and3A_398, %add3A_399, %rem3A_390 : i32
        %jit3A_401 = arith.constant 32 : i32
        %div3A_402 = arith.divsi %add3A_256, %jit3A_401 : i32
        %sign3A_403 = arith.constant 0 : i32
        %sign3A_404 = arith.cmpi sgt, %add3A_256, %sign3A_403 : i32
        %sign3A_405 = arith.extui %sign3A_404 : i1 to i32
        %sign3A_406 = arith.constant 0 : i32
        %sign3A_407 = arith.cmpi slt, %add3A_256, %sign3A_406 : i32
        %sign3A_408 = arith.extui %sign3A_407 : i1 to i32
        %sign3A_409 = arith.subi %sign3A_405, %sign3A_408 : i32
        %sign3A_410 = arith.constant 0 : i32
        %sign3A_411 = arith.cmpi sgt, %jit3A_401, %sign3A_410 : i32
        %sign3A_412 = arith.extui %sign3A_411 : i1 to i32
        %sign3A_413 = arith.constant 0 : i32
        %sign3A_414 = arith.cmpi slt, %jit3A_401, %sign3A_413 : i32
        %sign3A_415 = arith.extui %sign3A_414 : i1 to i32
        %sign3A_416 = arith.subi %sign3A_412, %sign3A_415 : i32
        %ne3A_417 = arith.cmpi ne, %sign3A_409, %sign3A_416 : i32
        %rem3A_418 = arith.remsi %add3A_256, %jit3A_401 : i32
        %ne3A_419 = arith.constant 0 : i32
        %ne3A_420 = arith.cmpi ne, %rem3A_418, %ne3A_419 : i32
        %and3A_421 = arith.andi %ne3A_417, %ne3A_420 : i1
        %sub3A_422 = arith.constant 1 : i32
        %sub3A_423 = arith.subi %div3A_402, %sub3A_422 : i32
        %select_n3A_424 = arith.select %and3A_421, %sub3A_423, %div3A_402 : i32
        %jit3A_425 = arith.constant 32 : i32
        %eq3A_426 = arith.constant 0 : i32
        %eq3A_427 = arith.cmpi eq, %jit3A_425, %eq3A_426 : i32
        %jit3A_428 = arith.constant 1 : i32
        %select_n3A_429 = arith.select %eq3A_427, %jit3A_428, %jit3A_425 : i32
        %rem3A_430 = arith.remsi %add3A_256, %select_n3A_429 : i32
        %ne3A_431 = arith.constant 0 : i32
        %ne3A_432 = arith.cmpi ne, %rem3A_430, %ne3A_431 : i32
        %lt3A_433 = arith.constant 0 : i32
        %lt3A_434 = arith.cmpi slt, %rem3A_430, %lt3A_433 : i32
        %lt3A_435 = arith.constant 0 : i32
        %lt3A_436 = arith.cmpi slt, %select_n3A_429, %lt3A_435 : i32
        %ne3A_437 = arith.xori %lt3A_434, %lt3A_436 : i1
        %and3A_438 = arith.andi %ne3A_437, %ne3A_432 : i1
        %add3A_439 = arith.addi %rem3A_430, %select_n3A_429 : i32
        %select_n3A_440 = arith.select %and3A_438, %add3A_439, %rem3A_430 : i32
        %ne3A_441 = arith.cmpi ne, %select_n3A_384, %select_n3A_424 : i32
        %ne3A_442 = arith.cmpi ne, %select_n3A_400, %select_n3A_440 : i32
        %or3A_443 = arith.constant false
        %or3A_444 = arith.ori %or3A_443, %ne3A_441 : i1
        %or3A_445 = arith.constant false
        %or3A_446 = arith.ori %or3A_444, %or3A_445 : i1
        %or3A_447 = arith.ori %or3A_446, %ne3A_442 : i1
        %or3A_448 = arith.constant false
        %or3A_449 = arith.ori %or3A_447, %or3A_448 : i1
        %ge3A_450 = arith.constant 49 : i32
        %ge3A_451 = arith.cmpi sge, %scan3A_228, %ge3A_450 : i32
        %not3A_452 = arith.constant true
        %not3A_453 = arith.xori %ge3A_451, %not3A_452 : i1
        %and3A_454 = arith.andi %or3A_449, %not3A_453 : i1
        %jit3A_455 = arith.constant 32 : i32
        %div3A_456 = arith.divsi %add3A_238, %jit3A_455 : i32
        %sign3A_457 = arith.constant 0 : i32
        %sign3A_458 = arith.cmpi sgt, %add3A_238, %sign3A_457 : i32
        %sign3A_459 = arith.extui %sign3A_458 : i1 to i32
        %sign3A_460 = arith.constant 0 : i32
        %sign3A_461 = arith.cmpi slt, %add3A_238, %sign3A_460 : i32
        %sign3A_462 = arith.extui %sign3A_461 : i1 to i32
        %sign3A_463 = arith.subi %sign3A_459, %sign3A_462 : i32
        %sign3A_464 = arith.constant 0 : i32
        %sign3A_465 = arith.cmpi sgt, %jit3A_455, %sign3A_464 : i32
        %sign3A_466 = arith.extui %sign3A_465 : i1 to i32
        %sign3A_467 = arith.constant 0 : i32
        %sign3A_468 = arith.cmpi slt, %jit3A_455, %sign3A_467 : i32
        %sign3A_469 = arith.extui %sign3A_468 : i1 to i32
        %sign3A_470 = arith.subi %sign3A_466, %sign3A_469 : i32
        %ne3A_471 = arith.cmpi ne, %sign3A_463, %sign3A_470 : i32
        %rem3A_472 = arith.remsi %add3A_238, %jit3A_455 : i32
        %ne3A_473 = arith.constant 0 : i32
        %ne3A_474 = arith.cmpi ne, %rem3A_472, %ne3A_473 : i32
        %and3A_475 = arith.andi %ne3A_471, %ne3A_474 : i1
        %sub3A_476 = arith.constant 1 : i32
        %sub3A_477 = arith.subi %div3A_456, %sub3A_476 : i32
        %select_n3A_478 = arith.select %and3A_475, %sub3A_477, %div3A_456 : i32
        %jit3A_479 = arith.constant 32 : i32
        %eq3A_480 = arith.constant 0 : i32
        %eq3A_481 = arith.cmpi eq, %jit3A_479, %eq3A_480 : i32
        %jit3A_482 = arith.constant 1 : i32
        %select_n3A_483 = arith.select %eq3A_481, %jit3A_482, %jit3A_479 : i32
        %rem3A_484 = arith.remsi %add3A_238, %select_n3A_483 : i32
        %ne3A_485 = arith.constant 0 : i32
        %ne3A_486 = arith.cmpi ne, %rem3A_484, %ne3A_485 : i32
        %lt3A_487 = arith.constant 0 : i32
        %lt3A_488 = arith.cmpi slt, %rem3A_484, %lt3A_487 : i32
        %lt3A_489 = arith.constant 0 : i32
        %lt3A_490 = arith.cmpi slt, %select_n3A_483, %lt3A_489 : i32
        %ne3A_491 = arith.xori %lt3A_488, %lt3A_490 : i1
        %and3A_492 = arith.andi %ne3A_491, %ne3A_486 : i1
        %add3A_493 = arith.addi %rem3A_484, %select_n3A_483 : i32
        %select_n3A_494 = arith.select %and3A_492, %add3A_493, %rem3A_484 : i32
        %jit3A_495 = arith.constant 32 : i32
        %div3A_496 = arith.divsi %add3A_247, %jit3A_495 : i32
        %sign3A_497 = arith.constant 0 : i32
        %sign3A_498 = arith.cmpi sgt, %add3A_247, %sign3A_497 : i32
        %sign3A_499 = arith.extui %sign3A_498 : i1 to i32
        %sign3A_500 = arith.constant 0 : i32
        %sign3A_501 = arith.cmpi slt, %add3A_247, %sign3A_500 : i32
        %sign3A_502 = arith.extui %sign3A_501 : i1 to i32
        %sign3A_503 = arith.subi %sign3A_499, %sign3A_502 : i32
        %sign3A_504 = arith.constant 0 : i32
        %sign3A_505 = arith.cmpi sgt, %jit3A_495, %sign3A_504 : i32
        %sign3A_506 = arith.extui %sign3A_505 : i1 to i32
        %sign3A_507 = arith.constant 0 : i32
        %sign3A_508 = arith.cmpi slt, %jit3A_495, %sign3A_507 : i32
        %sign3A_509 = arith.extui %sign3A_508 : i1 to i32
        %sign3A_510 = arith.subi %sign3A_506, %sign3A_509 : i32
        %ne3A_511 = arith.cmpi ne, %sign3A_503, %sign3A_510 : i32
        %rem3A_512 = arith.remsi %add3A_247, %jit3A_495 : i32
        %ne3A_513 = arith.constant 0 : i32
        %ne3A_514 = arith.cmpi ne, %rem3A_512, %ne3A_513 : i32
        %and3A_515 = arith.andi %ne3A_511, %ne3A_514 : i1
        %sub3A_516 = arith.constant 1 : i32
        %sub3A_517 = arith.subi %div3A_496, %sub3A_516 : i32
        %select_n3A_518 = arith.select %and3A_515, %sub3A_517, %div3A_496 : i32
        %jit3A_519 = arith.constant 32 : i32
        %eq3A_520 = arith.constant 0 : i32
        %eq3A_521 = arith.cmpi eq, %jit3A_519, %eq3A_520 : i32
        %jit3A_522 = arith.constant 1 : i32
        %select_n3A_523 = arith.select %eq3A_521, %jit3A_522, %jit3A_519 : i32
        %rem3A_524 = arith.remsi %add3A_247, %select_n3A_523 : i32
        %ne3A_525 = arith.constant 0 : i32
        %ne3A_526 = arith.cmpi ne, %rem3A_524, %ne3A_525 : i32
        %lt3A_527 = arith.constant 0 : i32
        %lt3A_528 = arith.cmpi slt, %rem3A_524, %lt3A_527 : i32
        %lt3A_529 = arith.constant 0 : i32
        %lt3A_530 = arith.cmpi slt, %select_n3A_523, %lt3A_529 : i32
        %ne3A_531 = arith.xori %lt3A_528, %lt3A_530 : i1
        %and3A_532 = arith.andi %ne3A_531, %ne3A_526 : i1
        %add3A_533 = arith.addi %rem3A_524, %select_n3A_523 : i32
        %select_n3A_534 = arith.select %and3A_532, %add3A_533, %rem3A_524 : i32
        %ne3A_535 = arith.cmpi ne, %select_n3A_478, %select_n3A_518 : i32
        %ne3A_536 = arith.cmpi ne, %select_n3A_494, %select_n3A_534 : i32
        %or3A_537 = arith.constant false
        %or3A_538 = arith.ori %or3A_537, %ne3A_535 : i1
        %or3A_539 = arith.ori %or3A_538, %ne3A_536 : i1
        %or3A_540 = arith.ori %or3A_539, %eq3A_235 : i1
        %convert_element_type3A_541 = arith.extui %or3A_540 : i1 to i32
        %cond3A_542 = arith.constant 0 : i32
        %cond3A_543 = arith.cmpi ne, %convert_element_type3A_541, %cond3A_542 : i32
        scf.if %cond3A_543 {
          %jit3A_1124 = arith.constant 32 : i32
          "tpu.trace_start"() <{level = 10 : i32, message = "ep_wait_in"}> : () -> ()
          %div3A_1125 = arith.divsi %add3A_238, %jit3A_1124 : i32
          %sign3A_1126 = arith.constant 0 : i32
          %sign3A_1127 = arith.cmpi sgt, %add3A_238, %sign3A_1126 : i32
          %sign3A_1128 = arith.extui %sign3A_1127 : i1 to i32
          %sign3A_1129 = arith.constant 0 : i32
          %sign3A_1130 = arith.cmpi slt, %add3A_238, %sign3A_1129 : i32
          %sign3A_1131 = arith.extui %sign3A_1130 : i1 to i32
          %sign3A_1132 = arith.subi %sign3A_1128, %sign3A_1131 : i32
          %sign3A_1133 = arith.constant 0 : i32
          %sign3A_1134 = arith.cmpi sgt, %jit3A_1124, %sign3A_1133 : i32
          %sign3A_1135 = arith.extui %sign3A_1134 : i1 to i32
          %sign3A_1136 = arith.constant 0 : i32
          %sign3A_1137 = arith.cmpi slt, %jit3A_1124, %sign3A_1136 : i32
          %sign3A_1138 = arith.extui %sign3A_1137 : i1 to i32
          %sign3A_1139 = arith.subi %sign3A_1135, %sign3A_1138 : i32
          %ne3A_1140 = arith.cmpi ne, %sign3A_1132, %sign3A_1139 : i32
          %rem3A_1141 = arith.remsi %add3A_238, %jit3A_1124 : i32
          %ne3A_1142 = arith.constant 0 : i32
          %ne3A_1143 = arith.cmpi ne, %rem3A_1141, %ne3A_1142 : i32
          %and3A_1144 = arith.andi %ne3A_1140, %ne3A_1143 : i1
          %sub3A_1145 = arith.constant 1 : i32
          %sub3A_1146 = arith.subi %div3A_1125, %sub3A_1145 : i32
          %select_n3A_1147 = arith.select %and3A_1144, %sub3A_1146, %div3A_1125 : i32
          %jit3A_1148 = arith.constant 32 : i32
          %eq3A_1149 = arith.constant 0 : i32
          %eq3A_1150 = arith.cmpi eq, %jit3A_1148, %eq3A_1149 : i32
          %jit3A_1151 = arith.constant 1 : i32
          %select_n3A_1152 = arith.select %eq3A_1150, %jit3A_1151, %jit3A_1148 : i32
          %rem3A_1153 = arith.remsi %add3A_238, %select_n3A_1152 : i32
          %ne3A_1154 = arith.constant 0 : i32
          %ne3A_1155 = arith.cmpi ne, %rem3A_1153, %ne3A_1154 : i32
          %lt3A_1156 = arith.constant 0 : i32
          %lt3A_1157 = arith.cmpi slt, %rem3A_1153, %lt3A_1156 : i32
          %lt3A_1158 = arith.constant 0 : i32
          %lt3A_1159 = arith.cmpi slt, %select_n3A_1152, %lt3A_1158 : i32
          %ne3A_1160 = arith.xori %lt3A_1157, %lt3A_1159 : i1
          %and3A_1161 = arith.andi %ne3A_1160, %ne3A_1155 : i1
          %add3A_1162 = arith.addi %rem3A_1153, %select_n3A_1152 : i32
          %select_n3A_1163 = arith.select %and3A_1161, %add3A_1162, %rem3A_1153 : i32
          %mul3A_1164 = arith.constant 1 : i32
          %mul3A_1165 = arith.muli %mul3A_1164, %select_n3A_1147 : i32
          %mul3A_1166 = arith.constant 128 : i32
          %mul3A_1167 = arith.muli %mul3A_1166, %select_n3A_1163 : i32
          %rem3A_1168 = arith.constant 2 : i32
          %rem3A_1169 = arith.remui %scan3A_230, %rem3A_1168 : i32
          %dma_wait3A_1170 = arith.constant 0 : i32
          %dma_wait3A_1171 = arith.constant 0 : i32
          %dma_wait3A_1172 = arith.constant 0 : i32
          %dma_wait3A_1173 = tpu.memref_slice %run_scoped3A[%rem3A_1169, %dma_wait3A_1170, %dma_wait3A_1171, %dma_wait3A_1172] : memref<2x1x1x128xi32, #tpu.memory_space<vmem>> -> memref<1x1x1x128xi32, #tpu.memory_space<vmem>>
          %dma_wait3A_1174 = tpu.memref_squeeze %dma_wait3A_1173 : memref<1x1x1x128xi32, #tpu.memory_space<vmem>> -> memref<1x1x128xi32, #tpu.memory_space<vmem>>
          %dma_wait3A_1175 = arith.constant 2 : i32
          %dma_wait3A_1176 = tpu.memref_slice %arg5[%dma_wait3A_1175, %mul3A_1165, %mul3A_1167] : memref<3x50x4096xi32, #tpu.memory_space<hbm>> -> memref<1x1x128xi32, #tpu.memory_space<hbm>>
          %dma_wait3A_1177 = tpu.memref_slice %run_scoped3A_27[%rem3A_1169] : memref<2x!tpu.dma_semaphore, #tpu.memory_space<semaphore_mem>> -> memref<1x!tpu.dma_semaphore, #tpu.memory_space<semaphore_mem>>
          %dma_wait3A_1178 = tpu.memref_squeeze %dma_wait3A_1177 : memref<1x!tpu.dma_semaphore, #tpu.memory_space<semaphore_mem>> -> memref<!tpu.dma_semaphore, #tpu.memory_space<semaphore_mem>>
          %dma_wait3A_1179 = arith.constant 0 : i32
          %dma_wait3A_1180 = arith.constant 0 : i32
          %dma_wait3A_1181 = arith.constant 0 : i32
          %dma_wait3A_1182 = tpu.memref_slice %run_scoped3A[%rem3A_1169, %dma_wait3A_1179, %dma_wait3A_1180, %dma_wait3A_1181] : memref<2x1x1x128xi32, #tpu.memory_space<vmem>> -> memref<1x1x1x128xi32, #tpu.memory_space<vmem>>
          %dma_wait3A_1183 = tpu.memref_squeeze %dma_wait3A_1182 : memref<1x1x1x128xi32, #tpu.memory_space<vmem>> -> memref<1x1x128xi32, #tpu.memory_space<vmem>>
          %dma_wait3A_1184 = arith.constant 2 : i32
          %dma_wait3A_1185 = tpu.memref_slice %arg5[%dma_wait3A_1184, %mul3A_1165, %mul3A_1167] : memref<3x50x4096xi32, #tpu.memory_space<hbm>> -> memref<1x1x128xi32, #tpu.memory_space<hbm>>
          tpu.wait_dma2 semaphore(%dma_wait3A_1178 : memref<!tpu.dma_semaphore, #tpu.memory_space<semaphore_mem>>) src(%dma_wait3A_1185 : memref<1x1x128xi32, #tpu.memory_space<hbm>>) dst(%dma_wait3A_1183 : memref<1x1x128xi32, #tpu.memory_space<vmem>>)
          "tpu.trace_stop"() : () -> ()
        } else {
        }
        %jit3A_544 = arith.constant 32 : i32
        %div3A_545 = arith.divsi %add3A_238, %jit3A_544 : i32
        %sign3A_546 = arith.constant 0 : i32
        %sign3A_547 = arith.cmpi sgt, %add3A_238, %sign3A_546 : i32
        %sign3A_548 = arith.extui %sign3A_547 : i1 to i32
        %sign3A_549 = arith.constant 0 : i32
        %sign3A_550 = arith.cmpi slt, %add3A_238, %sign3A_549 : i32
        %sign3A_551 = arith.extui %sign3A_550 : i1 to i32
        %sign3A_552 = arith.subi %sign3A_548, %sign3A_551 : i32
        %sign3A_553 = arith.constant 0 : i32
        %sign3A_554 = arith.cmpi sgt, %jit3A_544, %sign3A_553 : i32
        %sign3A_555 = arith.extui %sign3A_554 : i1 to i32
        %sign3A_556 = arith.constant 0 : i32
        %sign3A_557 = arith.cmpi slt, %jit3A_544, %sign3A_556 : i32
        %sign3A_558 = arith.extui %sign3A_557 : i1 to i32
        %sign3A_559 = arith.subi %sign3A_555, %sign3A_558 : i32
        %ne3A_560 = arith.cmpi ne, %sign3A_552, %sign3A_559 : i32
        %rem3A_561 = arith.remsi %add3A_238, %jit3A_544 : i32
        %ne3A_562 = arith.constant 0 : i32
        %ne3A_563 = arith.cmpi ne, %rem3A_561, %ne3A_562 : i32
        %and3A_564 = arith.andi %ne3A_560, %ne3A_563 : i1
        %sub3A_565 = arith.constant 1 : i32
        %sub3A_566 = arith.subi %div3A_545, %sub3A_565 : i32
        %select_n3A_567 = arith.select %and3A_564, %sub3A_566, %div3A_545 : i32
        %jit3A_568 = arith.constant 32 : i32
        %eq3A_569 = arith.constant 0 : i32
        %eq3A_570 = arith.cmpi eq, %jit3A_568, %eq3A_569 : i32
        %jit3A_571 = arith.constant 1 : i32
        %select_n3A_572 = arith.select %eq3A_570, %jit3A_571, %jit3A_568 : i32
        %rem3A_573 = arith.remsi %add3A_238, %select_n3A_572 : i32
        %ne3A_574 = arith.constant 0 : i32
        %ne3A_575 = arith.cmpi ne, %rem3A_573, %ne3A_574 : i32
        %lt3A_576 = arith.constant 0 : i32
        %lt3A_577 = arith.cmpi slt, %rem3A_573, %lt3A_576 : i32
        %lt3A_578 = arith.constant 0 : i32
        %lt3A_579 = arith.cmpi slt, %select_n3A_572, %lt3A_578 : i32
        %ne3A_580 = arith.xori %lt3A_577, %lt3A_579 : i1
        %and3A_581 = arith.andi %ne3A_580, %ne3A_575 : i1
        %add3A_582 = arith.addi %rem3A_573, %select_n3A_572 : i32
        %select_n3A_583 = arith.select %and3A_581, %add3A_582, %rem3A_573 : i32
        %jit3A_584 = arith.constant 32 : i32
        %div3A_585 = arith.divsi %add3A_247, %jit3A_584 : i32
        %sign3A_586 = arith.constant 0 : i32
        %sign3A_587 = arith.cmpi sgt, %add3A_247, %sign3A_586 : i32
        %sign3A_588 = arith.extui %sign3A_587 : i1 to i32
        %sign3A_589 = arith.constant 0 : i32
        %sign3A_590 = arith.cmpi slt, %add3A_247, %sign3A_589 : i32
        %sign3A_591 = arith.extui %sign3A_590 : i1 to i32
        %sign3A_592 = arith.subi %sign3A_588, %sign3A_591 : i32
        %sign3A_593 = arith.constant 0 : i32
        %sign3A_594 = arith.cmpi sgt, %jit3A_584, %sign3A_593 : i32
        %sign3A_595 = arith.extui %sign3A_594 : i1 to i32
        %sign3A_596 = arith.constant 0 : i32
        %sign3A_597 = arith.cmpi slt, %jit3A_584, %sign3A_596 : i32
        %sign3A_598 = arith.extui %sign3A_597 : i1 to i32
        %sign3A_599 = arith.subi %sign3A_595, %sign3A_598 : i32
        %ne3A_600 = arith.cmpi ne, %sign3A_592, %sign3A_599 : i32
        %rem3A_601 = arith.remsi %add3A_247, %jit3A_584 : i32
        %ne3A_602 = arith.constant 0 : i32
        %ne3A_603 = arith.cmpi ne, %rem3A_601, %ne3A_602 : i32
        %and3A_604 = arith.andi %ne3A_600, %ne3A_603 : i1
        %sub3A_605 = arith.constant 1 : i32
        %sub3A_606 = arith.subi %div3A_585, %sub3A_605 : i32
        %select_n3A_607 = arith.select %and3A_604, %sub3A_606, %div3A_585 : i32
        %jit3A_608 = arith.constant 32 : i32
        %eq3A_609 = arith.constant 0 : i32
        %eq3A_610 = arith.cmpi eq, %jit3A_608, %eq3A_609 : i32
        %jit3A_611 = arith.constant 1 : i32
        %select_n3A_612 = arith.select %eq3A_610, %jit3A_611, %jit3A_608 : i32
        %rem3A_613 = arith.remsi %add3A_247, %select_n3A_612 : i32
        %ne3A_614 = arith.constant 0 : i32
        %ne3A_615 = arith.cmpi ne, %rem3A_613, %ne3A_614 : i32
        %lt3A_616 = arith.constant 0 : i32
        %lt3A_617 = arith.cmpi slt, %rem3A_613, %lt3A_616 : i32
        %lt3A_618 = arith.constant 0 : i32
        %lt3A_619 = arith.cmpi slt, %select_n3A_612, %lt3A_618 : i32
        %ne3A_620 = arith.xori %lt3A_617, %lt3A_619 : i1
        %and3A_621 = arith.andi %ne3A_620, %ne3A_615 : i1
        %add3A_622 = arith.addi %rem3A_613, %select_n3A_612 : i32
        %select_n3A_623 = arith.select %and3A_621, %add3A_622, %rem3A_613 : i32
        %ne3A_624 = arith.cmpi ne, %select_n3A_567, %select_n3A_607 : i32
        %ne3A_625 = arith.cmpi ne, %select_n3A_583, %select_n3A_623 : i32
        %or3A_626 = arith.constant false
        %or3A_627 = arith.ori %or3A_626, %ne3A_624 : i1
        %or3A_628 = arith.constant false
        %or3A_629 = arith.ori %or3A_627, %or3A_628 : i1
        %or3A_630 = arith.ori %or3A_629, %ne3A_625 : i1
        %or3A_631 = arith.constant false
        %or3A_632 = arith.ori %or3A_630, %or3A_631 : i1
        %or3A_633 = arith.ori %or3A_632, %eq3A_235 : i1
        %convert_element_type3A_634 = arith.extui %or3A_633 : i1 to i32
        %cond3A_635 = arith.constant 0 : i32
        %cond3A_636 = arith.cmpi ne, %convert_element_type3A_634, %cond3A_635 : i32
        scf.if %cond3A_636 {
        } else {
        }
        %rem3A_637 = arith.constant 2 : i32
        %rem3A_638 = arith.remui %scan3A_230, %rem3A_637 : i32
        %rem3A_639 = arith.constant 2 : i32
        %rem3A_640 = arith.remui %scan3A_231, %rem3A_639 : i32
        %run_scoped3A_641 = arith.constant 0 : i32
        %run_scoped3A_642 = arith.constant 0 : i32
        %run_scoped3A_643 = arith.constant 0 : i32
        %run_scoped3A_644 = arith.constant 0 : i32
        "tpu.trace_start"() <{level = 10 : i32, message = "ep_run_kernel"}> : () -> ()
        "tpu.region"() ({
          %run_scoped3A_1124 = tpu.sem_alloc : memref<!tpu.dma_semaphore, #tpu.memory_space<semaphore_mem>>
          %dma_start3A_1125 = arith.constant 0 : i32
          %dma_start3A_1126 = arith.constant 0 : i32
          %dma_start3A_1127 = arith.constant 0 : i32
          %dma_start3A_1128 = arith.constant 0 : i32
          %dma_start3A_1129 = tpu.memref_slice %run_scoped3A_28[%rem3A_640, %dma_start3A_1125, %dma_start3A_1126, %dma_start3A_1127, %dma_start3A_1128] : memref<2x1x1x128x128xf32, #tpu.memory_space<vmem>> -> memref<1x1x1x128x128xf32, #tpu.memory_space<vmem>>
          %dma_start3A_1130 = tpu.memref_squeeze %dma_start3A_1129 : memref<1x1x1x128x128xf32, #tpu.memory_space<vmem>> -> memref<1x1x128x128xf32, #tpu.memory_space<vmem>>
          %dma_start3A_1131 = arith.constant 0 : i32
          %dma_start3A_1132 = arith.constant 0 : i32
          %dma_start3A_1133 = tpu.memref_slice %dma_start3A_1130[%run_scoped3A_643, %run_scoped3A_644, %dma_start3A_1131, %dma_start3A_1132] : memref<1x1x128x128xf32, #tpu.memory_space<vmem>> -> memref<1x1x128x128xf32, #tpu.memory_space<vmem>>
          %dma_start3A_1134 = tpu.memref_squeeze %dma_start3A_1133 : memref<1x1x128x128xf32, #tpu.memory_space<vmem>> -> memref<128x128xf32, #tpu.memory_space<vmem>>
          %dma_start3A_1135 = arith.constant 0 : i32
          %dma_start3A_1136 = arith.constant 0 : i32
          %dma_start3A_1137 = arith.constant 0 : i32
          %dma_start3A_1138 = tpu.memref_slice %run_scoped3A[%rem3A_638, %dma_start3A_1135, %dma_start3A_1136, %dma_start3A_1137] : memref<2x1x1x128xi32, #tpu.memory_space<vmem>> -> memref<1x1x1x128xi32, #tpu.memory_space<vmem>>
          %dma_start3A_1139 = tpu.memref_squeeze %dma_start3A_1138 : memref<1x1x1x128xi32, #tpu.memory_space<vmem>> -> memref<1x1x128xi32, #tpu.memory_space<vmem>>
          %dma_start3A_1140 = arith.constant 0 : i32
          %dma_start3A_1141 = tpu.memref_slice %dma_start3A_1139[%run_scoped3A_641, %run_scoped3A_642, %dma_start3A_1140] : memref<1x1x128xi32, #tpu.memory_space<vmem>> -> memref<1x1x128xi32, #tpu.memory_space<vmem>>
          %dma_start3A_1142 = tpu.memref_squeeze %dma_start3A_1141 : memref<1x1x128xi32, #tpu.memory_space<vmem>> -> memref<128xi32, #tpu.memory_space<vmem>>
          %dma_start3A_1143 = arith.constant 0 : i32
          %dma_start3A_1144 = arith.constant 0 : i32
          %dma_start3A_1145 = tpu.memref_slice %arg9[%dma_start3A_1143, %dma_start3A_1144] : memref<1001x128xf32, #tpu.memory_space<vmem_shared>> -> memref<1001x128xf32, #tpu.memory_space<vmem_shared>>
          tpu.enqueue_indirect_dma source(%dma_start3A_1145 : memref<1001x128xf32, #tpu.memory_space<vmem_shared>>) target(%dma_start3A_1134 : memref<128x128xf32, #tpu.memory_space<vmem>>) offsets(%dma_start3A_1142 : memref<128xi32, #tpu.memory_space<vmem>>) semaphore(%run_scoped3A_1124 : memref<!tpu.dma_semaphore, #tpu.memory_space<semaphore_mem>>)
          %dma_wait3A_1146 = arith.constant 0 : i32
          %dma_wait3A_1147 = arith.constant 0 : i32
          %dma_wait3A_1148 = arith.constant 0 : i32
          %dma_wait3A_1149 = arith.constant 0 : i32
          %dma_wait3A_1150 = tpu.memref_slice %run_scoped3A_28[%rem3A_640, %dma_wait3A_1146, %dma_wait3A_1147, %dma_wait3A_1148, %dma_wait3A_1149] : memref<2x1x1x128x128xf32, #tpu.memory_space<vmem>> -> memref<1x1x1x128x128xf32, #tpu.memory_space<vmem>>
          %dma_wait3A_1151 = tpu.memref_squeeze %dma_wait3A_1150 : memref<1x1x1x128x128xf32, #tpu.memory_space<vmem>> -> memref<1x1x128x128xf32, #tpu.memory_space<vmem>>
          %dma_wait3A_1152 = arith.constant 0 : i32
          %dma_wait3A_1153 = arith.constant 0 : i32
          %dma_wait3A_1154 = tpu.memref_slice %dma_wait3A_1151[%run_scoped3A_643, %run_scoped3A_644, %dma_wait3A_1152, %dma_wait3A_1153] : memref<1x1x128x128xf32, #tpu.memory_space<vmem>> -> memref<1x1x128x128xf32, #tpu.memory_space<vmem>>
          %dma_wait3A_1155 = tpu.memref_squeeze %dma_wait3A_1154 : memref<1x1x128x128xf32, #tpu.memory_space<vmem>> -> memref<128x128xf32, #tpu.memory_space<vmem>>
          %dma_wait3A_1156 = arith.constant 0 : i32
          %dma_wait3A_1157 = arith.constant 0 : i32
          %dma_wait3A_1158 = arith.constant 0 : i32
          %dma_wait3A_1159 = tpu.memref_slice %run_scoped3A[%rem3A_638, %dma_wait3A_1156, %dma_wait3A_1157, %dma_wait3A_1158] : memref<2x1x1x128xi32, #tpu.memory_space<vmem>> -> memref<1x1x1x128xi32, #tpu.memory_space<vmem>>
          %dma_wait3A_1160 = tpu.memref_squeeze %dma_wait3A_1159 : memref<1x1x1x128xi32, #tpu.memory_space<vmem>> -> memref<1x1x128xi32, #tpu.memory_space<vmem>>
          %dma_wait3A_1161 = arith.constant 0 : i32
          %dma_wait3A_1162 = tpu.memref_slice %dma_wait3A_1160[%run_scoped3A_641, %run_scoped3A_642, %dma_wait3A_1161] : memref<1x1x128xi32, #tpu.memory_space<vmem>> -> memref<1x1x128xi32, #tpu.memory_space<vmem>>
          %dma_wait3A_1163 = tpu.memref_squeeze %dma_wait3A_1162 : memref<1x1x128xi32, #tpu.memory_space<vmem>> -> memref<128xi32, #tpu.memory_space<vmem>>
          %dma_wait3A_1164 = arith.constant 0 : i32
          %dma_wait3A_1165 = arith.constant 0 : i32
          %dma_wait3A_1166 = tpu.memref_slice %arg9[%dma_wait3A_1164, %dma_wait3A_1165] : memref<1001x128xf32, #tpu.memory_space<vmem_shared>> -> memref<1001x128xf32, #tpu.memory_space<vmem_shared>>
          tpu.wait_indirect_dma semaphore(%run_scoped3A_1124 : memref<!tpu.dma_semaphore, #tpu.memory_space<semaphore_mem>>) src(%dma_wait3A_1166 : memref<1001x128xf32, #tpu.memory_space<vmem_shared>>) dst(%dma_wait3A_1155 : memref<128x128xf32, #tpu.memory_space<vmem>>)
          tpu.yield
        }) : () -> ()
        %jit3A_645 = arith.constant 32 : i32
        "tpu.trace_stop"() : () -> ()
        %div3A_646 = arith.divsi %add3A_238, %jit3A_645 : i32
        %sign3A_647 = arith.constant 0 : i32
        %sign3A_648 = arith.cmpi sgt, %add3A_238, %sign3A_647 : i32
        %sign3A_649 = arith.extui %sign3A_648 : i1 to i32
        %sign3A_650 = arith.constant 0 : i32
        %sign3A_651 = arith.cmpi slt, %add3A_238, %sign3A_650 : i32
        %sign3A_652 = arith.extui %sign3A_651 : i1 to i32
        %sign3A_653 = arith.subi %sign3A_649, %sign3A_652 : i32
        %sign3A_654 = arith.constant 0 : i32
        %sign3A_655 = arith.cmpi sgt, %jit3A_645, %sign3A_654 : i32
        %sign3A_656 = arith.extui %sign3A_655 : i1 to i32
        %sign3A_657 = arith.constant 0 : i32
        %sign3A_658 = arith.cmpi slt, %jit3A_645, %sign3A_657 : i32
        %sign3A_659 = arith.extui %sign3A_658 : i1 to i32
        %sign3A_660 = arith.subi %sign3A_656, %sign3A_659 : i32
        %ne3A_661 = arith.cmpi ne, %sign3A_653, %sign3A_660 : i32
        %rem3A_662 = arith.remsi %add3A_238, %jit3A_645 : i32
        %ne3A_663 = arith.constant 0 : i32
        %ne3A_664 = arith.cmpi ne, %rem3A_662, %ne3A_663 : i32
        %and3A_665 = arith.andi %ne3A_661, %ne3A_664 : i1
        %sub3A_666 = arith.constant 1 : i32
        %sub3A_667 = arith.subi %div3A_646, %sub3A_666 : i32
        %select_n3A_668 = arith.select %and3A_665, %sub3A_667, %div3A_646 : i32
        %jit3A_669 = arith.constant 32 : i32
        %eq3A_670 = arith.constant 0 : i32
        %eq3A_671 = arith.cmpi eq, %jit3A_669, %eq3A_670 : i32
        %jit3A_672 = arith.constant 1 : i32
        %select_n3A_673 = arith.select %eq3A_671, %jit3A_672, %jit3A_669 : i32
        %rem3A_674 = arith.remsi %add3A_238, %select_n3A_673 : i32
        %ne3A_675 = arith.constant 0 : i32
        %ne3A_676 = arith.cmpi ne, %rem3A_674, %ne3A_675 : i32
        %lt3A_677 = arith.constant 0 : i32
        %lt3A_678 = arith.cmpi slt, %rem3A_674, %lt3A_677 : i32
        %lt3A_679 = arith.constant 0 : i32
        %lt3A_680 = arith.cmpi slt, %select_n3A_673, %lt3A_679 : i32
        %ne3A_681 = arith.xori %lt3A_678, %lt3A_680 : i1
        %and3A_682 = arith.andi %ne3A_681, %ne3A_676 : i1
        %add3A_683 = arith.addi %rem3A_674, %select_n3A_673 : i32
        %select_n3A_684 = arith.select %and3A_682, %add3A_683, %rem3A_674 : i32
        %jit3A_685 = arith.constant 32 : i32
        %div3A_686 = arith.divsi %add3A_256, %jit3A_685 : i32
        %sign3A_687 = arith.constant 0 : i32
        %sign3A_688 = arith.cmpi sgt, %add3A_256, %sign3A_687 : i32
        %sign3A_689 = arith.extui %sign3A_688 : i1 to i32
        %sign3A_690 = arith.constant 0 : i32
        %sign3A_691 = arith.cmpi slt, %add3A_256, %sign3A_690 : i32
        %sign3A_692 = arith.extui %sign3A_691 : i1 to i32
        %sign3A_693 = arith.subi %sign3A_689, %sign3A_692 : i32
        %sign3A_694 = arith.constant 0 : i32
        %sign3A_695 = arith.cmpi sgt, %jit3A_685, %sign3A_694 : i32
        %sign3A_696 = arith.extui %sign3A_695 : i1 to i32
        %sign3A_697 = arith.constant 0 : i32
        %sign3A_698 = arith.cmpi slt, %jit3A_685, %sign3A_697 : i32
        %sign3A_699 = arith.extui %sign3A_698 : i1 to i32
        %sign3A_700 = arith.subi %sign3A_696, %sign3A_699 : i32
        %ne3A_701 = arith.cmpi ne, %sign3A_693, %sign3A_700 : i32
        %rem3A_702 = arith.remsi %add3A_256, %jit3A_685 : i32
        %ne3A_703 = arith.constant 0 : i32
        %ne3A_704 = arith.cmpi ne, %rem3A_702, %ne3A_703 : i32
        %and3A_705 = arith.andi %ne3A_701, %ne3A_704 : i1
        %sub3A_706 = arith.constant 1 : i32
        %sub3A_707 = arith.subi %div3A_686, %sub3A_706 : i32
        %select_n3A_708 = arith.select %and3A_705, %sub3A_707, %div3A_686 : i32
        %jit3A_709 = arith.constant 32 : i32
        %eq3A_710 = arith.constant 0 : i32
        %eq3A_711 = arith.cmpi eq, %jit3A_709, %eq3A_710 : i32
        %jit3A_712 = arith.constant 1 : i32
        %select_n3A_713 = arith.select %eq3A_711, %jit3A_712, %jit3A_709 : i32
        %rem3A_714 = arith.remsi %add3A_256, %select_n3A_713 : i32
        %ne3A_715 = arith.constant 0 : i32
        %ne3A_716 = arith.cmpi ne, %rem3A_714, %ne3A_715 : i32
        %lt3A_717 = arith.constant 0 : i32
        %lt3A_718 = arith.cmpi slt, %rem3A_714, %lt3A_717 : i32
        %lt3A_719 = arith.constant 0 : i32
        %lt3A_720 = arith.cmpi slt, %select_n3A_713, %lt3A_719 : i32
        %ne3A_721 = arith.xori %lt3A_718, %lt3A_720 : i1
        %and3A_722 = arith.andi %ne3A_721, %ne3A_716 : i1
        %add3A_723 = arith.addi %rem3A_714, %select_n3A_713 : i32
        %select_n3A_724 = arith.select %and3A_722, %add3A_723, %rem3A_714 : i32
        %ne3A_725 = arith.cmpi ne, %select_n3A_668, %select_n3A_708 : i32
        %ne3A_726 = arith.cmpi ne, %select_n3A_684, %select_n3A_724 : i32
        %or3A_727 = arith.constant false
        %or3A_728 = arith.ori %or3A_727, %ne3A_725 : i1
        %or3A_729 = arith.ori %or3A_728, %ne3A_726 : i1
        %or3A_730 = arith.ori %or3A_729, %eq3A_237 : i1
        %convert_element_type3A_731 = arith.extui %or3A_730 : i1 to i32
        %cond3A_732 = arith.constant 0 : i32
        %cond3A_733 = arith.cmpi ne, %convert_element_type3A_731, %cond3A_732 : i32
        scf.if %cond3A_733 {
        } else {
        }
        %and3A_734 = arith.constant false
        %and3A_735 = arith.andi %or3A_730, %and3A_734 : i1
        %jit3A_736 = arith.constant 32 : i32
        %div3A_737 = arith.divsi %add3A_238, %jit3A_736 : i32
        %sign3A_738 = arith.constant 0 : i32
        %sign3A_739 = arith.cmpi sgt, %add3A_238, %sign3A_738 : i32
        %sign3A_740 = arith.extui %sign3A_739 : i1 to i32
        %sign3A_741 = arith.constant 0 : i32
        %sign3A_742 = arith.cmpi slt, %add3A_238, %sign3A_741 : i32
        %sign3A_743 = arith.extui %sign3A_742 : i1 to i32
        %sign3A_744 = arith.subi %sign3A_740, %sign3A_743 : i32
        %sign3A_745 = arith.constant 0 : i32
        %sign3A_746 = arith.cmpi sgt, %jit3A_736, %sign3A_745 : i32
        %sign3A_747 = arith.extui %sign3A_746 : i1 to i32
        %sign3A_748 = arith.constant 0 : i32
        %sign3A_749 = arith.cmpi slt, %jit3A_736, %sign3A_748 : i32
        %sign3A_750 = arith.extui %sign3A_749 : i1 to i32
        %sign3A_751 = arith.subi %sign3A_747, %sign3A_750 : i32
        %ne3A_752 = arith.cmpi ne, %sign3A_744, %sign3A_751 : i32
        %rem3A_753 = arith.remsi %add3A_238, %jit3A_736 : i32
        %ne3A_754 = arith.constant 0 : i32
        %ne3A_755 = arith.cmpi ne, %rem3A_753, %ne3A_754 : i32
        %and3A_756 = arith.andi %ne3A_752, %ne3A_755 : i1
        %sub3A_757 = arith.constant 1 : i32
        %sub3A_758 = arith.subi %div3A_737, %sub3A_757 : i32
        %select_n3A_759 = arith.select %and3A_756, %sub3A_758, %div3A_737 : i32
        %jit3A_760 = arith.constant 32 : i32
        %eq3A_761 = arith.constant 0 : i32
        %eq3A_762 = arith.cmpi eq, %jit3A_760, %eq3A_761 : i32
        %jit3A_763 = arith.constant 1 : i32
        %select_n3A_764 = arith.select %eq3A_762, %jit3A_763, %jit3A_760 : i32
        %rem3A_765 = arith.remsi %add3A_238, %select_n3A_764 : i32
        %ne3A_766 = arith.constant 0 : i32
        %ne3A_767 = arith.cmpi ne, %rem3A_765, %ne3A_766 : i32
        %lt3A_768 = arith.constant 0 : i32
        %lt3A_769 = arith.cmpi slt, %rem3A_765, %lt3A_768 : i32
        %lt3A_770 = arith.constant 0 : i32
        %lt3A_771 = arith.cmpi slt, %select_n3A_764, %lt3A_770 : i32
        %ne3A_772 = arith.xori %lt3A_769, %lt3A_771 : i1
        %and3A_773 = arith.andi %ne3A_772, %ne3A_767 : i1
        %add3A_774 = arith.addi %rem3A_765, %select_n3A_764 : i32
        %select_n3A_775 = arith.select %and3A_773, %add3A_774, %rem3A_765 : i32
        %jit3A_776 = arith.constant 32 : i32
        %div3A_777 = arith.divsi %add3A_256, %jit3A_776 : i32
        %sign3A_778 = arith.constant 0 : i32
        %sign3A_779 = arith.cmpi sgt, %add3A_256, %sign3A_778 : i32
        %sign3A_780 = arith.extui %sign3A_779 : i1 to i32
        %sign3A_781 = arith.constant 0 : i32
        %sign3A_782 = arith.cmpi slt, %add3A_256, %sign3A_781 : i32
        %sign3A_783 = arith.extui %sign3A_782 : i1 to i32
        %sign3A_784 = arith.subi %sign3A_780, %sign3A_783 : i32
        %sign3A_785 = arith.constant 0 : i32
        %sign3A_786 = arith.cmpi sgt, %jit3A_776, %sign3A_785 : i32
        %sign3A_787 = arith.extui %sign3A_786 : i1 to i32
        %sign3A_788 = arith.constant 0 : i32
        %sign3A_789 = arith.cmpi slt, %jit3A_776, %sign3A_788 : i32
        %sign3A_790 = arith.extui %sign3A_789 : i1 to i32
        %sign3A_791 = arith.subi %sign3A_787, %sign3A_790 : i32
        %ne3A_792 = arith.cmpi ne, %sign3A_784, %sign3A_791 : i32
        %rem3A_793 = arith.remsi %add3A_256, %jit3A_776 : i32
        %ne3A_794 = arith.constant 0 : i32
        %ne3A_795 = arith.cmpi ne, %rem3A_793, %ne3A_794 : i32
        %and3A_796 = arith.andi %ne3A_792, %ne3A_795 : i1
        %sub3A_797 = arith.constant 1 : i32
        %sub3A_798 = arith.subi %div3A_777, %sub3A_797 : i32
        %select_n3A_799 = arith.select %and3A_796, %sub3A_798, %div3A_777 : i32
        %jit3A_800 = arith.constant 32 : i32
        %eq3A_801 = arith.constant 0 : i32
        %eq3A_802 = arith.cmpi eq, %jit3A_800, %eq3A_801 : i32
        %jit3A_803 = arith.constant 1 : i32
        %select_n3A_804 = arith.select %eq3A_802, %jit3A_803, %jit3A_800 : i32
        %rem3A_805 = arith.remsi %add3A_256, %select_n3A_804 : i32
        %ne3A_806 = arith.constant 0 : i32
        %ne3A_807 = arith.cmpi ne, %rem3A_805, %ne3A_806 : i32
        %lt3A_808 = arith.constant 0 : i32
        %lt3A_809 = arith.cmpi slt, %rem3A_805, %lt3A_808 : i32
        %lt3A_810 = arith.constant 0 : i32
        %lt3A_811 = arith.cmpi slt, %select_n3A_804, %lt3A_810 : i32
        %ne3A_812 = arith.xori %lt3A_809, %lt3A_811 : i1
        %and3A_813 = arith.andi %ne3A_812, %ne3A_807 : i1
        %add3A_814 = arith.addi %rem3A_805, %select_n3A_804 : i32
        %select_n3A_815 = arith.select %and3A_813, %add3A_814, %rem3A_805 : i32
        %ne3A_816 = arith.cmpi ne, %select_n3A_759, %select_n3A_799 : i32
        %ne3A_817 = arith.cmpi ne, %select_n3A_775, %select_n3A_815 : i32
        %or3A_818 = arith.constant false
        %or3A_819 = arith.ori %or3A_818, %ne3A_816 : i1
        %or3A_820 = arith.constant false
        %or3A_821 = arith.ori %or3A_819, %or3A_820 : i1
        %or3A_822 = arith.ori %or3A_821, %ne3A_817 : i1
        %or3A_823 = arith.constant false
        %or3A_824 = arith.ori %or3A_822, %or3A_823 : i1
        %or3A_825 = arith.ori %or3A_824, %eq3A_237 : i1
        %convert_element_type3A_826 = arith.extui %or3A_825 : i1 to i32
        %cond3A_827 = arith.constant 0 : i32
        %cond3A_828 = arith.cmpi ne, %convert_element_type3A_826, %cond3A_827 : i32
        scf.if %cond3A_828 {
          "tpu.trace_start"() <{level = 10 : i32, message = "ep_copy_out"}> : () -> ()
          %rem3A_1124 = arith.constant 2 : i32
          %rem3A_1125 = arith.remui %scan3A_231, %rem3A_1124 : i32
          %jit3A_1126 = arith.constant 32 : i32
          %div3A_1127 = arith.divsi %add3A_238, %jit3A_1126 : i32
          %sign3A_1128 = arith.constant 0 : i32
          %sign3A_1129 = arith.cmpi sgt, %add3A_238, %sign3A_1128 : i32
          %sign3A_1130 = arith.extui %sign3A_1129 : i1 to i32
          %sign3A_1131 = arith.constant 0 : i32
          %sign3A_1132 = arith.cmpi slt, %add3A_238, %sign3A_1131 : i32
          %sign3A_1133 = arith.extui %sign3A_1132 : i1 to i32
          %sign3A_1134 = arith.subi %sign3A_1130, %sign3A_1133 : i32
          %sign3A_1135 = arith.constant 0 : i32
          %sign3A_1136 = arith.cmpi sgt, %jit3A_1126, %sign3A_1135 : i32
          %sign3A_1137 = arith.extui %sign3A_1136 : i1 to i32
          %sign3A_1138 = arith.constant 0 : i32
          %sign3A_1139 = arith.cmpi slt, %jit3A_1126, %sign3A_1138 : i32
          %sign3A_1140 = arith.extui %sign3A_1139 : i1 to i32
          %sign3A_1141 = arith.subi %sign3A_1137, %sign3A_1140 : i32
          %ne3A_1142 = arith.cmpi ne, %sign3A_1134, %sign3A_1141 : i32
          %rem3A_1143 = arith.remsi %add3A_238, %jit3A_1126 : i32
          %ne3A_1144 = arith.constant 0 : i32
          %ne3A_1145 = arith.cmpi ne, %rem3A_1143, %ne3A_1144 : i32
          %and3A_1146 = arith.andi %ne3A_1142, %ne3A_1145 : i1
          %sub3A_1147 = arith.constant 1 : i32
          %sub3A_1148 = arith.subi %div3A_1127, %sub3A_1147 : i32
          %select_n3A_1149 = arith.select %and3A_1146, %sub3A_1148, %div3A_1127 : i32
          %jit3A_1150 = arith.constant 32 : i32
          %eq3A_1151 = arith.constant 0 : i32
          %eq3A_1152 = arith.cmpi eq, %jit3A_1150, %eq3A_1151 : i32
          %jit3A_1153 = arith.constant 1 : i32
          %select_n3A_1154 = arith.select %eq3A_1152, %jit3A_1153, %jit3A_1150 : i32
          %rem3A_1155 = arith.remsi %add3A_238, %select_n3A_1154 : i32
          %ne3A_1156 = arith.constant 0 : i32
          %ne3A_1157 = arith.cmpi ne, %rem3A_1155, %ne3A_1156 : i32
          %lt3A_1158 = arith.constant 0 : i32
          %lt3A_1159 = arith.cmpi slt, %rem3A_1155, %lt3A_1158 : i32
          %lt3A_1160 = arith.constant 0 : i32
          %lt3A_1161 = arith.cmpi slt, %select_n3A_1154, %lt3A_1160 : i32
          %ne3A_1162 = arith.xori %lt3A_1159, %lt3A_1161 : i1
          %and3A_1163 = arith.andi %ne3A_1162, %ne3A_1157 : i1
          %add3A_1164 = arith.addi %rem3A_1155, %select_n3A_1154 : i32
          %select_n3A_1165 = arith.select %and3A_1163, %add3A_1164, %rem3A_1155 : i32
          %mul3A_1166 = arith.constant 1 : i32
          %mul3A_1167 = arith.muli %mul3A_1166, %select_n3A_1149 : i32
          %mul3A_1168 = arith.constant 128 : i32
          %mul3A_1169 = arith.muli %mul3A_1168, %select_n3A_1165 : i32
          %dma_start3A_1170 = arith.constant 0 : i32
          %dma_start3A_1171 = arith.constant 0 : i32
          %dma_start3A_1172 = arith.constant 0 : i32
          %dma_start3A_1173 = arith.constant 0 : i32
          %dma_start3A_1174 = tpu.memref_slice %run_scoped3A_28[%rem3A_1125, %dma_start3A_1170, %dma_start3A_1171, %dma_start3A_1172, %dma_start3A_1173] : memref<2x1x1x128x128xf32, #tpu.memory_space<vmem>> -> memref<1x1x1x128x128xf32, #tpu.memory_space<vmem>>
          %dma_start3A_1175 = tpu.memref_squeeze %dma_start3A_1174 : memref<1x1x1x128x128xf32, #tpu.memory_space<vmem>> -> memref<1x1x128x128xf32, #tpu.memory_space<vmem>>
          %dma_start3A_1176 = arith.constant 2 : i32
          %dma_start3A_1177 = arith.constant 0 : i32
          %dma_start3A_1178 = tpu.memref_slice %arg6[%mul3A_1167, %dma_start3A_1176, %mul3A_1169, %dma_start3A_1177] : memref<50x3x4096x128xf32, #tpu.memory_space<hbm>> -> memref<1x1x128x128xf32, #tpu.memory_space<hbm>>
          %dma_start3A_1179 = tpu.memref_slice %run_scoped3A_29[%rem3A_1125] : memref<2x!tpu.dma_semaphore, #tpu.memory_space<semaphore_mem>> -> memref<1x!tpu.dma_semaphore, #tpu.memory_space<semaphore_mem>>
          %dma_start3A_1180 = tpu.memref_squeeze %dma_start3A_1179 : memref<1x!tpu.dma_semaphore, #tpu.memory_space<semaphore_mem>> -> memref<!tpu.dma_semaphore, #tpu.memory_space<semaphore_mem>>
          %dma_start3A_1181 = arith.constant 2 : i32
          %dma_start3A_1182 = arith.constant 0 : i32
          %dma_start3A_1183 = tpu.memref_slice %arg6[%mul3A_1167, %dma_start3A_1181, %mul3A_1169, %dma_start3A_1182] : memref<50x3x4096x128xf32, #tpu.memory_space<hbm>> -> memref<1x1x128x128xf32, #tpu.memory_space<hbm>>
          %dma_start3A_1184 = arith.constant 0 : i32
          %dma_start3A_1185 = arith.constant 0 : i32
          %dma_start3A_1186 = arith.constant 0 : i32
          %dma_start3A_1187 = arith.constant 0 : i32
          %dma_start3A_1188 = tpu.memref_slice %run_scoped3A_28[%rem3A_1125, %dma_start3A_1184, %dma_start3A_1185, %dma_start3A_1186, %dma_start3A_1187] : memref<2x1x1x128x128xf32, #tpu.memory_space<vmem>> -> memref<1x1x1x128x128xf32, #tpu.memory_space<vmem>>
          %dma_start3A_1189 = tpu.memref_squeeze %dma_start3A_1188 : memref<1x1x1x128x128xf32, #tpu.memory_space<vmem>> -> memref<1x1x128x128xf32, #tpu.memory_space<vmem>>
          tpu.enqueue_dma source(%dma_start3A_1189 : memref<1x1x128x128xf32, #tpu.memory_space<vmem>>) target(%dma_start3A_1183 : memref<1x1x128x128xf32, #tpu.memory_space<hbm>>) target_semaphore(%dma_start3A_1180 : memref<!tpu.dma_semaphore, #tpu.memory_space<semaphore_mem>>)
          "tpu.trace_stop"() : () -> ()
        } else {
        }
        %and3A_829 = arith.constant true
        %and3A_830 = arith.andi %or3A_825, %and3A_829 : i1
        %add3A_831 = arith.constant 1 : i32
        %add3A_832 = arith.addi %scan3A_231, %add3A_831 : i32
        %select_n3A_833 = arith.select %and3A_830, %add3A_832, %scan3A_231 : i32
        %jit3A_834 = arith.constant 32 : i32
        %div3A_835 = arith.divsi %add3A_238, %jit3A_834 : i32
        %sign3A_836 = arith.constant 0 : i32
        %sign3A_837 = arith.cmpi sgt, %add3A_238, %sign3A_836 : i32
        %sign3A_838 = arith.extui %sign3A_837 : i1 to i32
        %sign3A_839 = arith.constant 0 : i32
        %sign3A_840 = arith.cmpi slt, %add3A_238, %sign3A_839 : i32
        %sign3A_841 = arith.extui %sign3A_840 : i1 to i32
        %sign3A_842 = arith.subi %sign3A_838, %sign3A_841 : i32
        %sign3A_843 = arith.constant 0 : i32
        %sign3A_844 = arith.cmpi sgt, %jit3A_834, %sign3A_843 : i32
        %sign3A_845 = arith.extui %sign3A_844 : i1 to i32
        %sign3A_846 = arith.constant 0 : i32
        %sign3A_847 = arith.cmpi slt, %jit3A_834, %sign3A_846 : i32
        %sign3A_848 = arith.extui %sign3A_847 : i1 to i32
        %sign3A_849 = arith.subi %sign3A_845, %sign3A_848 : i32
        %ne3A_850 = arith.cmpi ne, %sign3A_842, %sign3A_849 : i32
        %rem3A_851 = arith.remsi %add3A_238, %jit3A_834 : i32
        %ne3A_852 = arith.constant 0 : i32
        %ne3A_853 = arith.cmpi ne, %rem3A_851, %ne3A_852 : i32
        %and3A_854 = arith.andi %ne3A_850, %ne3A_853 : i1
        %sub3A_855 = arith.constant 1 : i32
        %sub3A_856 = arith.subi %div3A_835, %sub3A_855 : i32
        %select_n3A_857 = arith.select %and3A_854, %sub3A_856, %div3A_835 : i32
        %jit3A_858 = arith.constant 32 : i32
        %eq3A_859 = arith.constant 0 : i32
        %eq3A_860 = arith.cmpi eq, %jit3A_858, %eq3A_859 : i32
        %jit3A_861 = arith.constant 1 : i32
        %select_n3A_862 = arith.select %eq3A_860, %jit3A_861, %jit3A_858 : i32
        %rem3A_863 = arith.remsi %add3A_238, %select_n3A_862 : i32
        %ne3A_864 = arith.constant 0 : i32
        %ne3A_865 = arith.cmpi ne, %rem3A_863, %ne3A_864 : i32
        %lt3A_866 = arith.constant 0 : i32
        %lt3A_867 = arith.cmpi slt, %rem3A_863, %lt3A_866 : i32
        %lt3A_868 = arith.constant 0 : i32
        %lt3A_869 = arith.cmpi slt, %select_n3A_862, %lt3A_868 : i32
        %ne3A_870 = arith.xori %lt3A_867, %lt3A_869 : i1
        %and3A_871 = arith.andi %ne3A_870, %ne3A_865 : i1
        %add3A_872 = arith.addi %rem3A_863, %select_n3A_862 : i32
        %select_n3A_873 = arith.select %and3A_871, %add3A_872, %rem3A_863 : i32
        %jit3A_874 = arith.constant 32 : i32
        %div3A_875 = arith.divsi %add3A_247, %jit3A_874 : i32
        %sign3A_876 = arith.constant 0 : i32
        %sign3A_877 = arith.cmpi sgt, %add3A_247, %sign3A_876 : i32
        %sign3A_878 = arith.extui %sign3A_877 : i1 to i32
        %sign3A_879 = arith.constant 0 : i32
        %sign3A_880 = arith.cmpi slt, %add3A_247, %sign3A_879 : i32
        %sign3A_881 = arith.extui %sign3A_880 : i1 to i32
        %sign3A_882 = arith.subi %sign3A_878, %sign3A_881 : i32
        %sign3A_883 = arith.constant 0 : i32
        %sign3A_884 = arith.cmpi sgt, %jit3A_874, %sign3A_883 : i32
        %sign3A_885 = arith.extui %sign3A_884 : i1 to i32
        %sign3A_886 = arith.constant 0 : i32
        %sign3A_887 = arith.cmpi slt, %jit3A_874, %sign3A_886 : i32
        %sign3A_888 = arith.extui %sign3A_887 : i1 to i32
        %sign3A_889 = arith.subi %sign3A_885, %sign3A_888 : i32
        %ne3A_890 = arith.cmpi ne, %sign3A_882, %sign3A_889 : i32
        %rem3A_891 = arith.remsi %add3A_247, %jit3A_874 : i32
        %ne3A_892 = arith.constant 0 : i32
        %ne3A_893 = arith.cmpi ne, %rem3A_891, %ne3A_892 : i32
        %and3A_894 = arith.andi %ne3A_890, %ne3A_893 : i1
        %sub3A_895 = arith.constant 1 : i32
        %sub3A_896 = arith.subi %div3A_875, %sub3A_895 : i32
        %select_n3A_897 = arith.select %and3A_894, %sub3A_896, %div3A_875 : i32
        %jit3A_898 = arith.constant 32 : i32
        %eq3A_899 = arith.constant 0 : i32
        %eq3A_900 = arith.cmpi eq, %jit3A_898, %eq3A_899 : i32
        %jit3A_901 = arith.constant 1 : i32
        %select_n3A_902 = arith.select %eq3A_900, %jit3A_901, %jit3A_898 : i32
        %rem3A_903 = arith.remsi %add3A_247, %select_n3A_902 : i32
        %ne3A_904 = arith.constant 0 : i32
        %ne3A_905 = arith.cmpi ne, %rem3A_903, %ne3A_904 : i32
        %lt3A_906 = arith.constant 0 : i32
        %lt3A_907 = arith.cmpi slt, %rem3A_903, %lt3A_906 : i32
        %lt3A_908 = arith.constant 0 : i32
        %lt3A_909 = arith.cmpi slt, %select_n3A_902, %lt3A_908 : i32
        %ne3A_910 = arith.xori %lt3A_907, %lt3A_909 : i1
        %and3A_911 = arith.andi %ne3A_910, %ne3A_905 : i1
        %add3A_912 = arith.addi %rem3A_903, %select_n3A_902 : i32
        %select_n3A_913 = arith.select %and3A_911, %add3A_912, %rem3A_903 : i32
        %ne3A_914 = arith.cmpi ne, %select_n3A_857, %select_n3A_897 : i32
        %ne3A_915 = arith.cmpi ne, %select_n3A_873, %select_n3A_913 : i32
        %or3A_916 = arith.constant false
        %or3A_917 = arith.ori %or3A_916, %ne3A_914 : i1
        %or3A_918 = arith.ori %or3A_917, %ne3A_915 : i1
        %not3A_919 = arith.constant true
        %not3A_920 = arith.xori %eq3A_235, %not3A_919 : i1
        %and3A_921 = arith.andi %or3A_918, %not3A_920 : i1
        %convert_element_type3A_922 = arith.extui %and3A_921 : i1 to i32
        %cond3A_923 = arith.constant 0 : i32
        %cond3A_924 = arith.cmpi ne, %convert_element_type3A_922, %cond3A_923 : i32
        scf.if %cond3A_924 {
        } else {
        }
        %and3A_925 = arith.constant false
        %and3A_926 = arith.andi %and3A_921, %and3A_925 : i1
        %jit3A_927 = arith.constant 32 : i32
        %div3A_928 = arith.divsi %add3A_238, %jit3A_927 : i32
        %sign3A_929 = arith.constant 0 : i32
        %sign3A_930 = arith.cmpi sgt, %add3A_238, %sign3A_929 : i32
        %sign3A_931 = arith.extui %sign3A_930 : i1 to i32
        %sign3A_932 = arith.constant 0 : i32
        %sign3A_933 = arith.cmpi slt, %add3A_238, %sign3A_932 : i32
        %sign3A_934 = arith.extui %sign3A_933 : i1 to i32
        %sign3A_935 = arith.subi %sign3A_931, %sign3A_934 : i32
        %sign3A_936 = arith.constant 0 : i32
        %sign3A_937 = arith.cmpi sgt, %jit3A_927, %sign3A_936 : i32
        %sign3A_938 = arith.extui %sign3A_937 : i1 to i32
        %sign3A_939 = arith.constant 0 : i32
        %sign3A_940 = arith.cmpi slt, %jit3A_927, %sign3A_939 : i32
        %sign3A_941 = arith.extui %sign3A_940 : i1 to i32
        %sign3A_942 = arith.subi %sign3A_938, %sign3A_941 : i32
        %ne3A_943 = arith.cmpi ne, %sign3A_935, %sign3A_942 : i32
        %rem3A_944 = arith.remsi %add3A_238, %jit3A_927 : i32
        %ne3A_945 = arith.constant 0 : i32
        %ne3A_946 = arith.cmpi ne, %rem3A_944, %ne3A_945 : i32
        %and3A_947 = arith.andi %ne3A_943, %ne3A_946 : i1
        %sub3A_948 = arith.constant 1 : i32
        %sub3A_949 = arith.subi %div3A_928, %sub3A_948 : i32
        %select_n3A_950 = arith.select %and3A_947, %sub3A_949, %div3A_928 : i32
        %jit3A_951 = arith.constant 32 : i32
        %eq3A_952 = arith.constant 0 : i32
        %eq3A_953 = arith.cmpi eq, %jit3A_951, %eq3A_952 : i32
        %jit3A_954 = arith.constant 1 : i32
        %select_n3A_955 = arith.select %eq3A_953, %jit3A_954, %jit3A_951 : i32
        %rem3A_956 = arith.remsi %add3A_238, %select_n3A_955 : i32
        %ne3A_957 = arith.constant 0 : i32
        %ne3A_958 = arith.cmpi ne, %rem3A_956, %ne3A_957 : i32
        %lt3A_959 = arith.constant 0 : i32
        %lt3A_960 = arith.cmpi slt, %rem3A_956, %lt3A_959 : i32
        %lt3A_961 = arith.constant 0 : i32
        %lt3A_962 = arith.cmpi slt, %select_n3A_955, %lt3A_961 : i32
        %ne3A_963 = arith.xori %lt3A_960, %lt3A_962 : i1
        %and3A_964 = arith.andi %ne3A_963, %ne3A_958 : i1
        %add3A_965 = arith.addi %rem3A_956, %select_n3A_955 : i32
        %select_n3A_966 = arith.select %and3A_964, %add3A_965, %rem3A_956 : i32
        %jit3A_967 = arith.constant 32 : i32
        %div3A_968 = arith.divsi %add3A_247, %jit3A_967 : i32
        %sign3A_969 = arith.constant 0 : i32
        %sign3A_970 = arith.cmpi sgt, %add3A_247, %sign3A_969 : i32
        %sign3A_971 = arith.extui %sign3A_970 : i1 to i32
        %sign3A_972 = arith.constant 0 : i32
        %sign3A_973 = arith.cmpi slt, %add3A_247, %sign3A_972 : i32
        %sign3A_974 = arith.extui %sign3A_973 : i1 to i32
        %sign3A_975 = arith.subi %sign3A_971, %sign3A_974 : i32
        %sign3A_976 = arith.constant 0 : i32
        %sign3A_977 = arith.cmpi sgt, %jit3A_967, %sign3A_976 : i32
        %sign3A_978 = arith.extui %sign3A_977 : i1 to i32
        %sign3A_979 = arith.constant 0 : i32
        %sign3A_980 = arith.cmpi slt, %jit3A_967, %sign3A_979 : i32
        %sign3A_981 = arith.extui %sign3A_980 : i1 to i32
        %sign3A_982 = arith.subi %sign3A_978, %sign3A_981 : i32
        %ne3A_983 = arith.cmpi ne, %sign3A_975, %sign3A_982 : i32
        %rem3A_984 = arith.remsi %add3A_247, %jit3A_967 : i32
        %ne3A_985 = arith.constant 0 : i32
        %ne3A_986 = arith.cmpi ne, %rem3A_984, %ne3A_985 : i32
        %and3A_987 = arith.andi %ne3A_983, %ne3A_986 : i1
        %sub3A_988 = arith.constant 1 : i32
        %sub3A_989 = arith.subi %div3A_968, %sub3A_988 : i32
        %select_n3A_990 = arith.select %and3A_987, %sub3A_989, %div3A_968 : i32
        %jit3A_991 = arith.constant 32 : i32
        %eq3A_992 = arith.constant 0 : i32
        %eq3A_993 = arith.cmpi eq, %jit3A_991, %eq3A_992 : i32
        %jit3A_994 = arith.constant 1 : i32
        %select_n3A_995 = arith.select %eq3A_993, %jit3A_994, %jit3A_991 : i32
        %rem3A_996 = arith.remsi %add3A_247, %select_n3A_995 : i32
        %ne3A_997 = arith.constant 0 : i32
        %ne3A_998 = arith.cmpi ne, %rem3A_996, %ne3A_997 : i32
        %lt3A_999 = arith.constant 0 : i32
        %lt3A_1000 = arith.cmpi slt, %rem3A_996, %lt3A_999 : i32
        %lt3A_1001 = arith.constant 0 : i32
        %lt3A_1002 = arith.cmpi slt, %select_n3A_995, %lt3A_1001 : i32
        %ne3A_1003 = arith.xori %lt3A_1000, %lt3A_1002 : i1
        %and3A_1004 = arith.andi %ne3A_1003, %ne3A_998 : i1
        %add3A_1005 = arith.addi %rem3A_996, %select_n3A_995 : i32
        %select_n3A_1006 = arith.select %and3A_1004, %add3A_1005, %rem3A_996 : i32
        %ne3A_1007 = arith.cmpi ne, %select_n3A_950, %select_n3A_990 : i32
        %ne3A_1008 = arith.cmpi ne, %select_n3A_966, %select_n3A_1006 : i32
        %or3A_1009 = arith.constant false
        %or3A_1010 = arith.ori %or3A_1009, %ne3A_1007 : i1
        %or3A_1011 = arith.constant false
        %or3A_1012 = arith.ori %or3A_1010, %or3A_1011 : i1
        %or3A_1013 = arith.ori %or3A_1012, %ne3A_1008 : i1
        %or3A_1014 = arith.constant false
        %or3A_1015 = arith.ori %or3A_1013, %or3A_1014 : i1
        %not3A_1016 = arith.constant true
        %not3A_1017 = arith.xori %eq3A_235, %not3A_1016 : i1
        %and3A_1018 = arith.andi %or3A_1015, %not3A_1017 : i1
        %convert_element_type3A_1019 = arith.extui %and3A_1018 : i1 to i32
        %cond3A_1020 = arith.constant 0 : i32
        %cond3A_1021 = arith.cmpi ne, %convert_element_type3A_1019, %cond3A_1020 : i32
        scf.if %cond3A_1021 {
          "tpu.trace_start"() <{level = 10 : i32, message = "ep_wait_out"}> : () -> ()
          %rem3A_1124 = arith.constant 2 : i32
          %rem3A_1125 = arith.remui %scan3A_232, %rem3A_1124 : i32
          %jit3A_1126 = arith.constant 32 : i32
          %div3A_1127 = arith.divsi %add3A_247, %jit3A_1126 : i32
          %sign3A_1128 = arith.constant 0 : i32
          %sign3A_1129 = arith.cmpi sgt, %add3A_247, %sign3A_1128 : i32
          %sign3A_1130 = arith.extui %sign3A_1129 : i1 to i32
          %sign3A_1131 = arith.constant 0 : i32
          %sign3A_1132 = arith.cmpi slt, %add3A_247, %sign3A_1131 : i32
          %sign3A_1133 = arith.extui %sign3A_1132 : i1 to i32
          %sign3A_1134 = arith.subi %sign3A_1130, %sign3A_1133 : i32
          %sign3A_1135 = arith.constant 0 : i32
          %sign3A_1136 = arith.cmpi sgt, %jit3A_1126, %sign3A_1135 : i32
          %sign3A_1137 = arith.extui %sign3A_1136 : i1 to i32
          %sign3A_1138 = arith.constant 0 : i32
          %sign3A_1139 = arith.cmpi slt, %jit3A_1126, %sign3A_1138 : i32
          %sign3A_1140 = arith.extui %sign3A_1139 : i1 to i32
          %sign3A_1141 = arith.subi %sign3A_1137, %sign3A_1140 : i32
          %ne3A_1142 = arith.cmpi ne, %sign3A_1134, %sign3A_1141 : i32
          %rem3A_1143 = arith.remsi %add3A_247, %jit3A_1126 : i32
          %ne3A_1144 = arith.constant 0 : i32
          %ne3A_1145 = arith.cmpi ne, %rem3A_1143, %ne3A_1144 : i32
          %and3A_1146 = arith.andi %ne3A_1142, %ne3A_1145 : i1
          %sub3A_1147 = arith.constant 1 : i32
          %sub3A_1148 = arith.subi %div3A_1127, %sub3A_1147 : i32
          %select_n3A_1149 = arith.select %and3A_1146, %sub3A_1148, %div3A_1127 : i32
          %jit3A_1150 = arith.constant 32 : i32
          %eq3A_1151 = arith.constant 0 : i32
          %eq3A_1152 = arith.cmpi eq, %jit3A_1150, %eq3A_1151 : i32
          %jit3A_1153 = arith.constant 1 : i32
          %select_n3A_1154 = arith.select %eq3A_1152, %jit3A_1153, %jit3A_1150 : i32
          %rem3A_1155 = arith.remsi %add3A_247, %select_n3A_1154 : i32
          %ne3A_1156 = arith.constant 0 : i32
          %ne3A_1157 = arith.cmpi ne, %rem3A_1155, %ne3A_1156 : i32
          %lt3A_1158 = arith.constant 0 : i32
          %lt3A_1159 = arith.cmpi slt, %rem3A_1155, %lt3A_1158 : i32
          %lt3A_1160 = arith.constant 0 : i32
          %lt3A_1161 = arith.cmpi slt, %select_n3A_1154, %lt3A_1160 : i32
          %ne3A_1162 = arith.xori %lt3A_1159, %lt3A_1161 : i1
          %and3A_1163 = arith.andi %ne3A_1162, %ne3A_1157 : i1
          %add3A_1164 = arith.addi %rem3A_1155, %select_n3A_1154 : i32
          %select_n3A_1165 = arith.select %and3A_1163, %add3A_1164, %rem3A_1155 : i32
          %mul3A_1166 = arith.constant 1 : i32
          %mul3A_1167 = arith.muli %mul3A_1166, %select_n3A_1149 : i32
          %mul3A_1168 = arith.constant 128 : i32
          %mul3A_1169 = arith.muli %mul3A_1168, %select_n3A_1165 : i32
          %dma_wait3A_1170 = arith.constant 0 : i32
          %dma_wait3A_1171 = arith.constant 0 : i32
          %dma_wait3A_1172 = arith.constant 0 : i32
          %dma_wait3A_1173 = arith.constant 0 : i32
          %dma_wait3A_1174 = tpu.memref_slice %run_scoped3A_28[%rem3A_1125, %dma_wait3A_1170, %dma_wait3A_1171, %dma_wait3A_1172, %dma_wait3A_1173] : memref<2x1x1x128x128xf32, #tpu.memory_space<vmem>> -> memref<1x1x1x128x128xf32, #tpu.memory_space<vmem>>
          %dma_wait3A_1175 = tpu.memref_squeeze %dma_wait3A_1174 : memref<1x1x1x128x128xf32, #tpu.memory_space<vmem>> -> memref<1x1x128x128xf32, #tpu.memory_space<vmem>>
          %dma_wait3A_1176 = arith.constant 2 : i32
          %dma_wait3A_1177 = arith.constant 0 : i32
          %dma_wait3A_1178 = tpu.memref_slice %arg6[%mul3A_1167, %dma_wait3A_1176, %mul3A_1169, %dma_wait3A_1177] : memref<50x3x4096x128xf32, #tpu.memory_space<hbm>> -> memref<1x1x128x128xf32, #tpu.memory_space<hbm>>
          %dma_wait3A_1179 = tpu.memref_slice %run_scoped3A_29[%rem3A_1125] : memref<2x!tpu.dma_semaphore, #tpu.memory_space<semaphore_mem>> -> memref<1x!tpu.dma_semaphore, #tpu.memory_space<semaphore_mem>>
          %dma_wait3A_1180 = tpu.memref_squeeze %dma_wait3A_1179 : memref<1x!tpu.dma_semaphore, #tpu.memory_space<semaphore_mem>> -> memref<!tpu.dma_semaphore, #tpu.memory_space<semaphore_mem>>
          %dma_wait3A_1181 = arith.constant 2 : i32
          %dma_wait3A_1182 = arith.constant 0 : i32
          %dma_wait3A_1183 = tpu.memref_slice %arg6[%mul3A_1167, %dma_wait3A_1181, %mul3A_1169, %dma_wait3A_1182] : memref<50x3x4096x128xf32, #tpu.memory_space<hbm>> -> memref<1x1x128x128xf32, #tpu.memory_space<hbm>>
          %dma_wait3A_1184 = arith.constant 0 : i32
          %dma_wait3A_1185 = arith.constant 0 : i32
          %dma_wait3A_1186 = arith.constant 0 : i32
          %dma_wait3A_1187 = arith.constant 0 : i32
          %dma_wait3A_1188 = tpu.memref_slice %run_scoped3A_28[%rem3A_1125, %dma_wait3A_1184, %dma_wait3A_1185, %dma_wait3A_1186, %dma_wait3A_1187] : memref<2x1x1x128x128xf32, #tpu.memory_space<vmem>> -> memref<1x1x1x128x128xf32, #tpu.memory_space<vmem>>
          %dma_wait3A_1189 = tpu.memref_squeeze %dma_wait3A_1188 : memref<1x1x1x128x128xf32, #tpu.memory_space<vmem>> -> memref<1x1x128x128xf32, #tpu.memory_space<vmem>>
          tpu.wait_dma2 semaphore(%dma_wait3A_1180 : memref<!tpu.dma_semaphore, #tpu.memory_space<semaphore_mem>>) src(%dma_wait3A_1189 : memref<1x1x128x128xf32, #tpu.memory_space<vmem>>) dst(%dma_wait3A_1183 : memref<1x1x128x128xf32, #tpu.memory_space<hbm>>)
          "tpu.trace_stop"() : () -> ()
        } else {
        }
        %and3A_1022 = arith.constant true
        %and3A_1023 = arith.andi %and3A_1018, %and3A_1022 : i1
        %add3A_1024 = arith.constant 1 : i32
        %add3A_1025 = arith.addi %scan3A_232, %add3A_1024 : i32
        %select_n3A_1026 = arith.select %and3A_1023, %add3A_1025, %scan3A_232 : i32
        %jit3A_1027 = arith.constant 32 : i32
        %div3A_1028 = arith.divsi %add3A_238, %jit3A_1027 : i32
        %sign3A_1029 = arith.constant 0 : i32
        %sign3A_1030 = arith.cmpi sgt, %add3A_238, %sign3A_1029 : i32
        %sign3A_1031 = arith.extui %sign3A_1030 : i1 to i32
        %sign3A_1032 = arith.constant 0 : i32
        %sign3A_1033 = arith.cmpi slt, %add3A_238, %sign3A_1032 : i32
        %sign3A_1034 = arith.extui %sign3A_1033 : i1 to i32
        %sign3A_1035 = arith.subi %sign3A_1031, %sign3A_1034 : i32
        %sign3A_1036 = arith.constant 0 : i32
        %sign3A_1037 = arith.cmpi sgt, %jit3A_1027, %sign3A_1036 : i32
        %sign3A_1038 = arith.extui %sign3A_1037 : i1 to i32
        %sign3A_1039 = arith.constant 0 : i32
        %sign3A_1040 = arith.cmpi slt, %jit3A_1027, %sign3A_1039 : i32
        %sign3A_1041 = arith.extui %sign3A_1040 : i1 to i32
        %sign3A_1042 = arith.subi %sign3A_1038, %sign3A_1041 : i32
        %ne3A_1043 = arith.cmpi ne, %sign3A_1035, %sign3A_1042 : i32
        %rem3A_1044 = arith.remsi %add3A_238, %jit3A_1027 : i32
        %ne3A_1045 = arith.constant 0 : i32
        %ne3A_1046 = arith.cmpi ne, %rem3A_1044, %ne3A_1045 : i32
        %and3A_1047 = arith.andi %ne3A_1043, %ne3A_1046 : i1
        %sub3A_1048 = arith.constant 1 : i32
        %sub3A_1049 = arith.subi %div3A_1028, %sub3A_1048 : i32
        %select_n3A_1050 = arith.select %and3A_1047, %sub3A_1049, %div3A_1028 : i32
        %jit3A_1051 = arith.constant 32 : i32
        %eq3A_1052 = arith.constant 0 : i32
        %eq3A_1053 = arith.cmpi eq, %jit3A_1051, %eq3A_1052 : i32
        %jit3A_1054 = arith.constant 1 : i32
        %select_n3A_1055 = arith.select %eq3A_1053, %jit3A_1054, %jit3A_1051 : i32
        %rem3A_1056 = arith.remsi %add3A_238, %select_n3A_1055 : i32
        %ne3A_1057 = arith.constant 0 : i32
        %ne3A_1058 = arith.cmpi ne, %rem3A_1056, %ne3A_1057 : i32
        %lt3A_1059 = arith.constant 0 : i32
        %lt3A_1060 = arith.cmpi slt, %rem3A_1056, %lt3A_1059 : i32
        %lt3A_1061 = arith.constant 0 : i32
        %lt3A_1062 = arith.cmpi slt, %select_n3A_1055, %lt3A_1061 : i32
        %ne3A_1063 = arith.xori %lt3A_1060, %lt3A_1062 : i1
        %and3A_1064 = arith.andi %ne3A_1063, %ne3A_1058 : i1
        %add3A_1065 = arith.addi %rem3A_1056, %select_n3A_1055 : i32
        %select_n3A_1066 = arith.select %and3A_1064, %add3A_1065, %rem3A_1056 : i32
        %jit3A_1067 = arith.constant 32 : i32
        %div3A_1068 = arith.divsi %add3A_256, %jit3A_1067 : i32
        %sign3A_1069 = arith.constant 0 : i32
        %sign3A_1070 = arith.cmpi sgt, %add3A_256, %sign3A_1069 : i32
        %sign3A_1071 = arith.extui %sign3A_1070 : i1 to i32
        %sign3A_1072 = arith.constant 0 : i32
        %sign3A_1073 = arith.cmpi slt, %add3A_256, %sign3A_1072 : i32
        %sign3A_1074 = arith.extui %sign3A_1073 : i1 to i32
        %sign3A_1075 = arith.subi %sign3A_1071, %sign3A_1074 : i32
        %sign3A_1076 = arith.constant 0 : i32
        %sign3A_1077 = arith.cmpi sgt, %jit3A_1067, %sign3A_1076 : i32
        %sign3A_1078 = arith.extui %sign3A_1077 : i1 to i32
        %sign3A_1079 = arith.constant 0 : i32
        %sign3A_1080 = arith.cmpi slt, %jit3A_1067, %sign3A_1079 : i32
        %sign3A_1081 = arith.extui %sign3A_1080 : i1 to i32
        %sign3A_1082 = arith.subi %sign3A_1078, %sign3A_1081 : i32
        %ne3A_1083 = arith.cmpi ne, %sign3A_1075, %sign3A_1082 : i32
        %rem3A_1084 = arith.remsi %add3A_256, %jit3A_1067 : i32
        %ne3A_1085 = arith.constant 0 : i32
        %ne3A_1086 = arith.cmpi ne, %rem3A_1084, %ne3A_1085 : i32
        %and3A_1087 = arith.andi %ne3A_1083, %ne3A_1086 : i1
        %sub3A_1088 = arith.constant 1 : i32
        %sub3A_1089 = arith.subi %div3A_1068, %sub3A_1088 : i32
        %select_n3A_1090 = arith.select %and3A_1087, %sub3A_1089, %div3A_1068 : i32
        %jit3A_1091 = arith.constant 32 : i32
        %eq3A_1092 = arith.constant 0 : i32
        %eq3A_1093 = arith.cmpi eq, %jit3A_1091, %eq3A_1092 : i32
        %jit3A_1094 = arith.constant 1 : i32
        %select_n3A_1095 = arith.select %eq3A_1093, %jit3A_1094, %jit3A_1091 : i32
        %rem3A_1096 = arith.remsi %add3A_256, %select_n3A_1095 : i32
        %ne3A_1097 = arith.constant 0 : i32
        %ne3A_1098 = arith.cmpi ne, %rem3A_1096, %ne3A_1097 : i32
        %lt3A_1099 = arith.constant 0 : i32
        %lt3A_1100 = arith.cmpi slt, %rem3A_1096, %lt3A_1099 : i32
        %lt3A_1101 = arith.constant 0 : i32
        %lt3A_1102 = arith.cmpi slt, %select_n3A_1095, %lt3A_1101 : i32
        %ne3A_1103 = arith.xori %lt3A_1100, %lt3A_1102 : i1
        %and3A_1104 = arith.andi %ne3A_1103, %ne3A_1098 : i1
        %add3A_1105 = arith.addi %rem3A_1096, %select_n3A_1095 : i32
        %select_n3A_1106 = arith.select %and3A_1104, %add3A_1105, %rem3A_1096 : i32
        %ne3A_1107 = arith.cmpi ne, %select_n3A_1050, %select_n3A_1090 : i32
        %ne3A_1108 = arith.cmpi ne, %select_n3A_1066, %select_n3A_1106 : i32
        %or3A_1109 = arith.constant false
        %or3A_1110 = arith.ori %or3A_1109, %ne3A_1107 : i1
        %or3A_1111 = arith.ori %or3A_1110, %ne3A_1108 : i1
        %or3A_1112 = arith.ori %or3A_1111, %eq3A_237 : i1
        %add3A_1113 = arith.constant 1 : i32
        %add3A_1114 = arith.addi %scan3A_230, %add3A_1113 : i32
        %select_n3A_1115 = arith.select %or3A_1112, %add3A_1114, %scan3A_230 : i32
        %add3A_1116 = arith.constant 1 : i32
        %add3A_1117 = arith.addi %scan3A_233, %add3A_1116 : i32
        %select_n3A_1118 = arith.constant true
        %select_n3A_1119 = arith.select %select_n3A_1118, %add3A_1117, %scan3A_233 : i32
        %eq3A_1120 = arith.constant 50 : i32
        %eq3A_1121 = arith.cmpi eq, %select_n3A_1119, %eq3A_1120 : i32
        %select_n3A_1122 = arith.constant 0 : i32
        %select_n3A_1123 = arith.select %eq3A_1121, %select_n3A_1122, %select_n3A_1119 : i32
        scf.yield %select_n3A_360, %select_n3A_1115, %select_n3A_833, %select_n3A_1026, %select_n3A_1123 : i32, i32, i32, i32, i32
      }
      %scan3A_126 = arith.constant 50 : i32
      %sub3A_127 = arith.constant 1 : i32
      %sub3A_128 = arith.subi %scan3A_125#4, %sub3A_127 : i32
      %select_n3A_129 = arith.constant true
      %select_n3A_130 = arith.select %select_n3A_129, %sub3A_128, %scan3A_125#4 : i32
      %eq3A_131 = arith.constant -1 : i32
      %eq3A_132 = arith.cmpi eq, %select_n3A_130, %eq3A_131 : i32
      %select_n3A_133 = arith.constant 49 : i32
      %select_n3A_134 = arith.select %eq3A_132, %select_n3A_133, %select_n3A_130 : i32
      %add3A_135 = arith.addi %select_n3A_134, %mul3A_26 : i32
      %sub3A_136 = arith.constant 1 : i32
      %sub3A_137 = arith.subi %select_n3A_134, %sub3A_136 : i32
      %select_n3A_138 = arith.constant true
      %select_n3A_139 = arith.select %select_n3A_138, %sub3A_137, %select_n3A_134 : i32
      %eq3A_140 = arith.constant -1 : i32
      %eq3A_141 = arith.cmpi eq, %select_n3A_139, %eq3A_140 : i32
      %select_n3A_142 = arith.constant 49 : i32
      %select_n3A_143 = arith.select %eq3A_141, %select_n3A_142, %select_n3A_139 : i32
      %add3A_144 = arith.addi %select_n3A_143, %mul3A_26 : i32
      %add3A_145 = arith.constant 1 : i32
      %add3A_146 = arith.addi %select_n3A_134, %add3A_145 : i32
      %select_n3A_147 = arith.constant true
      %select_n3A_148 = arith.select %select_n3A_147, %add3A_146, %select_n3A_134 : i32
      %eq3A_149 = arith.constant 50 : i32
      %eq3A_150 = arith.cmpi eq, %select_n3A_148, %eq3A_149 : i32
      %select_n3A_151 = arith.constant 0 : i32
      %select_n3A_152 = arith.select %eq3A_150, %select_n3A_151, %select_n3A_148 : i32
      %add3A_153 = arith.addi %select_n3A_152, %mul3A_26 : i32
      %add3A_154 = arith.constant 1 : i32
      %add3A_155 = arith.addi %select_n3A_152, %add3A_154 : i32
      %select_n3A_156 = arith.constant true
      %select_n3A_157 = arith.select %select_n3A_156, %add3A_155, %select_n3A_152 : i32
      %eq3A_158 = arith.constant 50 : i32
      %eq3A_159 = arith.cmpi eq, %select_n3A_157, %eq3A_158 : i32
      %select_n3A_160 = arith.constant 0 : i32
      %select_n3A_161 = arith.select %eq3A_159, %select_n3A_160, %select_n3A_157 : i32
      %add3A_162 = arith.addi %select_n3A_161, %mul3A_26 : i32
      "tpu.trace_start"() <{level = 10 : i32, message = "ep_finalize"}> : () -> ()
      %rem3A_163 = arith.constant 2 : i32
      %rem3A_164 = arith.remui %scan3A_125#3, %rem3A_163 : i32
      %jit3A_165 = arith.constant 32 : i32
      %div3A_166 = arith.divsi %add3A_135, %jit3A_165 : i32
      %sign3A_167 = arith.constant 0 : i32
      %sign3A_168 = arith.cmpi sgt, %add3A_135, %sign3A_167 : i32
      %sign3A_169 = arith.extui %sign3A_168 : i1 to i32
      %sign3A_170 = arith.constant 0 : i32
      %sign3A_171 = arith.cmpi slt, %add3A_135, %sign3A_170 : i32
      %sign3A_172 = arith.extui %sign3A_171 : i1 to i32
      %sign3A_173 = arith.subi %sign3A_169, %sign3A_172 : i32
      %sign3A_174 = arith.constant 0 : i32
      %sign3A_175 = arith.cmpi sgt, %jit3A_165, %sign3A_174 : i32
      %sign3A_176 = arith.extui %sign3A_175 : i1 to i32
      %sign3A_177 = arith.constant 0 : i32
      %sign3A_178 = arith.cmpi slt, %jit3A_165, %sign3A_177 : i32
      %sign3A_179 = arith.extui %sign3A_178 : i1 to i32
      %sign3A_180 = arith.subi %sign3A_176, %sign3A_179 : i32
      %ne3A_181 = arith.cmpi ne, %sign3A_173, %sign3A_180 : i32
      %rem3A_182 = arith.remsi %add3A_135, %jit3A_165 : i32
      %ne3A_183 = arith.constant 0 : i32
      %ne3A_184 = arith.cmpi ne, %rem3A_182, %ne3A_183 : i32
      %and3A_185 = arith.andi %ne3A_181, %ne3A_184 : i1
      %sub3A_186 = arith.constant 1 : i32
      %sub3A_187 = arith.subi %div3A_166, %sub3A_186 : i32
      %select_n3A_188 = arith.select %and3A_185, %sub3A_187, %div3A_166 : i32
      %jit3A_189 = arith.constant 32 : i32
      %eq3A_190 = arith.constant 0 : i32
      %eq3A_191 = arith.cmpi eq, %jit3A_189, %eq3A_190 : i32
      %jit3A_192 = arith.constant 1 : i32
      %select_n3A_193 = arith.select %eq3A_191, %jit3A_192, %jit3A_189 : i32
      %rem3A_194 = arith.remsi %add3A_135, %select_n3A_193 : i32
      %ne3A_195 = arith.constant 0 : i32
      %ne3A_196 = arith.cmpi ne, %rem3A_194, %ne3A_195 : i32
      %lt3A_197 = arith.constant 0 : i32
      %lt3A_198 = arith.cmpi slt, %rem3A_194, %lt3A_197 : i32
      %lt3A_199 = arith.constant 0 : i32
      %lt3A_200 = arith.cmpi slt, %select_n3A_193, %lt3A_199 : i32
      %ne3A_201 = arith.xori %lt3A_198, %lt3A_200 : i1
      %and3A_202 = arith.andi %ne3A_201, %ne3A_196 : i1
      %add3A_203 = arith.addi %rem3A_194, %select_n3A_193 : i32
      %select_n3A_204 = arith.select %and3A_202, %add3A_203, %rem3A_194 : i32
      %mul3A_205 = arith.constant 1 : i32
      %mul3A_206 = arith.muli %mul3A_205, %select_n3A_188 : i32
      %mul3A_207 = arith.constant 128 : i32
      %mul3A_208 = arith.muli %mul3A_207, %select_n3A_204 : i32
      %dma_wait3A = arith.constant 0 : i32
      %dma_wait3A_209 = arith.constant 0 : i32
      %dma_wait3A_210 = arith.constant 0 : i32
      %dma_wait3A_211 = arith.constant 0 : i32
      %dma_wait3A_212 = tpu.memref_slice %run_scoped3A_28[%rem3A_164, %dma_wait3A, %dma_wait3A_209, %dma_wait3A_210, %dma_wait3A_211] : memref<2x1x1x128x128xf32, #tpu.memory_space<vmem>> -> memref<1x1x1x128x128xf32, #tpu.memory_space<vmem>>
      %dma_wait3A_213 = tpu.memref_squeeze %dma_wait3A_212 : memref<1x1x1x128x128xf32, #tpu.memory_space<vmem>> -> memref<1x1x128x128xf32, #tpu.memory_space<vmem>>
      %dma_wait3A_214 = arith.constant 2 : i32
      %dma_wait3A_215 = arith.constant 0 : i32
      %dma_wait3A_216 = tpu.memref_slice %arg6[%mul3A_206, %dma_wait3A_214, %mul3A_208, %dma_wait3A_215] : memref<50x3x4096x128xf32, #tpu.memory_space<hbm>> -> memref<1x1x128x128xf32, #tpu.memory_space<hbm>>
      %dma_wait3A_217 = tpu.memref_slice %run_scoped3A_29[%rem3A_164] : memref<2x!tpu.dma_semaphore, #tpu.memory_space<semaphore_mem>> -> memref<1x!tpu.dma_semaphore, #tpu.memory_space<semaphore_mem>>
      %dma_wait3A_218 = tpu.memref_squeeze %dma_wait3A_217 : memref<1x!tpu.dma_semaphore, #tpu.memory_space<semaphore_mem>> -> memref<!tpu.dma_semaphore, #tpu.memory_space<semaphore_mem>>
      %dma_wait3A_219 = arith.constant 2 : i32
      %dma_wait3A_220 = arith.constant 0 : i32
      %dma_wait3A_221 = tpu.memref_slice %arg6[%mul3A_206, %dma_wait3A_219, %mul3A_208, %dma_wait3A_220] : memref<50x3x4096x128xf32, #tpu.memory_space<hbm>> -> memref<1x1x128x128xf32, #tpu.memory_space<hbm>>
      %dma_wait3A_222 = arith.constant 0 : i32
      %dma_wait3A_223 = arith.constant 0 : i32
      %dma_wait3A_224 = arith.constant 0 : i32
      %dma_wait3A_225 = arith.constant 0 : i32
      %dma_wait3A_226 = tpu.memref_slice %run_scoped3A_28[%rem3A_164, %dma_wait3A_222, %dma_wait3A_223, %dma_wait3A_224, %dma_wait3A_225] : memref<2x1x1x128x128xf32, #tpu.memory_space<vmem>> -> memref<1x1x1x128x128xf32, #tpu.memory_space<vmem>>
      %dma_wait3A_227 = tpu.memref_squeeze %dma_wait3A_226 : memref<1x1x1x128x128xf32, #tpu.memory_space<vmem>> -> memref<1x1x128x128xf32, #tpu.memory_space<vmem>>
      tpu.wait_dma2 semaphore(%dma_wait3A_218 : memref<!tpu.dma_semaphore, #tpu.memory_space<semaphore_mem>>) src(%dma_wait3A_227 : memref<1x1x128x128xf32, #tpu.memory_space<vmem>>) dst(%dma_wait3A_221 : memref<1x1x128x128xf32, #tpu.memory_space<hbm>>)
      "tpu.trace_stop"() : () -> ()
      tpu.yield
    }) : () -> ()
    return
  }
}

</mosaic_0001>

<sc_bundles>
// kernel: kernel.3.cloned.1.call-start
scs
__scs_entry_jumppad:
0x0: {  	(pc) =	sbr.rel $0x88, $3  }
0x1: {  	(tag) =	ssettag $0x0;
	lr =	simm.s32 $0x1  }
0x2: {  	[smem:$0x3F9D] =	sst lr;
	_ =	strace $0xD0000000  }
0x3: {  	_ = 	snop  }
0x4: {  	_ = 	snop  }
0x5: {  	_ = 	snop  }
0x6: {  	_ = 	snop  }
0x7: {  	_ = 	snop  }
__scs_overlays_trampoline_lowered:
0x8: {  	[smem:$0x3FAC] =	sst s0  }
0x9: {  	[smem:$0x3FAD] =	sst s1  }
0xa: {  	[smem:$0x3FAE] =	sst s2  }
0xb: {  	[smem:$0x3FAF] =	sst s3  }
0xc: {  	[smem:$0x3FB0] =	sst s4  }
0xd: {  	[smem:$0x3FB1] =	sst s5  }
0xe: {  	[smem:$0x3FB2] =	sst s6  }
0xf: {  	[smem:$0x3FB3] =	sst s7  }
0x10: {  	[smem:$0x3FB4] =	sst s8  }
0x11: {  	[smem:$0x3FB5] =	sst s9;
	s0 =	simm.s32 @!p0 $0x0  }
0x12: {  	s1 =	sld [smem:$0x3F9B];
	s0 =	simm.s32 @p0 $0x1  }
0x13: {  	[smem:$0x3FB6] =	sst s0;
	s0 =	simm.s32 @!p1 $0x0  }
0x14: {  	s2 =	sld [smem:$0x3F9A];
	s0 =	simm.s32 @p1 $0x1  }
0x15: {  	[smem:$0x3FB7] =	sst s0;
	s0 =	simm.s32 @!p2 $0x0  }
0x16: {  	s3 =	sld [smem:$0x3FDB];
	s0 =	simm.s32 @p2 $0x1  }
0x17: {  	s4 =	simm.s32 $0x1BF5;
	[smem:$0x3FB9] =	sst s0  }
0x18: {  	s0 =	sld [smem:$0x3F9C];
	_ =	swait.ge [sflag:s4], $0x0  }
0x19: {  	s7 =	sld [smem:$0x3F9D]  }
0x1a: {  	s8 =	sadd.s32 $0xFFFFE003, lr  }
0x1b: {  	s9 =	sadd.s32 $0xFFFFFEF7, lr;
	s5 =	simm.s32 $0xFFFFFFFF;
	p2 =	slt.u32 s8, $0xFFFFF086  }
0x1c: {  	p1 =	slt.u32 s9, $0xF7A;
	s5 =	simm.s32 @!p2 $0x0  }
0x1d: {  	s5 =	simm.s32 @p1 $0x1;
	p0 =	seq.s32 s7, s2  }
0x1e: {  	s7 =	smul.u32 @!p0 $0xF7A, s2;
	p2 =	seq.s32 @!p0 s5, $0x0  }
0x1f: {  	s9 =	smul.u32 $0xF7A, s1;
	s8 =	simm.s32 @!p0 $0x1BF5;
	p2 =	por !p2, p0  }
0x20: {  	[sflag:s8] =	ssyncset.s32 @!p0 $0xFFFFF086;
	s6 =	sadd.s32 @!p0 s3, s7;
	s7 =	simm.s32 @!p0 $0x108  }
0x21: {  	s3 =	sadd.s32 s3, s9;
	s6 =	sadd.s32 @!p0 $0x88, s6;
	s7 =	simm.s32 @p2 $0x1082  }
0x22: {  	[simem:s7], [sflag:s8] =	dma.local @!p0 [hbm:s6], $0xF7A  }
0x23: {  	s9 =	sor.u32 $0xD0000000, s2;
	s6 =	simm.s32 $0x108;
	_ =	swait.ge @!p0 [sflag:s8], $0x0  }
0x24: {  	s3 =	sadd.s32 $0x88, s3;
	s6 =	simm.s32 @!p1 $0x1082;
	[sflag:s4] =	ssyncset.s32 $0xFFFFF086  }
0x25: {  	[simem:s6], [sflag:s4] =	dma.local [hbm:s3], $0xF7A  }
0x26: {  	[smem:$0x3F9D] =	sst s1;
	(tag) =	ssettag s2;
	_ =	strace s9  }
0x27: {  	s1 =	sld [smem:$0x3FAD]  }
0x28: {  	s2 =	sld [smem:$0x3FAE]  }
0x29: {  	s4 =	sld [smem:$0x3FB0]  }
0x2a: {  	p0 =	seq.s32 s5, $0x0;
	s5 =	sld [smem:$0x3FB1]  }
0x2b: {  	s6 =	sld [smem:$0x3FB2]  }
0x2c: {  	s7 =	sld [smem:$0x3FB3]  }
0x2d: {  	s3 =	simm.s32 $0x108;
	s8 =	sld [smem:$0x3FB4]  }
0x2e: {  	s3 =	simm.s32 @!p0 $0x1082;
	s9 =	sld [smem:$0x3FB5]  }
0x2f: {  	lr =	sadd.s32 s0, s3;
	s0 =	sld [smem:$0x3FAC]  }
0x30: {  	s3 =	sld [smem:$0x3FAF]  }
0x31: {  	[smem:$0x3FB8] =	sst s10  }
0x32: {  	s10 =	sld [smem:$0x3FB6];
	_ =	sdelay $0x3  }
0x33: {  	p0 =	seq.s32 s10, $0x1;
	s10 =	sld [smem:$0x3FB8];
	_ =	sdelay $0x3  }
0x34: {  	[smem:$0x3FB8] =	sst s10  }
0x35: {  	s10 =	sld [smem:$0x3FB7];
	_ =	sdelay $0x3  }
0x36: {  	p1 =	seq.s32 s10, $0x1;
	s10 =	sld [smem:$0x3FB8];
	_ =	sdelay $0x3  }
0x37: {  	[smem:$0x3FB8] =	sst s10  }
0x38: {  	s10 =	sld [smem:$0x3FB9]  }
0x39: {  	_ = 	snop;
	(pc) =	sbr.ind lr, $3  }
0x3a: {  	_ = 	snop  }
0x3b: {  	_ = 	snop  }
0x3c: {  	p2 =	seq.s32 s10, $0x1;
	s10 =	sld [smem:$0x3FB8]  }
0x3d: {  	_ =	shalt  }
0x3e: {  	_ =	shalt  }
0x3f: {  	_ =	shalt  }
0x40: {  	_ =	shalt  }
0x41: {  	_ =	shalt  }
0x42: {  	_ =	shalt  }
0x43: {  	_ =	shalt  }
0x44: {  	_ =	shalt  }
0x45: {  	_ =	shalt  }
0x46: {  	_ =	shalt  }
0x47: {  	_ =	shalt  }
0x48: {  	_ =	shalt  }
0x49: {  	_ =	shalt  }
0x4a: {  	_ =	shalt  }
0x4b: {  	_ =	shalt  }
0x4c: {  	_ =	shalt  }
0x4d: {  	_ =	shalt  }
0x4e: {  	_ =	shalt  }
0x4f: {  	_ =	shalt  }
0x50: {  	_ =	shalt  }
0x51: {  	_ =	shalt  }
0x52: {  	_ =	shalt  }
0x53: {  	_ =	shalt  }
0x54: {  	_ =	shalt  }
0x55: {  	_ =	shalt  }
0x56: {  	_ =	shalt  }
0x57: {  	_ =	shalt  }
0x58: {  	_ =	shalt  }
0x59: {  	_ =	shalt  }
0x5a: {  	_ =	shalt  }
0x5b: {  	_ =	shalt  }
0x5c: {  	_ =	shalt  }
0x5d: {  	_ =	shalt  }
0x5e: {  	_ =	shalt  }
0x5f: {  	_ =	shalt  }
0x60: {  	_ =	shalt  }
0x61: {  	_ =	shalt  }
0x62: {  	_ =	shalt  }
0x63: {  	_ =	shalt  }
0x64: {  	_ =	shalt  }
0x65: {  	_ =	shalt  }
0x66: {  	_ =	shalt  }
0x67: {  	_ =	shalt  }
0x68: {  	_ =	shalt  }
0x69: {  	_ =	shalt  }
0x6a: {  	_ =	shalt  }
0x6b: {  	_ =	shalt  }
0x6c: {  	_ =	shalt  }
0x6d: {  	_ =	shalt  }
0x6e: {  	_ =	shalt  }
0x6f: {  	_ =	shalt  }
0x70: {  	_ =	shalt  }
0x71: {  	_ =	shalt  }
0x72: {  	_ =	shalt  }
0x73: {  	_ =	shalt  }
0x74: {  	_ =	shalt  }
0x75: {  	_ =	shalt  }
0x76: {  	_ =	shalt  }
0x77: {  	_ =	shalt  }
0x78: {  	_ =	shalt  }
0x79: {  	_ =	shalt  }
0x7a: {  	_ =	shalt  }
0x7b: {  	_ =	shalt  }
0x7c: {  	_ =	shalt  }
0x7d: {  	_ =	shalt  }
0x7e: {  	_ =	shalt  }
0x7f: {  	_ =	shalt  }
0x80: {  	_ =	shalt  }
0x81: {  	_ =	shalt  }
0x82: {  	_ =	shalt  }
0x83: {  	_ =	shalt  }
0x84: {  	_ =	shalt  }
0x85: {  	_ =	shalt  }
0x86: {  	_ =	shalt  }
0x87: {  	_ =	shalt  }
.Lfunc_end0:
.L_simem_size_0:
called_computation_lowered:
.L_overlay_start_0:
0x88: {  	s2 =	sld [smem:$0x3FD9]  }
0x89: {  	s3 =	sld [smem:$0x3FFE];
	_ =	sdelay $0x1  }
0x8a: {  	s1 =	srdreg.scid  }
0x8b: {  	s0 =	sand.u32 $0x1, s1  }
0x8c: {  	s18 =	sshll.u32 s0, $0xA;
	s2 =	sadd.s32 s3, s2  }
0x8d: {  	s2 =	sadd.s32 s2, s18  }
0x8e: {  	[smem:$0x3FC4] =	sst s2  }
0x8f: {  	_ = 	snop  }
0x90: {  	s2 =	sld [smem:$0x3FC9]  }
0x91: {  	s19 =	sld [smem:$0x3FC8]  }
0x92: {  	s4 =	sld [smem:$0x3FC7]  }
0x93: {  	s5 =	sld [smem:$0x3FC6]  }
0x94: {  	s6 =	sld [smem:$0x3FD0];
	(tm) =	ssettm $0x1  }
0x95: {  	s7 =	sld [smem:$0x3FFB];
	_ =	sdelay $0x3  }
0x96: {  	_ =	strace s7  }
0x97: {  	s7 =	sld [smem:$0x3FFC];
	_ =	sdelay $0x3  }
0x98: {  	_ =	strace s7  }
0x99: {  	s7 =	sld [smem:$0x3FFD];
	_ =	sdelay $0x3  }
0x9a: {  	_ =	strace s7  }
0x9b: {  	_ =	strace $0x8FFFFFFF  }
0x9c: {  	s20 =	sld [smem:$0x3FDB];
	_ =	sdelay $0x1  }
0x9d: {  	s8 =	simm.s32 $_scs_section_size  }
0x9e: {  	s9 =	simm.s32 $_size__tile_overlayer_lowered;
	s10 =	simm.s32 $_tile_overlayer_lowered  }
0x9f: {  	s23 =	simm.s32 $0x1BFF;
	s22 =	sshll.u32 s10, $0x1;
	s7 =	sadd.s32 s8, s20  }
0xa0: {  	s11 =	simm.s32 $0x0;
	s21 =	sshll.u32 s9, $0x1;
	s9 =	sadd.s32 s22, s7  }
0xa1: {  	[timem:s11], [sflag:s23] =	dma.local [hbm:s9], s21  }
0xa2: {  	_ =	swait.ge [sflag:s23], s21  }
0xa3: {  	s8 =	ssub.s32 $0x0, s21;
	[sflag:s23] =	ssyncset.done $0x0  }
0xa4: {  	[sflag:s23] =	ssyncadd.s32 s8;
	_ =	sdelay $0x1  }
0xa5: {  	s24 =	simm.s32 $0x1B8B  }
0xa6: {  	_ =	swait.ge [sflag:s24], $0x1  }
0xa7: {  	[sflag:s24] =	ssyncset.done $0x0  }
0xa8: {  	s25 =	simm.s32 $0x1B8E;
	[sflag:s24] =	ssyncadd.s32 $0xFFFFFFFF  }
0xa9: {  	s26 =	simm.s32 $execute0_lowered;
	[smem:$0x3FD2] =	sst s25  }
0xaa: {  	s8 =	sshll.u32 s26, $0x1;
	_ =	strace $0x80000046;
	[dreg:$0x1] =	wrdreg $0xFFFFFFFF  }
0xab: {  	s28 =	simm.s32 $_size_execute0_lowered;
	s7 =	sadd.s32 s7, s8;
	[dreg:$0x0] =	wrdreg $0x0  }
0xac: {  	s8 =	sshll.u32 s28, $0x1;
	[dreg:$0x2] =	wrdreg s7  }
0xad: {  	[dreg:$0x3] =	wrdreg s8  }
0xae: {  	[dreg:$0x4] =	wrdreg $0xC0  }
0xaf: {  	_ =	task [dreg:s11], $0x5FFFF  }
0xb0: {  	[dreg:$0x1] =	wrdreg $0xFFFFFFFF  }
0xb1: {  	[dreg:$0x0] =	wrdreg $0x60  }
0xb2: {  	[dreg:$0x2] =	wrdreg s19  }
0xb3: {  	[dreg:$0x3] =	wrdreg s4  }
0xb4: {  	[dreg:$0x4] =	wrdreg s5  }
0xb5: {  	[dreg:$0x5] =	wrdreg s2  }
0xb6: {  	[dreg:$0x6] =	wrdreg s6  }
0xb7: {  	[dreg:$0x7] =	wrdreg $0x0  }
0xb8: {  	[dreg:$0x8] =	wrdreg $0x1F480  }
0xb9: {  	[dreg:$0x9] =	wrdreg $0x3E900  }
0xba: {  	[dreg:$0xa] =	wrdreg $0x9  }
0xbb: {  	_ =	task.clear_ibuf [dreg:s11], $0xBFFFF;
	_ =	strace $0x90000046  }
0xbc: {  	s29 =	simm.s32 $0x9;
	_ =	strace $0x8000005D  }
0xbd: {  	_ =	swait.ge [sflag:s29], $0x1  }
0xbe: {  	[sflag:s29] =	ssyncadd.s32 $0xFFFFFFFF  }
0xbf: {  	_ =	strace $0x9000005D  }
0xc0: {  	_ =	sfence  }
0xc1: {  	s30 =	sld [smem:$0x0];
	_ =	sdelay $0x2  }
0xc2: {  	s31 =	sshll.u32 s1, $0xD;
	s1 =	sshrl.u32 s1, $0x2  }
0xc3: {  	s3 =	sand.u32 $0x4000, s31;
	s1 =	sadd.s32 s1, s30  }
0xc4: {  	s0 =	sor.u32 s3, s0;
	s1 =	sshll.u32 s1, $0x11  }
0xc5: {  	s0 =	sor.u32 s1, s0  }
0xc6: {  	s0 =	sadd.s32 $0x8F2B, s0  }
0xc7: {  	[sflag:s0] =	ssyncadd.remote.s32 $0x1  }
0xc8: {  	_ =	sfence.sel $0xFFFF  }
0xc9: {  	[dreg:$0x0] =	wrdreg $0xFFFFFFFF;
	(pc) =	sbr.abs _section_cstart, $3  }
0xca: {  	[dreg:$0x1] =	wrdreg $0xFFFFFFFF  }
0xcb: {  	_ =	task.clear_ibuf [dreg:s11], $0x2FFFF;
	_ =	strace $0x9FFFFFFF  }
0xcc: {  	(tm) =	ssettm $0x7FFFFFFF  }
0xcd: {  	_ =	shalt  }
tec
execute0_lowered:
.L_overlay_start_1:
0x0: {  	(tag) =	ssettag $0x1  }
0x1: {  	s3 =	rddreg [dreg:$0x3]  }
0x2: {  	s4 =	rddreg [dreg:$0x4]  }
0x3: {  	s5 =	rddreg [dreg:$0x5]  }
0x4: {  	s6 =	srdreg.scid;
	s7 =	rddreg [dreg:$0x6]  }
0x5: {  	s13 =	stileid.u32;
	s8 =	rddreg [dreg:$0x7];
	s11 =	sand.u32 $0x1, s6  }
0x6: {  	s0 =	simm.s32 $0x0;
	s18 =	simm.s32 $0x5DD8;
	s6 =	sshll.u32 s11, $0x4  }
0x7: {  	s19 =	simm.s32 $0x80;
	s20 =	simm.s32 $0x5;
	s12 =	sor.u32 s13, s6  }
0x8: {  	s21 =	simm.s32 $0x0;
	[smem:$0x7FF] =	sst s0;
	s10 =	smul.u32 $0x32, s12  }
0x9: {  	p0 =	sne.s32 s13, $0x0;
	s11 =	ssub.s32 $0x2, s11;
	s12 =	smul.u32 $0x4800, s12  }
0xa: {  	_ =	strace $0x80000047;
	s17 =	sshrl.u32 s11, $0x1;
	s15 =	sshll.u32 s10, $0x2  }
0xb: {  	s14 =	sshll.u32 s10, $0x7;
	s12 =	sand.u32 $0x7800, s12;
	s15 =	sand.u32 $0x380, s15  }
0xc: {  	s26 =	ssub.s32 s11, s17;
	s14 =	sand.u32 $0x38000, s14;
	s16 =	sor.u32 s12, s15  }
0xd: {  	s17 =	sshrl.u32 @!p0 s8, $0x3;
	s12 =	sor.u32 s12, s14;
	s14 =	sor.u32 s14, s16  }
0xe: {  	s12 =	sor.u32 s15, s12;
	s15 =	sshrl.u32 @!p0 s5, $0x3;
	s16 =	sshrl.u32 @!p0 s7, $0x3  }
0xf: {  	s28 =	sshrl.u32 s14, $0x3;
	s29 =	sadd.s32 $0x38000, s12;
	s30 =	sadd.s32 $0x70000, s12  }
0x10: {  	s11 =	sadd.s32 s3, s28;
	s14 =	sshrl.u32 s29, $0x3;
	s31 =	sshrl.u32 s30, $0x3  }
0x11: {  	s12 =	sadd.s32 s3, s14;
	s13 =	sadd.s32 s3, s31;
	s14 =	smax.u32 s26, $0x1  }
.LBB2_1:
0x12: {  	s22 =	simm.s32 @!p0 $0x1C01;
	s0 =	rddreg [dreg:$0x0];
	s23 =	simm.s32 @!p0 $0x1  }
0x13: {  	[spmem:s15], [sflag:s22] =	dma.local @!p0 [hbm:s0], $0x3E90  }
0x14: {  	_ =	swait.ge @!p0 [sflag:s23], $0x3E90  }
0x15: {  	[sflag:s23] =	ssyncset.done @!p0 $0x0  }
0x16: {  	[sflag:s23] =	ssyncadd.s32 @!p0 $0xFFFFC170  }
0x17: {  	s0 =	rddreg [dreg:$0x1]  }
0x18: {  	[spmem:s16], [sflag:s22] =	dma.local @!p0 [hbm:s0], $0x3E90  }
0x19: {  	_ =	swait.ge @!p0 [sflag:s23], $0x3E90  }
0x1a: {  	[sflag:s23] =	ssyncset.done @!p0 $0x0  }
0x1b: {  	[sflag:s23] =	ssyncadd.s32 @!p0 $0xFFFFC170  }
0x1c: {  	s0 =	rddreg [dreg:$0x2]  }
0x1d: {  	[spmem:s17], [sflag:s22] =	dma.local @!p0 [hbm:s0], $0x3E90  }
0x1e: {  	_ =	swait.ge @!p0 [sflag:s23], $0x3E90  }
0x1f: {  	[sflag:s23] =	ssyncset.done @!p0 $0x0  }
0x20: {  	s31 =	simm.s32 $0x0;
	[sflag:s23] =	ssyncadd.s32 @!p0 $0xFFFFC170  }
0x21: {  	s24 =	simm.s32 $0x0;
	s25 =	simm.s32 $0x0;
	[bflag:$0x0] =	sbarrier.arrive $0xFFFF  }
0x22: {  	s26 =	simm.s32 $0x0;
	s28 =	simm.s32 $0x1;
	_ =	strace $0x80000048  }
0x23: {  	[tilespmem:s18], [sflag:$0x1] =	stream.linear.gather [hbm4b:s11+s31], $0x80, $0x200038;
	[tilespmem:$0xDED8] =	vst v63  }
0x24: {  	s22 =	simm.s32 $0x32;
	s23 =	simm.s32 $0x0;
	_ =	strace $0x90000048  }
.LBB2_2:
0x25: {  	s30 =	sadd.s32 s10, s24  }
0x26: {  	s31 =	sadd.s32 $0xFFFFFFFF, s24;
	p3 =	seq.s32 s24, $0x0;
	s24 =	sadd.s32 $0x1, s24  }
0x27: {  	p1 =	seq.s32 s24, $0x32  }
0x28: {  	s24 =	simm.s32 @p1 $0x0  }
0x29: {  	s29 =	sshra.s32 s30, $0x1F;
	s6 =	sadd.s32 s10, s24  }
0x2a: {  	s29 =	sshrl.u32 s29, $0x1B;
	s0 =	sshra.s32 s6, $0x1F  }
0x2b: {  	s29 =	sadd.s32 s29, s30;
	s0 =	sshrl.u32 s0, $0x1B  }
0x2c: {  	s1 =	sshra.s32 s29, $0x5;
	s29 =	sand.u32 $0xFFFFFFE0, s29;
	s0 =	sadd.s32 s0, s6  }
0x2d: {  	p5 =	slt.s32 s30, $0x1;
	p2 =	sne.s32 s30, s29;
	s2 =	sand.u32 $0xFFFFFFE0, s0  }
0x2e: {  	p6 =	slt.s32 s6, $0x1;
	p1 =	por !p5, !p2;
	p4 =	sne.s32 s6, s2  }
0x2f: {  	s29 =	simm.s32 $0x1;
	p1 =	por !p1, !p1;
	p2 =	por !p6, !p4  }
0x30: {  	s29 =	simm.s32 @!p1 $0x0;
	s2 =	simm.s32 $0x1;
	p1 =	por !p2, !p2  }
0x31: {  	s30 =	sand.u32 $0x1F, s30;
	s0 =	sshra.s32 s0, $0x5;
	s2 =	simm.s32 @!p1 $0x0  }
0x32: {  	s29 =	ssub.s32 s1, s29;
	s1 =	sand.u32 $0x1F, s6;
	s0 =	ssub.s32 s0, s2  }
0x33: {  	p6 =	sne.s32 s30, s1;
	p5 =	sne.s32 s29, s0  }
0x34: {  	p4 =	sne.s32 s22, $0x1;
	p2 =	por p6, p5  }
0x35: {  	p1 =	por !p4, !p2  }
0x36: {  	p1 =	por !p1, !p1  }
0x37: {  	s31 =	simm.s32 @p3 $0x31;
	s2 =	sshll.u32 @p1 s0, $0xC  }
0x38: {  	s1 =	sshll.u32 @p1 s1, $0xA;
	s0 =	sshll.u32 @p1 s0, $0x7;
	s2 =	sand.u32 @p1 $0xFFFF8000, s2  }
0x39: {  	s9 =	sadd.s32 s10, s31;
	s0 =	sand.u32 @p1 $0x380, s0;
	s1 =	sor.u32 @p1 s1, s2  }
0x3a: {  	_ =	strace @p1 $0x80000049;
	s2 =	sand.u32 @p1 $0x1, s28;
	s0 =	sor.u32 @p1 s0, s1  }
0x3b: {  	s31 =	simm.s32 @p1 $0x0;
	s1 =	sshll.u32 @p1 s2, $0x7;
	s0 =	sshrl.u32 @p1 s0, $0x3  }
0x3c: {  	s2 =	sadd.s32 @p1 $0x1, s2;
	s1 =	sadd.s32 @p1 $0x5DD8, s1;
	s0 =	sadd.s32 @p1 s3, s0  }
0x3d: {  	[tilespmem:s1], [sflag:s2] =	stream.linear.gather @p1 [hbm4b:s0+s31], $0x80, $0x200038;
	[tilespmem:$0xDED8] =	vst v63  }
0x3e: {  	s1 =	sshra.s32 s9, $0x1F  }
0x3f: {  	s0 =	sshrl.u32 s1, $0x1B  }
0x40: {  	s0 =	sadd.s32 s0, s9  }
0x41: {  	s2 =	sand.u32 $0xFFFFFFE0, s0  }
0x42: {  	p5 =	slt.s32 s9, $0x1;
	p6 =	sne.s32 s9, s2  }
0x43: {  	p3 =	por !p5, !p6  }
0x44: {  	s1 =	simm.s32 $0x1;
	p3 =	por !p3, !p3  }
0x45: {  	s0 =	sshra.s32 s0, $0x5;
	s1 =	simm.s32 @!p3 $0x0  }
0x46: {  	s6 =	sand.u32 $0x1F, s9;
	s0 =	ssub.s32 s0, s1  }
0x47: {  	p6 =	sne.s32 s30, s6;
	p4 =	sne.s32 s29, s0  }
0x48: {  	p5 =	seq.s32 s22, $0x32;
	p3 =	por p6, p4  }
0x49: {  	p4 =	por p5, p3  }
0x4a: {  	_ =	strace @p1 $0x90000049;
	s0 =	sand.u32 @p4 $0x1, s26  }
0x4b: {  	s9 =	sshll.u32 s26, $0x7;
	_ =	strace @p4 $0x8000004A;
	s0 =	sadd.s32 @p4 $0x1, s0  }
0x4c: {  	s1 =	sand.u32 $0x80, s9;
	_ =	swait.ge @p4 [sflag:s0], $0x80  }
0x4d: {  	s1 =	sadd.s32 $0x5DD8, s1;
	p6 =	sne.s32 s22, $0x32;
	[sflag:s0] =	ssyncset.done @p4 $0x0  }
0x4e: {  	p5 =	seq.s32 s22, $0x1;
	[sflag:s0] =	ssyncadd.s32 @p4 $0xFFFFFF80;
	s0 =	sand.u32 $0x1, s25  }
0x4f: {  	p3 =	por !p6, !p3;
	_ =	strace @p4 $0x9000004A;
	s31 =	sshll.u32 s0, $0xE  }
0x50: {  	p2 =	por p5, p2;
	_ =	strace $0x8000004B;
	s2 =	sadd.s32 $0x5ED8, s31  }
0x51: {  	[tilespmem:s2], [sflag:$0x5] =	stream.indirect.gather [spmem:s5], $0x80, s1, s19, $0x2000b8;
	[tilespmem:$0xDED8] =	vst v63  }
0x52: {  	s6 =	sshll.u32 @p2 s30, $0xE;
	s1 =	smul.u32 @p2 $0x180000, s29;
	_ =	swait.ge [sflag:s20], $0x4000  }
0x53: {  	s0 =	sadd.s32 @p2 $0x3, s0;
	s29 =	simm.s32 @p2 $0x0;
	[sflag:s20] =	ssyncset.done $0x0  }
0x54: {  	s1 =	sor.u32 @p2 s6, s1;
	s6 =	simm.s32 $0x1;
	[sflag:s20] =	ssyncadd.s32 $0xFFFFC000  }
0x55: {  	s1 =	sshrl.u32 @p2 s1, $0x3;
	s6 =	simm.s32 @!p1 $0x0;
	_ =	strace $0x9000004B  }
0x56: {  	p1 =	por !p3, !p3;
	s1 =	sadd.s32 @p2 s4, s1;
	_ =	strace @p2 $0x8000004C  }
0x57: {  	[hbm4b:s1+s29] =	stream.linear.scatter @p2 [tilespmem:s2], [sflag:s0], $0x4000, $0x200038;
	[tilespmem:$0xDED8] =	vst v63  }
0x58: {  	s22 =	sadd.s32 $0xFFFFFFFF, s22;
	s0 =	simm.s32 $0x1;
	s1 =	sand.u32 @p1 $0x1, s23  }
0x59: {  	_ =	strace @p2 $0x9000004C;
	s0 =	simm.s32 @!p2 $0x0;
	p2 =	sne.s32 s22, $0x0  }
.Ltmp0:
0x5a: {  	s1 =	sadd.s32 @p1 $0x3, s1;
	_ =	strace @p1 $0x8000004D;
	(pc) =	sbr.rel @p2 .LBB2_2-.Ltmp0, $4  }
0x5b: {  	_ =	swait.ge @p1 [sflag:s1], $0x4000  }
0x5c: {  	s28 =	sadd.s32 s6, s28;
	s2 =	simm.s32 $0x1;
	[sflag:s1] =	ssyncset.done @p1 $0x0  }
0x5d: {  	s2 =	simm.s32 @!p1 $0x0;
	s25 =	sadd.s32 s0, s25;
	[sflag:s1] =	ssyncadd.s32 @p1 $0xFFFFC000  }
0x5e: {  	s23 =	sadd.s32 s2, s23;
	s26 =	sadd.s32 s0, s26;
	_ =	strace @p1 $0x9000004D  }
0x5f: {  	s0 =	sand.u32 $0x1, s23  }
0x60: {  	_ =	strace $0x8000004E;
	s0 =	sadd.s32 $0x3, s0  }
0x61: {  	_ =	swait.ge [sflag:s0], $0x4000  }
0x62: {  	[sflag:s0] =	ssyncset.done $0x0  }
0x63: {  	[sflag:s0] =	ssyncadd.s32 $0xFFFFC000  }
0x64: {  	s22 =	simm.s32 $0x0;
	s23 =	simm.s32 $0x1;
	_ =	strace $0x9000004E  }
0x65: {  	s25 =	simm.s32 $0x32;
	s24 =	simm.s32 $0x0;
	_ =	strace $0x8000004F  }
0x66: {  	[tilespmem:s18], [sflag:$0x1] =	stream.linear.gather [hbm4b:s12+s22], $0x80, $0x200038;
	[tilespmem:$0xDED8] =	vst v63  }
0x67: {  	s26 =	simm.s32 $0x0;
	s28 =	simm.s32 $0x0;
	_ =	strace $0x9000004F  }
.LBB2_4:
0x68: {  	s0 =	sadd.s32 s10, s22  }
0x69: {  	s1 =	sadd.s32 $0xFFFFFFFF, s22;
	p3 =	seq.s32 s22, $0x0;
	s22 =	sadd.s32 $0x1, s22  }
0x6a: {  	p1 =	seq.s32 s22, $0x32  }
0x6b: {  	s22 =	simm.s32 @p1 $0x0  }
0x6c: {  	s6 =	sshra.s32 s0, $0x1F;
	s2 =	sadd.s32 s10, s22  }
0x6d: {  	s6 =	sshrl.u32 s6, $0x1B;
	s29 =	sshra.s32 s2, $0x1F  }
0x6e: {  	s6 =	sadd.s32 s6, s0;
	s29 =	sshrl.u32 s29, $0x1B  }
0x6f: {  	s30 =	sshra.s32 s6, $0x5;
	s6 =	sand.u32 $0xFFFFFFE0, s6;
	s31 =	sadd.s32 s29, s2  }
0x70: {  	p5 =	slt.s32 s0, $0x1;
	p2 =	sne.s32 s0, s6;
	s29 =	sand.u32 $0xFFFFFFE0, s31  }
0x71: {  	p6 =	slt.s32 s2, $0x1;
	p1 =	por !p5, !p2;
	p4 =	sne.s32 s2, s29  }
0x72: {  	s6 =	simm.s32 $0x1;
	p1 =	por !p1, !p1;
	p2 =	por !p6, !p4  }
0x73: {  	s9 =	simm.s32 $0x1;
	s6 =	simm.s32 @!p1 $0x0;
	p1 =	por !p2, !p2  }
0x74: {  	s31 =	sshra.s32 s31, $0x5;
	s2 =	sand.u32 $0x1F, s2;
	s9 =	simm.s32 @!p1 $0x0  }
0x75: {  	s29 =	ssub.s32 s30, s6;
	s30 =	sand.u32 $0x1F, s0;
	s0 =	ssub.s32 s31, s9  }
0x76: {  	p6 =	sne.s32 s30, s2;
	p5 =	sne.s32 s29, s0  }
0x77: {  	p4 =	sne.s32 s25, $0x1;
	p2 =	por p6, p5  }
0x78: {  	p1 =	por !p4, !p2  }
0x79: {  	p1 =	por !p1, !p1  }
0x7a: {  	s6 =	sshll.u32 @p1 s0, $0xC  }
0x7b: {  	s2 =	sshll.u32 @p1 s2, $0xA;
	s0 =	sshll.u32 @p1 s0, $0x7;
	s6 =	sand.u32 @p1 $0xFFFF8000, s6  }
0x7c: {  	s1 =	simm.s32 @p3 $0x31;
	s0 =	sand.u32 @p1 $0x380, s0;
	s2 =	sor.u32 @p1 s2, s6  }
0x7d: {  	s1 =	sadd.s32 s10, s1;
	s0 =	sor.u32 @p1 s0, s2  }
0x7e: {  	_ =	strace @p1 $0x80000050;
	s2 =	sand.u32 @p1 $0x1, s23;
	s0 =	sadd.s32 @p1 $0x38000, s0  }
0x7f: {  	s9 =	simm.s32 @p1 $0x0;
	s6 =	sshll.u32 @p1 s2, $0x7;
	s0 =	sshrl.u32 @p1 s0, $0x3  }
0x80: {  	s2 =	sadd.s32 @p1 $0x1, s2;
	s6 =	sadd.s32 @p1 $0x5DD8, s6;
	s0 =	sadd.s32 @p1 s3, s0  }
0x81: {  	[tilespmem:s6], [sflag:s2] =	stream.linear.gather @p1 [hbm4b:s0+s9], $0x80, $0x200038;
	[tilespmem:$0xDED8] =	vst v63  }
0x82: {  	s2 =	sshra.s32 s1, $0x1F  }
0x83: {  	s0 =	sshrl.u32 s2, $0x1B  }
0x84: {  	s0 =	sadd.s32 s0, s1  }
0x85: {  	s6 =	sand.u32 $0xFFFFFFE0, s0  }
0x86: {  	p5 =	slt.s32 s1, $0x1;
	p6 =	sne.s32 s1, s6  }
0x87: {  	p3 =	por !p5, !p6  }
0x88: {  	s2 =	simm.s32 $0x1;
	p3 =	por !p3, !p3  }
0x89: {  	s0 =	sshra.s32 s0, $0x5;
	s2 =	simm.s32 @!p3 $0x0  }
0x8a: {  	s1 =	sand.u32 $0x1F, s1;
	s0 =	ssub.s32 s0, s2  }
0x8b: {  	p6 =	sne.s32 s30, s1;
	p4 =	sne.s32 s29, s0  }
0x8c: {  	p5 =	seq.s32 s25, $0x32;
	p3 =	por p6, p4  }
0x8d: {  	p4 =	por p5, p3  }
0x8e: {  	_ =	strace @p1 $0x90000050;
	s0 =	sand.u32 @p4 $0x1, s28  }
0x8f: {  	s9 =	sshll.u32 s28, $0x7;
	_ =	strace @p4 $0x80000051;
	s0 =	sadd.s32 @p4 $0x1, s0  }
0x90: {  	s1 =	sand.u32 $0x80, s9;
	_ =	swait.ge @p4 [sflag:s0], $0x80  }
0x91: {  	s1 =	sadd.s32 $0x5DD8, s1;
	[sflag:s0] =	ssyncset.done @p4 $0x0  }
0x92: {  	p6 =	sne.s32 s25, $0x32;
	[sflag:s0] =	ssyncadd.s32 @p4 $0xFFFFFF80;
	s0 =	sand.u32 $0x1, s26  }
0x93: {  	p5 =	seq.s32 s25, $0x1;
	_ =	strace @p4 $0x90000051;
	s31 =	sshll.u32 s0, $0xE  }
0x94: {  	p2 =	por p5, p2;
	_ =	strace $0x80000052;
	s2 =	sadd.s32 $0x5ED8, s31  }
0x95: {  	[tilespmem:s2], [sflag:$0x5] =	stream.indirect.gather [spmem:s7], $0x80, s1, s19, $0x2000b8;
	[tilespmem:$0xDED8] =	vst v63  }
0x96: {  	p3 =	por !p6, !p3;
	s1 =	smul.u32 @p2 $0x180000, s29  }
0x97: {  	s6 =	sshll.u32 @p2 s30, $0xE;
	s9 =	simm.s32 @p2 $0x0;
	_ =	swait.ge [sflag:s20], $0x4000  }
0x98: {  	s0 =	sadd.s32 @p2 $0x3, s0;
	[sflag:s20] =	ssyncset.done $0x0;
	s1 =	sor.u32 @p2 s6, s1  }
0x99: {  	s6 =	simm.s32 $0x1;
	[sflag:s20] =	ssyncadd.s32 $0xFFFFC000;
	s1 =	sadd.s32 @p2 $0x80000, s1  }
0x9a: {  	s6 =	simm.s32 @!p1 $0x0;
	_ =	strace $0x90000052;
	s1 =	sshrl.u32 @p2 s1, $0x3  }
0x9b: {  	p1 =	por !p3, !p3;
	_ =	strace @p2 $0x80000053;
	s1 =	sadd.s32 @p2 s4, s1  }
0x9c: {  	[hbm4b:s1+s9] =	stream.linear.scatter @p2 [tilespmem:s2], [sflag:s0], $0x4000, $0x200038;
	[tilespmem:$0xDED8] =	vst v63  }
0x9d: {  	s25 =	sadd.s32 $0xFFFFFFFF, s25;
	s0 =	simm.s32 $0x1;
	s1 =	sand.u32 @p1 $0x1, s24  }
0x9e: {  	_ =	strace @p2 $0x90000053;
	s0 =	simm.s32 @!p2 $0x0;
	p2 =	sne.s32 s25, $0x0  }
.Ltmp1:
0x9f: {  	s1 =	sadd.s32 @p1 $0x3, s1;
	_ =	strace @p1 $0x80000054;
	(pc) =	sbr.rel @p2 .LBB2_4-.Ltmp1, $4  }
0xa0: {  	_ =	swait.ge @p1 [sflag:s1], $0x4000  }
0xa1: {  	s23 =	sadd.s32 s6, s23;
	s2 =	simm.s32 $0x1;
	[sflag:s1] =	ssyncset.done @p1 $0x0  }
0xa2: {  	s2 =	simm.s32 @!p1 $0x0;
	s26 =	sadd.s32 s0, s26;
	[sflag:s1] =	ssyncadd.s32 @p1 $0xFFFFC000  }
0xa3: {  	s24 =	sadd.s32 s2, s24;
	s28 =	sadd.s32 s0, s28;
	_ =	strace @p1 $0x90000054  }
0xa4: {  	s0 =	sand.u32 $0x1, s24  }
0xa5: {  	_ =	strace $0x80000055;
	s0 =	sadd.s32 $0x3, s0  }
0xa6: {  	_ =	swait.ge [sflag:s0], $0x4000  }
0xa7: {  	[sflag:s0] =	ssyncset.done $0x0  }
0xa8: {  	[sflag:s0] =	ssyncadd.s32 $0xFFFFC000  }
0xa9: {  	s22 =	simm.s32 $0x0;
	s23 =	simm.s32 $0x1;
	_ =	strace $0x90000055  }
0xaa: {  	s25 =	simm.s32 $0x32;
	s24 =	simm.s32 $0x0;
	_ =	strace $0x80000056  }
0xab: {  	[tilespmem:s18], [sflag:$0x1] =	stream.linear.gather [hbm4b:s13+s22], $0x80, $0x200038;
	[tilespmem:$0xDED8] =	vst v63  }
0xac: {  	s26 =	simm.s32 $0x0;
	s28 =	simm.s32 $0x0;
	_ =	strace $0x90000056  }
.LBB2_6:
0xad: {  	s0 =	sadd.s32 s10, s22  }
0xae: {  	s1 =	sadd.s32 $0xFFFFFFFF, s22;
	p3 =	seq.s32 s22, $0x0;
	s22 =	sadd.s32 $0x1, s22  }
0xaf: {  	p1 =	seq.s32 s22, $0x32  }
0xb0: {  	s22 =	simm.s32 @p1 $0x0  }
0xb1: {  	s6 =	sshra.s32 s0, $0x1F;
	s2 =	sadd.s32 s10, s22  }
0xb2: {  	s6 =	sshrl.u32 s6, $0x1B;
	s9 =	sshra.s32 s2, $0x1F  }
0xb3: {  	s6 =	sadd.s32 s6, s0;
	s9 =	sshrl.u32 s9, $0x1B  }
0xb4: {  	s29 =	sshra.s32 s6, $0x5;
	s6 =	sand.u32 $0xFFFFFFE0, s6;
	s9 =	sadd.s32 s9, s2  }
0xb5: {  	p5 =	slt.s32 s0, $0x1;
	p2 =	sne.s32 s0, s6;
	s31 =	sand.u32 $0xFFFFFFE0, s9  }
0xb6: {  	p6 =	slt.s32 s2, $0x1;
	p1 =	por !p5, !p2;
	p4 =	sne.s32 s2, s31  }
0xb7: {  	s6 =	simm.s32 $0x1;
	p1 =	por !p1, !p1;
	p2 =	por !p6, !p4  }
0xb8: {  	s6 =	simm.s32 @!p1 $0x0;
	s31 =	simm.s32 $0x1;
	p1 =	por !p2, !p2  }
0xb9: {  	s30 =	sand.u32 $0x1F, s0;
	s9 =	sshra.s32 s9, $0x5;
	s31 =	simm.s32 @!p1 $0x0  }
0xba: {  	s2 =	sand.u32 $0x1F, s2;
	s29 =	ssub.s32 s29, s6;
	s0 =	ssub.s32 s9, s31  }
0xbb: {  	p6 =	sne.s32 s30, s2;
	p5 =	sne.s32 s29, s0  }
0xbc: {  	p4 =	sne.s32 s25, $0x1;
	p2 =	por p6, p5  }
0xbd: {  	p1 =	por !p4, !p2  }
0xbe: {  	p1 =	por !p1, !p1  }
0xbf: {  	s6 =	sshll.u32 @p1 s0, $0xC  }
0xc0: {  	s2 =	sshll.u32 @p1 s2, $0xA;
	s0 =	sshll.u32 @p1 s0, $0x7;
	s6 =	sand.u32 @p1 $0xFFFF8000, s6  }
0xc1: {  	s1 =	simm.s32 @p3 $0x31;
	s0 =	sand.u32 @p1 $0x380, s0;
	s2 =	sor.u32 @p1 s2, s6  }
0xc2: {  	s1 =	sadd.s32 s10, s1;
	s0 =	sor.u32 @p1 s0, s2  }
0xc3: {  	_ =	strace @p1 $0x80000057;
	s2 =	sand.u32 @p1 $0x1, s23;
	s0 =	sadd.s32 @p1 $0x70000, s0  }
0xc4: {  	s9 =	simm.s32 @p1 $0x0;
	s6 =	sshll.u32 @p1 s2, $0x7;
	s0 =	sshrl.u32 @p1 s0, $0x3  }
0xc5: {  	s2 =	sadd.s32 @p1 $0x1, s2;
	s6 =	sadd.s32 @p1 $0x5DD8, s6;
	s0 =	sadd.s32 @p1 s3, s0  }
0xc6: {  	[tilespmem:s6], [sflag:s2] =	stream.linear.gather @p1 [hbm4b:s0+s9], $0x80, $0x200038;
	[tilespmem:$0xDED8] =	vst v63  }
0xc7: {  	s2 =	sshra.s32 s1, $0x1F  }
0xc8: {  	s0 =	sshrl.u32 s2, $0x1B  }
0xc9: {  	s0 =	sadd.s32 s0, s1  }
0xca: {  	s6 =	sand.u32 $0xFFFFFFE0, s0  }
0xcb: {  	p5 =	slt.s32 s1, $0x1;
	p6 =	sne.s32 s1, s6  }
0xcc: {  	p3 =	por !p5, !p6  }
0xcd: {  	s2 =	simm.s32 $0x1;
	p3 =	por !p3, !p3  }
0xce: {  	s0 =	sshra.s32 s0, $0x5;
	s2 =	simm.s32 @!p3 $0x0  }
0xcf: {  	s1 =	sand.u32 $0x1F, s1;
	s0 =	ssub.s32 s0, s2  }
0xd0: {  	p6 =	sne.s32 s30, s1;
	p4 =	sne.s32 s29, s0  }
0xd1: {  	p5 =	seq.s32 s25, $0x32;
	p3 =	por p6, p4  }
0xd2: {  	p4 =	por p5, p3  }
0xd3: {  	_ =	strace @p1 $0x90000057;
	s0 =	sand.u32 @p4 $0x1, s28  }
0xd4: {  	s9 =	sshll.u32 s28, $0x7;
	_ =	strace @p4 $0x80000058;
	s0 =	sadd.s32 @p4 $0x1, s0  }
0xd5: {  	s1 =	sand.u32 $0x80, s9;
	_ =	swait.ge @p4 [sflag:s0], $0x80  }
0xd6: {  	s1 =	sadd.s32 $0x5DD8, s1;
	[sflag:s0] =	ssyncset.done @p4 $0x0  }
0xd7: {  	p6 =	sne.s32 s25, $0x32;
	[sflag:s0] =	ssyncadd.s32 @p4 $0xFFFFFF80;
	s0 =	sand.u32 $0x1, s26  }
0xd8: {  	p5 =	seq.s32 s25, $0x1;
	_ =	strace @p4 $0x90000058;
	s31 =	sshll.u32 s0, $0xE  }
0xd9: {  	p2 =	por p5, p2;
	_ =	strace $0x80000059;
	s2 =	sadd.s32 $0x5ED8, s31  }
0xda: {  	[tilespmem:s2], [sflag:$0x5] =	stream.indirect.gather [spmem:s8], $0x80, s1, s19, $0x2000b8;
	[tilespmem:$0xDED8] =	vst v63  }
0xdb: {  	p3 =	por !p6, !p3;
	s1 =	smul.u32 @p2 $0x180000, s29  }
0xdc: {  	s6 =	sshll.u32 @p2 s30, $0xE;
	s9 =	simm.s32 @p2 $0x0;
	_ =	swait.ge [sflag:s20], $0x4000  }
0xdd: {  	s0 =	sadd.s32 @p2 $0x3, s0;
	[sflag:s20] =	ssyncset.done $0x0;
	s1 =	sor.u32 @p2 s6, s1  }
0xde: {  	s6 =	simm.s32 $0x1;
	[sflag:s20] =	ssyncadd.s32 $0xFFFFC000;
	s1 =	sadd.s32 @p2 $0x100000, s1  }
0xdf: {  	s6 =	simm.s32 @!p1 $0x0;
	_ =	strace $0x90000059;
	s1 =	sshrl.u32 @p2 s1, $0x3  }
0xe0: {  	p1 =	por !p3, !p3;
	_ =	strace @p2 $0x8000005A;
	s1 =	sadd.s32 @p2 s4, s1  }
0xe1: {  	[hbm4b:s1+s9] =	stream.linear.scatter @p2 [tilespmem:s2], [sflag:s0], $0x4000, $0x200038;
	[tilespmem:$0xDED8] =	vst v63  }
0xe2: {  	s25 =	sadd.s32 $0xFFFFFFFF, s25;
	s0 =	simm.s32 $0x1;
	s1 =	sand.u32 @p1 $0x1, s24  }
0xe3: {  	_ =	strace @p2 $0x9000005A;
	s0 =	simm.s32 @!p2 $0x0;
	p2 =	sne.s32 s25, $0x0  }
.Ltmp2:
0xe4: {  	s1 =	sadd.s32 @p1 $0x3, s1;
	_ =	strace @p1 $0x8000005B;
	(pc) =	sbr.rel @p2 .LBB2_6-.Ltmp2, $4  }
0xe5: {  	_ =	swait.ge @p1 [sflag:s1], $0x4000  }
0xe6: {  	s23 =	sadd.s32 s6, s23;
	s2 =	simm.s32 $0x1;
	[sflag:s1] =	ssyncset.done @p1 $0x0  }
0xe7: {  	s2 =	simm.s32 @!p1 $0x0;
	s26 =	sadd.s32 s0, s26;
	[sflag:s1] =	ssyncadd.s32 @p1 $0xFFFFC000  }
0xe8: {  	s24 =	sadd.s32 s2, s24;
	s28 =	sadd.s32 s0, s28;
	_ =	strace @p1 $0x9000005B  }
0xe9: {  	s21 =	sadd.s32 $0x1, s21  }
0xea: {  	s0 =	sand.u32 $0x1, s24;
	p1 =	sne.s32 s21, s14  }
.Ltmp3:
0xeb: {  	_ =	strace $0x8000005C;
	s0 =	sadd.s32 $0x3, s0;
	(pc) =	sbr.rel @p1 .LBB2_1-.Ltmp3, $4  }
0xec: {  	_ =	swait.ge [sflag:s0], $0x4000  }
0xed: {  	[sflag:s0] =	ssyncset.done $0x0  }
0xee: {  	[sflag:s0] =	ssyncadd.s32 $0xFFFFC000  }
0xef: {  	_ =	strace $0x9000005C  }
0xf0: {  	_ =	sfence.sel $0x180000  }
0xf1: {  	[bflag:$0x0] =	sbarrier.arrive $0xFFFF  }
0xf2: {  	_ =	strace $0x90000047  }
0xf3: {  	[bflag:$0x2] =	sbarrier.arrive $0xFFFF  }
0xf4: {  	s0 =	rddreg [dreg:$0x8]  }
0xf5: {  	s0 =	sadd.s32 @!p0 $0x100000, s0  }
0xf6: {  	[sflag:s0] =	ssyncadd.tile.s32 @!p0 $0x1;
	_ =	shalt  }
.Lfunc_end2:
_tile_overlayer_lowered:
.L_overlay_start_2:
0xf7: {  	(tag) =	ssettag $0x2  }
0xf8: {  	s0 =	rddreg [dreg:$0x0];
	s2 =	stileid.u32  }
0xf9: {  	s1 =	rddreg [dreg:$0x1];
	p0 =	sne.s32 s2, $0x0  }
0xfa: {  	s3 =	rddreg [dreg:$0x2];
	[bflag:$0x3] =	sbarrier.arrive $0xFFFF;
	s2 =	simm.s32 @!p0 $0x1C01  }
0xfb: {  	[timem:s3], [sflag:s2] =	dma.local @!p0 [hbm:s0], s1  }
0xfc: {  	s0 =	simm.s32 @!p0 $0x1  }
0xfd: {  	_ =	swait.ge @!p0 [sflag:s0], s1  }
0xfe: {  	s1 =	ssub.s32 @!p0 $0x0, s1;
	[sflag:s0] =	ssyncset.done @!p0 $0x0  }
0xff: {  	[sflag:s0] =	ssyncadd.s32 @!p0 s1  }
0x100: {  	[bflag:$0x3] =	sbarrier.arrive $0xFFFF  }
0x101: {  	_ =	shalt  }

</sc_bundles>
